<compile_context>
chip_gen: v7x
topology: tpu7x:2x2x1
jax: 0.10.2.dev20260603
libtpu: 0.0.44.dev20260713+nightly
codegen_flags: <defaults>
</compile_context>

<pallas_src>
import functools

import jax
import jax.numpy as jnp
from jax import lax
from jax.experimental import pallas as pl
from jax.experimental.pallas import tpu as pltpu
from jax.experimental.pallas import tpu_sc as plsc

_R2 = 0.2 * 0.2
_K = 64


def _fps_body(n, m, px_ref, py_ref, pz_ref, sx_ref, sy_ref, sz_ref,
              idx_ref, qx_ref, qy_ref, qz_ref, dists_ref, flat_ref):
    shp = (px_ref.shape[0], px_ref.shape[1])
    flat = (jax.lax.broadcasted_iota(jnp.int32, shp, 0) * shp[1]
            + jax.lax.broadcasted_iota(jnp.int32, shp, 1))
    flat_ref[...] = flat.astype(jnp.float32)
    dists_ref[...] = jnp.where(flat < n, jnp.inf, -1.0)

    def body(i, carry):
        d = dists_ref[...]
        colmax = jnp.max(d, axis=0, keepdims=True)
        laneidx = jnp.min(
            jnp.where(d == colmax, flat_ref[...], 3e8), axis=0, keepdims=True)
        mx = jnp.max(colmax, axis=1, keepdims=True)
        nxt = jnp.min(jnp.where(colmax == mx, laneidx, 3e8)).astype(jnp.int32)
        qx = sx_ref[nxt]
        qy = sy_ref[nxt]
        qz = sz_ref[nxt]
        idx_ref[i] = nxt
        qx_ref[i] = qx
        qy_ref[i] = qy
        qz_ref[i] = qz
        dx = px_ref[...] - qx
        dy = py_ref[...] - qy
        dz = pz_ref[...] - qz
        dn = dx * dx + dy * dy + dz * dz
        dists_ref[...] = jnp.minimum(d, dn)
        return carry

    jax.lax.fori_loop(0, m, body, 0)


def _fps(pos, n, m, rows):
    npad = rows * 128
    pt = jnp.zeros((3, npad), jnp.float32).at[:, :n].set(pos.T)
    px = pt[0].reshape(rows, 128)
    py = pt[1].reshape(rows, 128)
    pz = pt[2].reshape(rows, 128)
    idx, qx, qy, qz = pl.pallas_call(
        functools.partial(_fps_body, n, m),
        in_specs=[pl.BlockSpec(memory_space=pltpu.VMEM)] * 3
        + [pl.BlockSpec(memory_space=pltpu.SMEM)] * 3,
        out_shape=[
            jax.ShapeDtypeStruct((m,), jnp.int32),
            jax.ShapeDtypeStruct((m,), jnp.float32),
            jax.ShapeDtypeStruct((m,), jnp.float32),
            jax.ShapeDtypeStruct((m,), jnp.float32),
        ],
        out_specs=[pl.BlockSpec(memory_space=pltpu.SMEM)] * 4,
        scratch_shapes=[
            pltpu.VMEM((rows, 128), jnp.float32),
            pltpu.VMEM((rows, 128), jnp.float32),
        ],
    )(px, py, pz, pt[0], pt[1], pt[2])
    return idx, jnp.stack([qx, qy, qz], axis=1)


def _sc_select(pxp, pyp, pzp, qxp, qyp, qzp, npad, mp):
    nw = 32
    rpw = mp // nw
    nv = npad // 16
    nbuck = 18
    r2 = jnp.float32(_R2)
    scale = jnp.float32(16.0 / _R2)
    mesh = plsc.VectorSubcoreMesh(core_axis_name="c", subcore_axis_name="s")

    @functools.partial(
        pl.kernel,
        mesh=mesh,
        compiler_params=pltpu.CompilerParams(needs_layout_passes=False),
        out_type=[
            jax.ShapeDtypeStruct((nw, rpw * _K), jnp.int32),
            jax.ShapeDtypeStruct((nw, rpw * _K), jnp.float32),
            jax.ShapeDtypeStruct((mp, _K, 8), jnp.float32),
        ],
        scratch_types=[
            pltpu.VMEM((npad,), jnp.float32),
            pltpu.VMEM((npad,), jnp.float32),
            pltpu.VMEM((npad,), jnp.float32),
            pltpu.VMEM((npad,), jnp.float32),
            pltpu.VMEM((npad,), jnp.float32),
            pltpu.VMEM((npad,), jnp.float32),
            pltpu.VMEM((mp,), jnp.float32),
            pltpu.VMEM((mp,), jnp.float32),
            pltpu.VMEM((mp,), jnp.float32),
            pltpu.VMEM((npad,), jnp.float32),
            pltpu.VMEM((npad,), jnp.int32),
            pltpu.VMEM((npad,), jnp.float32),
            pltpu.VMEM((npad,), jnp.int32),
            pltpu.VMEM((nbuck * 16,), jnp.int32),
            pltpu.VMEM((rpw * _K,), jnp.int32),
            pltpu.VMEM((rpw * _K,), jnp.float32),
            pltpu.VMEM((_K, 8), jnp.float32),
            pltpu.SemaphoreType.DMA,
        ],
    )
    def k(px_hbm, py_hbm, pz_hbm, qx_hbm, qy_hbm, qz_hbm,
          nbr_hbm, val_hbm, rel_hbm,
          sqx, sqy, sqz, pxv, pyv, pzv, qxv, qyv, qzv, cd2, cidx, bd2, bidx,
          hist, oidx, oval, relb, sem):
        wid = lax.axis_index("s") * 2 + (1 - lax.axis_index("c"))
        rbase = wid * rpw
        pltpu.sync_copy(px_hbm, pxv)
        pltpu.sync_copy(py_hbm, pyv)
        pltpu.sync_copy(pz_hbm, pzv)
        pltpu.sync_copy(qx_hbm, qxv)
        pltpu.sync_copy(qy_hbm, qyv)
        pltpu.sync_copy(qz_hbm, qzv)

        iota = lax.iota(jnp.int32, 16)
        ones = jnp.ones((16,), jnp.int32)
        zerosf = jnp.zeros((16,), jnp.float32)
        inf16 = jnp.full((16,), jnp.inf, jnp.float32)
        big = jnp.full((16,), jnp.int32(2**30))

        def row_fn(r, _):
            grow = r * nw + wid
            rsplat = jnp.full((16,), grow, jnp.int32)
            qx = plsc.load_gather(qxv, [rsplat])
            qy = plsc.load_gather(qyv, [rsplat])
            qz = plsc.load_gather(qzv, [rsplat])
            obase = r * _K

            for kk in range(nbuck):
                hist[pl.ds(kk * 16, 16)] = jnp.zeros((16,), jnp.int32)
            for kk in range(_K // 16):
                oidx[pl.ds(obase + kk * 16, 16)] = jnp.zeros((16,), jnp.int32)

            @plsc.parallel_loop(0, nv * 16, step=16, unroll=4)
            def passa(base16):
                dx = pxv[pl.ds(base16, 16)] - qx
                dy = pyv[pl.ds(base16, 16)] - qy
                dz = pzv[pl.ds(base16, 16)] - qz
                sqx[pl.ds(base16, 16)] = dx * dx
                sqy[pl.ds(base16, 16)] = dy * dy
                sqz[pl.ds(base16, 16)] = dz * dz

            @plsc.parallel_loop(0, nv * 16, step=16, unroll=4,
                                carry=jnp.zeros((16,), jnp.int32))
            def scan1(base16, off):
                lanei = base16 + iota
                d2 = (sqx[pl.ds(base16, 16)] + sqy[pl.ds(base16, 16)]
                      ) + sqz[pl.ds(base16, 16)]
                msk = d2 <= r2
                pc = plsc.cumsum(msk.astype(jnp.int32))
                dest = off + pc - 1
                plsc.store_scatter(cd2, [dest], d2, mask=msk)
                plsc.store_scatter(cidx, [dest], lanei, mask=msk)
                b = jnp.minimum((d2 * scale).astype(jnp.int32), 16)
                plsc.addupdate_scatter(hist, [b * 16 + iota], ones, mask=msk)
                return off + plsc.all_reduce_population_count(msk)

            offv = scan1
            v = jnp.max(offv)
            nval = jnp.minimum(v, _K)

            for kk in range(_K // 16):
                lane = kk * 16 + iota
                oval[pl.ds(obase + kk * 16, 16)] = jnp.where(
                    lane < nval, 1.0, 0.0).astype(jnp.float32)

            @pl.when(v <= _K)
            def _small():
                def cpy(j, _2):
                    lane = j * 16 + iota
                    m = lane < v
                    idxv = cidx[pl.ds(j * 16, 16)]
                    plsc.store_scatter(oidx, [obase + lane], idxv, mask=m)
                    return 0
                lax.fori_loop(0, _K // 16, cpy, 0)

            @pl.when(v > _K)
            def _large():
                ncv = (v + 15) // 16
                cum = jnp.int32(0)
                bb = jnp.int32(-1)
                cbelow = jnp.int32(0)
                for kk in range(nbuck - 1):
                    t = jnp.sum(hist[pl.ds(kk * 16, 16)])
                    newcum = cum + t
                    hit = (bb < 0) & (newcum >= _K)
                    cbelow = jnp.where(hit, cum, cbelow)
                    bb = jnp.where(hit, kk, bb)
                    cum = newcum

                def scan2(base2, carry):
                    no, nb = carry
                    j = base2 // 16
                    lane = base2 + iota
                    lm = lane < v
                    d2 = cd2[pl.ds(j * 16, 16)]
                    idxv = cidx[pl.ds(j * 16, 16)]
                    b = jnp.minimum((d2 * scale).astype(jnp.int32), 16)
                    selm = (b < bb) & lm
                    pc = plsc.cumsum(selm.astype(jnp.int32))
                    plsc.store_scatter(oidx, [obase + no + pc - 1], idxv, mask=selm)
                    no = no + plsc.all_reduce_population_count(selm)
                    bm = (b == bb) & lm
                    pcb = plsc.cumsum(bm.astype(jnp.int32))
                    plsc.store_scatter(bd2, [nb + pcb - 1], d2, mask=bm)
                    plsc.store_scatter(bidx, [nb + pcb - 1], idxv, mask=bm)
                    nb = nb + plsc.all_reduce_population_count(bm)
                    return (no, nb)

                _, nbv = plsc.parallel_loop(
                    0, ncv * 16, step=16, unroll=2,
                    carry=(jnp.zeros((16,), jnp.int32),
                           jnp.zeros((16,), jnp.int32)))(scan2)
                nb = jnp.max(nbv)
                nbw = (nb + 15) // 16
                kprime = _K - cbelow

                def extract(t, _2):
                    def m1(j, mn):
                        lm = j * 16 + iota < nb
                        d2 = bd2[pl.ds(j * 16, 16)]
                        return jnp.minimum(mn, jnp.where(lm, d2, inf16))
                    mn = jnp.min(lax.fori_loop(0, nbw, m1, inf16))

                    def m2(j, mi):
                        lm = j * 16 + iota < nb
                        d2 = bd2[pl.ds(j * 16, 16)]
                        idxv = bidx[pl.ds(j * 16, 16)]
                        return jnp.minimum(
                            mi, jnp.where(lm & (d2 == mn), idxv, big))
                    mni = jnp.min(lax.fori_loop(0, nbw, m2, big))

                    def m3(j, _3):
                        lane = j * 16 + iota
                        lm = lane < nb
                        d2 = bd2[pl.ds(j * 16, 16)]
                        idxv = bidx[pl.ds(j * 16, 16)]
                        wm = lm & (d2 == mn) & (idxv == mni)
                        plsc.store_scatter(bd2, [lane], inf16, mask=wm)
                        return 0
                    lax.fori_loop(0, nbw, m3, 0)

                    plsc.store_scatter(
                        oidx, [jnp.full((16,), obase + cbelow + t, jnp.int32)],
                        jnp.full((16,), mni, jnp.int32), mask=iota == 0)
                    return 0

                lax.fori_loop(0, kprime, extract, 0)

            def relk(kk, _2):
                lane16 = kk * 16 + iota
                sel = plsc.load_gather(oidx, [obase + lane16])
                gx = plsc.load_gather(pxv, [sel]) - qx
                gy = plsc.load_gather(pyv, [sel]) - qy
                gz = plsc.load_gather(pzv, [sel]) - qz
                plsc.store_scatter(relb, [lane16, jnp.zeros((16,), jnp.int32)], gx)
                plsc.store_scatter(relb, [lane16, ones], gy)
                plsc.store_scatter(relb, [lane16, ones + ones], gz)
                for cc in range(3, 8):
                    plsc.store_scatter(
                        relb, [lane16, jnp.full((16,), cc, jnp.int32)], zerosf)
                return 0

            lax.fori_loop(0, _K // 16, relk, 0)
            pltpu.sync_copy(relb, rel_hbm.at[grow])
            return 0

        lax.fori_loop(0, rpw, row_fn, 0)
        pltpu.sync_copy(oidx, nbr_hbm.at[wid])
        pltpu.sync_copy(oval, val_hbm.at[wid])

    return k(pxp, pyp, pzp, qxp, qyp, qzp)


def _sc_gather(x, idx_flat):
    n, d = x.shape
    b = idx_flat.shape[0]
    nw = 32
    bpw = b // nw
    nchunk = bpw // 128
    mesh = plsc.VectorSubcoreMesh(core_axis_name="c", subcore_axis_name="s")

    @functools.partial(
        pl.kernel,
        mesh=mesh,
        out_type=jax.ShapeDtypeStruct((b, d), jnp.float32),
        scratch_types=[
            pltpu.VMEM((nchunk, 128), jnp.int32),
            pltpu.VMEM((128, d), jnp.float32),
            pltpu.VMEM((128, d), jnp.float32),
            pltpu.SemaphoreType.DMA,
            pltpu.SemaphoreType.DMA,
        ],
    )
    def k(x_hbm, idx_hbm, out_hbm, idx_v, buf0, buf1, sem0, sem1):
        wid = lax.axis_index("s") * 2 + lax.axis_index("c")
        base = wid * bpw
        pltpu.sync_copy(idx_hbm.at[wid], idx_v)
        pltpu.async_copy(x_hbm.at[idx_v.at[0]], buf0, sem0)

        def body(j, _):
            c = j * 2
            pltpu.async_copy(x_hbm.at[idx_v.at[c + 1]], buf1, sem1)
            pltpu.make_async_copy(x_hbm.at[idx_v.at[c]], buf0, sem0).wait()
            pltpu.sync_copy(buf0, out_hbm.at[pl.ds(base + c * 128, 128)])

            @pl.when(c + 2 < nchunk)
            def _():
                pltpu.async_copy(x_hbm.at[idx_v.at[c + 2]], buf0, sem0)

            pltpu.make_async_copy(x_hbm.at[idx_v.at[c + 1]], buf1, sem1).wait()
            pltpu.sync_copy(buf1, out_hbm.at[pl.ds(base + (c + 1) * 128, 128)])
            return 0

        lax.fori_loop(0, nchunk // 2, body, 0)

    return k(x, idx_flat.reshape(nw, nchunk, 128))


def _xw_body(x_ref, w_ref, out_ref):
    out_ref[...] = jnp.dot(x_ref[...], w_ref[...],
                           preferred_element_type=jnp.float32)


def _xw(x, w1x):
    n, f = x.shape
    blk = 1000
    return pl.pallas_call(
        _xw_body,
        grid=(n // blk,),
        in_specs=[
            pl.BlockSpec((blk, f), lambda i: (i, 0)),
            pl.BlockSpec((f, 128), lambda i: (0, 0)),
        ],
        out_specs=pl.BlockSpec((blk, 128), lambda i: (i, 0)),
        out_shape=jax.ShapeDtypeStruct((n, 128), jnp.float32),
    )(x, w1x)


def _mlp_body(blkc, xj_ref, rel_ref, vf_ref, w1r_ref, b1_ref,
              w2_ref, b2_ref, w3_ref, b3_ref, out_ref):
    h1 = jnp.maximum(
        xj_ref[...]
        + jnp.dot(rel_ref[...], w1r_ref[...],
                  preferred_element_type=jnp.float32)
        + b1_ref[...], 0.0)
    h2 = jnp.maximum(
        jnp.dot(h1, w2_ref[...], preferred_element_type=jnp.float32)
        + b2_ref[...], 0.0)
    h3 = jnp.maximum(
        jnp.dot(h2, w3_ref[...], preferred_element_type=jnp.float32)
        + b3_ref[...], 0.0)
    h3r = h3.reshape(blkc, _K, h3.shape[-1])
    v = vf_ref[...]
    h3m = jnp.where(v[:, :, None] > 0, h3r, -1.0)
    r = jnp.max(h3m, axis=1)
    out_ref[...] = jnp.where(r < 0, 0.0, r)


def _mlp(xj, rel8, validf, W1r8, b1, W2, b2, W3, b3, mp):
    blkc = 64
    grid = mp // blkc
    h3w = W3.shape[1]
    f = xj.shape[1]
    return pl.pallas_call(
        functools.partial(_mlp_body, blkc),
        grid=(grid,),
        in_specs=[
            pl.BlockSpec((blkc * _K, f), lambda i: (i, 0)),
            pl.BlockSpec((blkc * _K, 8), lambda i: (i, 0)),
            pl.BlockSpec((blkc, _K), lambda i: (i, 0)),
            pl.BlockSpec((8, 128), lambda i: (0, 0)),
            pl.BlockSpec((1, 128), lambda i: (0, 0)),
            pl.BlockSpec((128, 128), lambda i: (0, 0)),
            pl.BlockSpec((1, 128), lambda i: (0, 0)),
            pl.BlockSpec((128, 256), lambda i: (0, 0)),
            pl.BlockSpec((1, 256), lambda i: (0, 0)),
        ],
        out_specs=pl.BlockSpec((blkc, h3w), lambda i: (i, 0)),
        out_shape=jax.ShapeDtypeStruct((mp, h3w), jnp.float32),
    )(xj, rel8, validf, W1r8, b1, W2, b2, W3, b3)


def kernel(x, pos, batch, W1, b1, W2, b2, W3, b3):
    n, f = x.shape
    m = int(round(n * 0.25))
    rows = (n + 1023) // 1024 * 8
    idx, pos_q = _fps(pos, n, m, rows)

    mp = 2560
    npad = rows * 128
    pad = jnp.float32(1e3)
    pxp = jnp.full((npad,), pad, jnp.float32).at[:n].set(pos[:, 0])
    pyp = jnp.full((npad,), pad, jnp.float32).at[:n].set(pos[:, 1])
    pzp = jnp.full((npad,), pad, jnp.float32).at[:n].set(pos[:, 2])
    qxp = jnp.full((mp,), pad, jnp.float32).at[:m].set(pos_q[:, 0])
    qyp = jnp.full((mp,), pad, jnp.float32).at[:m].set(pos_q[:, 1])
    qzp = jnp.full((mp,), pad, jnp.float32).at[:m].set(pos_q[:, 2])
    nbr32, val32, rel = _sc_select(pxp, pyp, pzp, qxp, qyp, qzp, npad, mp)

    u = _xw(x, W1[:f])
    nbr_g = nbr32.reshape(32, mp // 32, _K).transpose(1, 0, 2)
    uj = _sc_gather(u, nbr_g.reshape(-1))
    rel8 = rel.reshape(mp * _K, 8)
    validf = val32.reshape(32, mp // 32, _K).transpose(1, 0, 2).reshape(mp, _K)
    w1r8 = jnp.zeros((8, 128), jnp.float32).at[:3, :].set(W1[f:f + 3])

    out = _mlp(uj, rel8, validf, w1r8, b1[None, :], W2, b2[None, :],
               W3, b3[None, :], mp)
    return (out[:m], pos_q, batch[idx])

# --- scband reference (transcript-rebuilt; emitter-appended) ---
"""Pipeline reference for scband-samodule-34686155883118 (READ-ONLY COPY).

The authoritative reference and input builder live on the scoring server;
editing this copy changes nothing except your own understanding.
"""

import jax, jax.numpy as jnp
import numpy as np

RATIO = 0.25
R = 0.2
MAX_NBRS = 64


def fps(pos, m):
    # farthest point sampling, deterministic start at index 0
    dists = jnp.sum((pos - pos[0]) ** 2, axis=-1)
    idxs = jnp.zeros((m,), dtype=jnp.int32)

    def body(i, state):
        dists, idxs = state
        nxt = jnp.argmax(dists).astype(jnp.int32)
        idxs = idxs.at[i].set(nxt)
        d = jnp.sum((pos - pos[nxt]) ** 2, axis=-1)
        dists = jnp.minimum(dists, d)
        return (dists, idxs)

    _, idxs = jax.lax.fori_loop(1, m, body, (dists, idxs))
    return idxs


def setup_inputs(seed: int = 0):
    key = jax.random.key(seed)
    ks = jax.random.split(key, 8)
    N, F = 10000, 128
    H1, H2, H3 = 128, 128, 256
    x = jax.random.normal(ks[0], (N, F), dtype=jnp.float32)
    pos = jax.random.uniform(ks[1], (N, 3), dtype=jnp.float32)
    batch = jnp.zeros((N,), dtype=jnp.int32)
    W1 = jax.random.normal(ks[2], (F + 3, H1), dtype=jnp.float32) * (1.0 / np.sqrt(F + 3))
    b1 = jnp.zeros((H1,), dtype=jnp.float32)
    W2 = jax.random.normal(ks[3], (H1, H2), dtype=jnp.float32) * (1.0 / np.sqrt(H1))
    b2 = jnp.zeros((H2,), dtype=jnp.float32)
    W3 = jax.random.normal(ks[4], (H2, H3), dtype=jnp.float32) * (1.0 / np.sqrt(H2))
    b3 = jnp.zeros((H3,), dtype=jnp.float32)
    return {"x": x, "pos": pos, "batch": batch, "W1": W1, "b1": b1, "W2": W2, "b2": b2, "W3": W3, "b3": b3}


def reference(x, pos, batch, W1, b1, W2, b2, W3, b3):
    # SAModule: fps -> radius (capped at 64 nearest within r) -> PointConv (per-edge MLP + max aggregation)
    n = pos.shape[0]
    m = int(n * RATIO)
    idx = fps(jax.lax.stop_gradient(pos), m)
    pos_q = pos[idx]  # [M, 3]
    d2 = jnp.sum((jax.lax.stop_gradient(pos_q)[:, None, :] - jax.lax.stop_gradient(pos)[None, :, :]) ** 2, axis=-1)  # [M, N]
    within = d2 <= R * R
    d2m = jnp.where(within, d2, jnp.inf)
    vals, nbr = jax.lax.top_k(-d2m, MAX_NBRS)  # [M, K]
    valid = vals > -jnp.inf
    x_j = x[nbr]  # [M, K, F] gather
    rel = pos[nbr] - pos_q[:, None, :]  # [M, K, 3]
    h = jnp.concatenate([x_j, rel], axis=-1)  # [M, K, F+3]  (PointNetConv message: cat([x_j, pos_j - pos_i]))
    h = jax.nn.relu(h @ W1 + b1)
    h = jax.nn.relu(h @ W2 + b2)
    h = jax.nn.relu(h @ W3 + b3)
    h = jnp.where(valid[..., None], h, -jnp.inf)
    out = jnp.max(h, axis=1)  # max aggregation over neighborhood
    out = jnp.where(jnp.isfinite(out), out, 0.0)
    return (out, pos_q, batch[idx])

if __name__ == "__main__":
    import jax
    _d = setup_inputs()
    print(jax.jit(kernel)(*tuple(_d.values())))

</pallas_src>

<mosaic_0001>
#map = affine_map<(d0, d1) -> (0)>
#map1 = affine_map<(d0, d1) -> (0, 0)>
#map2 = affine_map<(d0, d1) -> (0, 0, 0)>
module attributes {stable_mosaic.version = 14 : i64} {
  func.func @_rewritten_body(%arg0: i32, %arg1: i32, %arg2: memref<10240xf32, #tpu.memory_space<hbm>>, %arg3: memref<10240xf32, #tpu.memory_space<hbm>>, %arg4: memref<10240xf32, #tpu.memory_space<hbm>>, %arg5: memref<2560xf32, #tpu.memory_space<hbm>>, %arg6: memref<2560xf32, #tpu.memory_space<hbm>>, %arg7: memref<2560xf32, #tpu.memory_space<hbm>>, %arg8: memref<1xf32, #tpu.memory_space<hbm>>, %arg9: memref<1xf32, #tpu.memory_space<hbm>>, %arg10: memref<32x5120xi32, #tpu.memory_space<hbm>>, %arg11: memref<32x5120xf32, #tpu.memory_space<hbm>>, %arg12: memref<2560x64x8xf32, #tpu.memory_space<hbm>>, %arg13: memref<10240xf32, #tpu.memory_space<vmem>>, %arg14: memref<10240xf32, #tpu.memory_space<vmem>>, %arg15: memref<10240xf32, #tpu.memory_space<vmem>>, %arg16: memref<10240xf32, #tpu.memory_space<vmem>>, %arg17: memref<10240xf32, #tpu.memory_space<vmem>>, %arg18: memref<10240xf32, #tpu.memory_space<vmem>>, %arg19: memref<2560xf32, #tpu.memory_space<vmem>>, %arg20: memref<2560xf32, #tpu.memory_space<vmem>>, %arg21: memref<2560xf32, #tpu.memory_space<vmem>>, %arg22: memref<10240xf32, #tpu.memory_space<vmem>>, %arg23: memref<10240xi32, #tpu.memory_space<vmem>>, %arg24: memref<10240xf32, #tpu.memory_space<vmem>>, %arg25: memref<10240xi32, #tpu.memory_space<vmem>>, %arg26: memref<288xi32, #tpu.memory_space<vmem>>, %arg27: memref<5120xi32, #tpu.memory_space<vmem>>, %arg28: memref<5120xf32, #tpu.memory_space<vmem>>, %arg29: memref<64x8xf32, #tpu.memory_space<vmem>>, %arg30: memref<!tpu.dma_semaphore, #tpu.memory_space<semaphore_mem>>) attributes {dimension_semantics = [#tpu.dimension_semantics<core_parallel>, #tpu.dimension_semantics<subcore_parallel>], iteration_bounds = array<i64: 2, 16>, scalar_prefetch = 0 : i64, scratch_operands = 18 : i64, tpu.core_type = #tpu.core_type<sc_vector_subcore>, window_params = [{transform_indices = #map}, {transform_indices = #map}, {transform_indices = #map}, {transform_indices = #map}, {transform_indices = #map}, {transform_indices = #map}, {transform_indices = #map}, {transform_indices = #map}, {transform_indices = #map1}, {transform_indices = #map1}, {transform_indices = #map2}]} {
    %empty_ref3A = memref.alloca() : memref<16xf32, #tpu.memory_space<vmem>>
    %empty_ref3A_0 = memref.alloca() : memref<16xf32, #tpu.memory_space<vmem>>
    "tpu.region"() ({
      %run_scoped3A = tpu.sem_alloc : memref<!tpu.dma_semaphore, #tpu.memory_space<semaphore_mem>>
      %dma_start3A = arith.constant 0 : i32
      %dma_start3A_23 = tpu.memref_slice %empty_ref3A[%dma_start3A] : memref<16xf32, #tpu.memory_space<vmem>> -> memref<1xf32, #tpu.memory_space<vmem>>
      %dma_start3A_24 = arith.constant 0 : i32
      %dma_start3A_25 = tpu.memref_slice %empty_ref3A[%dma_start3A_24] : memref<16xf32, #tpu.memory_space<vmem>> -> memref<1xf32, #tpu.memory_space<vmem>>
      tpu.enqueue_dma source(%arg8 : memref<1xf32, #tpu.memory_space<hbm>>) target(%dma_start3A_25 : memref<1xf32, #tpu.memory_space<vmem>>) target_semaphore(%run_scoped3A : memref<!tpu.dma_semaphore, #tpu.memory_space<semaphore_mem>>)
      %dma_start3A_26 = arith.constant 0 : i32
      %dma_start3A_27 = tpu.memref_slice %empty_ref3A_0[%dma_start3A_26] : memref<16xf32, #tpu.memory_space<vmem>> -> memref<1xf32, #tpu.memory_space<vmem>>
      %dma_start3A_28 = arith.constant 0 : i32
      %dma_start3A_29 = tpu.memref_slice %empty_ref3A_0[%dma_start3A_28] : memref<16xf32, #tpu.memory_space<vmem>> -> memref<1xf32, #tpu.memory_space<vmem>>
      tpu.enqueue_dma source(%arg9 : memref<1xf32, #tpu.memory_space<hbm>>) target(%dma_start3A_29 : memref<1xf32, #tpu.memory_space<vmem>>) target_semaphore(%run_scoped3A : memref<!tpu.dma_semaphore, #tpu.memory_space<semaphore_mem>>)
      %dma_wait3A = arith.constant 0 : i32
      %dma_wait3A_30 = tpu.memref_slice %empty_ref3A[%dma_wait3A] : memref<16xf32, #tpu.memory_space<vmem>> -> memref<1xf32, #tpu.memory_space<vmem>>
      %dma_wait3A_31 = arith.constant 0 : i32
      %dma_wait3A_32 = tpu.memref_slice %empty_ref3A[%dma_wait3A_31] : memref<16xf32, #tpu.memory_space<vmem>> -> memref<1xf32, #tpu.memory_space<vmem>>
      tpu.wait_dma2 semaphore(%run_scoped3A : memref<!tpu.dma_semaphore, #tpu.memory_space<semaphore_mem>>) src(%arg8 : memref<1xf32, #tpu.memory_space<hbm>>) dst(%dma_wait3A_32 : memref<1xf32, #tpu.memory_space<vmem>>)
      %dma_wait3A_33 = arith.constant 0 : i32
      %dma_wait3A_34 = tpu.memref_slice %empty_ref3A_0[%dma_wait3A_33] : memref<16xf32, #tpu.memory_space<vmem>> -> memref<1xf32, #tpu.memory_space<vmem>>
      %dma_wait3A_35 = arith.constant 0 : i32
      %dma_wait3A_36 = tpu.memref_slice %empty_ref3A_0[%dma_wait3A_35] : memref<16xf32, #tpu.memory_space<vmem>> -> memref<1xf32, #tpu.memory_space<vmem>>
      tpu.wait_dma2 semaphore(%run_scoped3A : memref<!tpu.dma_semaphore, #tpu.memory_space<semaphore_mem>>) src(%arg9 : memref<1xf32, #tpu.memory_space<hbm>>) dst(%dma_wait3A_36 : memref<1xf32, #tpu.memory_space<vmem>>)
      tpu.yield
    }) : () -> ()
    %get3A = arith.constant 0 : index
    %get3A_1 = tpu.vector_load %empty_ref3A[%get3A] {strides = array<i32>} : memref<16xf32, #tpu.memory_space<vmem>>, vector<16xf32>,
    %slice3A = vector.extract_strided_slice %get3A_1 {offsets = [0], sizes = [1], strides = [1]} : vector<16xf32> to vector<1xf32>
    %squeeze3A = vector.extract %slice3A[0] : f32 from vector<1xf32>
    %get3A_2 = arith.constant 0 : index
    %get3A_3 = tpu.vector_load %empty_ref3A_0[%get3A_2] {strides = array<i32>} : memref<16xf32, #tpu.memory_space<vmem>>, vector<16xf32>,
    %slice3A_4 = vector.extract_strided_slice %get3A_3 {offsets = [0], sizes = [1], strides = [1]} : vector<16xf32> to vector<1xf32>
    %squeeze3A_5 = vector.extract %slice3A_4[0] : f32 from vector<1xf32>
    %mul3A = arith.constant 2 : i32
    %mul3A_6 = arith.muli %arg1, %mul3A : i32
    %sub3A = arith.constant 1 : i32
    %sub3A_7 = arith.subi %sub3A, %arg0 : i32
    %add3A = arith.addi %mul3A_6, %sub3A_7 : i32
    %mul3A_8 = arith.constant 80 : i32
    %mul3A_9 = arith.muli %add3A, %mul3A_8 : i32
    "tpu.region"() ({
      %run_scoped3A = tpu.sem_alloc : memref<!tpu.dma_semaphore, #tpu.memory_space<semaphore_mem>>
      tpu.enqueue_dma source(%arg2 : memref<10240xf32, #tpu.memory_space<hbm>>) target(%arg16 : memref<10240xf32, #tpu.memory_space<vmem>>) target_semaphore(%run_scoped3A : memref<!tpu.dma_semaphore, #tpu.memory_space<semaphore_mem>>)
      tpu.wait_dma2 semaphore(%run_scoped3A : memref<!tpu.dma_semaphore, #tpu.memory_space<semaphore_mem>>) src(%arg2 : memref<10240xf32, #tpu.memory_space<hbm>>) dst(%arg16 : memref<10240xf32, #tpu.memory_space<vmem>>)
      tpu.yield
    }) : () -> ()
    "tpu.region"() ({
      %run_scoped3A = tpu.sem_alloc : memref<!tpu.dma_semaphore, #tpu.memory_space<semaphore_mem>>
      tpu.enqueue_dma source(%arg3 : memref<10240xf32, #tpu.memory_space<hbm>>) target(%arg17 : memref<10240xf32, #tpu.memory_space<vmem>>) target_semaphore(%run_scoped3A : memref<!tpu.dma_semaphore, #tpu.memory_space<semaphore_mem>>)
      tpu.wait_dma2 semaphore(%run_scoped3A : memref<!tpu.dma_semaphore, #tpu.memory_space<semaphore_mem>>) src(%arg3 : memref<10240xf32, #tpu.memory_space<hbm>>) dst(%arg17 : memref<10240xf32, #tpu.memory_space<vmem>>)
      tpu.yield
    }) : () -> ()
    "tpu.region"() ({
      %run_scoped3A = tpu.sem_alloc : memref<!tpu.dma_semaphore, #tpu.memory_space<semaphore_mem>>
      tpu.enqueue_dma source(%arg4 : memref<10240xf32, #tpu.memory_space<hbm>>) target(%arg18 : memref<10240xf32, #tpu.memory_space<vmem>>) target_semaphore(%run_scoped3A : memref<!tpu.dma_semaphore, #tpu.memory_space<semaphore_mem>>)
      tpu.wait_dma2 semaphore(%run_scoped3A : memref<!tpu.dma_semaphore, #tpu.memory_space<semaphore_mem>>) src(%arg4 : memref<10240xf32, #tpu.memory_space<hbm>>) dst(%arg18 : memref<10240xf32, #tpu.memory_space<vmem>>)
      tpu.yield
    }) : () -> ()
    "tpu.region"() ({
      %run_scoped3A = tpu.sem_alloc : memref<!tpu.dma_semaphore, #tpu.memory_space<semaphore_mem>>
      tpu.enqueue_dma source(%arg5 : memref<2560xf32, #tpu.memory_space<hbm>>) target(%arg19 : memref<2560xf32, #tpu.memory_space<vmem>>) target_semaphore(%run_scoped3A : memref<!tpu.dma_semaphore, #tpu.memory_space<semaphore_mem>>)
      tpu.wait_dma2 semaphore(%run_scoped3A : memref<!tpu.dma_semaphore, #tpu.memory_space<semaphore_mem>>) src(%arg5 : memref<2560xf32, #tpu.memory_space<hbm>>) dst(%arg19 : memref<2560xf32, #tpu.memory_space<vmem>>)
      tpu.yield
    }) : () -> ()
    "tpu.region"() ({
      %run_scoped3A = tpu.sem_alloc : memref<!tpu.dma_semaphore, #tpu.memory_space<semaphore_mem>>
      tpu.enqueue_dma source(%arg6 : memref<2560xf32, #tpu.memory_space<hbm>>) target(%arg20 : memref<2560xf32, #tpu.memory_space<vmem>>) target_semaphore(%run_scoped3A : memref<!tpu.dma_semaphore, #tpu.memory_space<semaphore_mem>>)
      tpu.wait_dma2 semaphore(%run_scoped3A : memref<!tpu.dma_semaphore, #tpu.memory_space<semaphore_mem>>) src(%arg6 : memref<2560xf32, #tpu.memory_space<hbm>>) dst(%arg20 : memref<2560xf32, #tpu.memory_space<vmem>>)
      tpu.yield
    }) : () -> ()
    "tpu.region"() ({
      %run_scoped3A = tpu.sem_alloc : memref<!tpu.dma_semaphore, #tpu.memory_space<semaphore_mem>>
      tpu.enqueue_dma source(%arg7 : memref<2560xf32, #tpu.memory_space<hbm>>) target(%arg21 : memref<2560xf32, #tpu.memory_space<vmem>>) target_semaphore(%run_scoped3A : memref<!tpu.dma_semaphore, #tpu.memory_space<semaphore_mem>>)
      tpu.wait_dma2 semaphore(%run_scoped3A : memref<!tpu.dma_semaphore, #tpu.memory_space<semaphore_mem>>) src(%arg7 : memref<2560xf32, #tpu.memory_space<hbm>>) dst(%arg21 : memref<2560xf32, #tpu.memory_space<vmem>>)
      tpu.yield
    }) : () -> ()
    %iota3A = tpu.iota {dimensions = array<i32: 0>} : vector<16xi32>
    %broadcast_in_dim3A = arith.constant 1 : i32
    %broadcast_in_dim3A_10 = vector.broadcast %broadcast_in_dim3A : i32 to vector<16xi32>
    %broadcast_in_dim3A_11 = arith.constant 0.000000e+00 : f32
    %broadcast_in_dim3A_12 = vector.broadcast %broadcast_in_dim3A_11 : f32 to vector<16xf32>
    %broadcast_in_dim3A_13 = arith.constant 0x7F800000 : f32
    %broadcast_in_dim3A_14 = vector.broadcast %broadcast_in_dim3A_13 : f32 to vector<16xf32>
    %broadcast_in_dim3A_15 = arith.constant 1073741824 : i32
    %broadcast_in_dim3A_16 = vector.broadcast %broadcast_in_dim3A_15 : i32 to vector<16xi32>
    %scan3A = arith.constant 0 : i32
    %scan3A_17 = arith.constant 0 : i32
    %scan3A_18 = arith.constant 80 : i32
    %scan3A_19 = arith.addi %scan3A_17, %scan3A_18 : i32
    %scan3A_20 = arith.constant 1 : i32
    %scan3A_21 = scf.for %scan3A_23 = %scan3A_17 to %scan3A_19 step %scan3A_20 iter_args(%scan3A_24 = %scan3A) -> (i32)  : i32 {
      %mul3A_25 = arith.constant 32 : i32
      %mul3A_26 = arith.muli %scan3A_23, %mul3A_25 : i32
      %add3A_27 = arith.addi %mul3A_26, %add3A : i32
      %broadcast_in_dim3A_28 = vector.broadcast %add3A_27 : i32 to vector<16xi32>
      %gather3A = tpu.vector_load_idx %arg19[%broadcast_in_dim3A_28] : memref<2560xf32, #tpu.memory_space<vmem>>[vector<16xi32>], vector<16xf32>,
      %gather3A_29 = tpu.vector_load_idx %arg20[%broadcast_in_dim3A_28] : memref<2560xf32, #tpu.memory_space<vmem>>[vector<16xi32>], vector<16xf32>,
      %gather3A_30 = tpu.vector_load_idx %arg21[%broadcast_in_dim3A_28] : memref<2560xf32, #tpu.memory_space<vmem>>[vector<16xi32>], vector<16xf32>,
      %mul3A_31 = arith.constant 64 : i32
      %mul3A_32 = arith.muli %scan3A_23, %mul3A_31 : i32
      %broadcast_in_dim3A_33 = arith.constant 0 : i32
      %broadcast_in_dim3A_34 = vector.broadcast %broadcast_in_dim3A_33 : i32 to vector<16xi32>
      %swap3A = arith.constant 0 : index
      %swap3A_35 = tpu.vector_load %arg26[%swap3A] {strides = array<i32>} : memref<288xi32, #tpu.memory_space<vmem>>, vector<16xi32>,
      tpu.vector_store %arg26[%swap3A], %broadcast_in_dim3A_34 {strides = array<i32>} : memref<288xi32, #tpu.memory_space<vmem>>, vector<16xi32>,
      %broadcast_in_dim3A_36 = arith.constant 0 : i32
      %broadcast_in_dim3A_37 = vector.broadcast %broadcast_in_dim3A_36 : i32 to vector<16xi32>
      %swap3A_38 = arith.constant 16 : index
      %swap3A_39 = tpu.vector_load %arg26[%swap3A_38] {strides = array<i32>} : memref<288xi32, #tpu.memory_space<vmem>>, vector<16xi32>,
      tpu.vector_store %arg26[%swap3A_38], %broadcast_in_dim3A_37 {strides = array<i32>} : memref<288xi32, #tpu.memory_space<vmem>>, vector<16xi32>,
      %broadcast_in_dim3A_40 = arith.constant 0 : i32
      %broadcast_in_dim3A_41 = vector.broadcast %broadcast_in_dim3A_40 : i32 to vector<16xi32>
      %swap3A_42 = arith.constant 32 : index
      %swap3A_43 = tpu.vector_load %arg26[%swap3A_42] {strides = array<i32>} : memref<288xi32, #tpu.memory_space<vmem>>, vector<16xi32>,
      tpu.vector_store %arg26[%swap3A_42], %broadcast_in_dim3A_41 {strides = array<i32>} : memref<288xi32, #tpu.memory_space<vmem>>, vector<16xi32>,
      %broadcast_in_dim3A_44 = arith.constant 0 : i32
      %broadcast_in_dim3A_45 = vector.broadcast %broadcast_in_dim3A_44 : i32 to vector<16xi32>
      %swap3A_46 = arith.constant 48 : index
      %swap3A_47 = tpu.vector_load %arg26[%swap3A_46] {strides = array<i32>} : memref<288xi32, #tpu.memory_space<vmem>>, vector<16xi32>,
      tpu.vector_store %arg26[%swap3A_46], %broadcast_in_dim3A_45 {strides = array<i32>} : memref<288xi32, #tpu.memory_space<vmem>>, vector<16xi32>,
      %broadcast_in_dim3A_48 = arith.constant 0 : i32
      %broadcast_in_dim3A_49 = vector.broadcast %broadcast_in_dim3A_48 : i32 to vector<16xi32>
      %swap3A_50 = arith.constant 64 : index
      %swap3A_51 = tpu.vector_load %arg26[%swap3A_50] {strides = array<i32>} : memref<288xi32, #tpu.memory_space<vmem>>, vector<16xi32>,
      tpu.vector_store %arg26[%swap3A_50], %broadcast_in_dim3A_49 {strides = array<i32>} : memref<288xi32, #tpu.memory_space<vmem>>, vector<16xi32>,
      %broadcast_in_dim3A_52 = arith.constant 0 : i32
      %broadcast_in_dim3A_53 = vector.broadcast %broadcast_in_dim3A_52 : i32 to vector<16xi32>
      %swap3A_54 = arith.constant 80 : index
      %swap3A_55 = tpu.vector_load %arg26[%swap3A_54] {strides = array<i32>} : memref<288xi32, #tpu.memory_space<vmem>>, vector<16xi32>,
      tpu.vector_store %arg26[%swap3A_54], %broadcast_in_dim3A_53 {strides = array<i32>} : memref<288xi32, #tpu.memory_space<vmem>>, vector<16xi32>,
      %broadcast_in_dim3A_56 = arith.constant 0 : i32
      %broadcast_in_dim3A_57 = vector.broadcast %broadcast_in_dim3A_56 : i32 to vector<16xi32>
      %swap3A_58 = arith.constant 96 : index
      %swap3A_59 = tpu.vector_load %arg26[%swap3A_58] {strides = array<i32>} : memref<288xi32, #tpu.memory_space<vmem>>, vector<16xi32>,
      tpu.vector_store %arg26[%swap3A_58], %broadcast_in_dim3A_57 {strides = array<i32>} : memref<288xi32, #tpu.memory_space<vmem>>, vector<16xi32>,
      %broadcast_in_dim3A_60 = arith.constant 0 : i32
      %broadcast_in_dim3A_61 = vector.broadcast %broadcast_in_dim3A_60 : i32 to vector<16xi32>
      %swap3A_62 = arith.constant 112 : index
      %swap3A_63 = tpu.vector_load %arg26[%swap3A_62] {strides = array<i32>} : memref<288xi32, #tpu.memory_space<vmem>>, vector<16xi32>,
      tpu.vector_store %arg26[%swap3A_62], %broadcast_in_dim3A_61 {strides = array<i32>} : memref<288xi32, #tpu.memory_space<vmem>>, vector<16xi32>,
      %broadcast_in_dim3A_64 = arith.constant 0 : i32
      %broadcast_in_dim3A_65 = vector.broadcast %broadcast_in_dim3A_64 : i32 to vector<16xi32>
      %swap3A_66 = arith.constant 128 : index
      %swap3A_67 = tpu.vector_load %arg26[%swap3A_66] {strides = array<i32>} : memref<288xi32, #tpu.memory_space<vmem>>, vector<16xi32>,
      tpu.vector_store %arg26[%swap3A_66], %broadcast_in_dim3A_65 {strides = array<i32>} : memref<288xi32, #tpu.memory_space<vmem>>, vector<16xi32>,
      %broadcast_in_dim3A_68 = arith.constant 0 : i32
      %broadcast_in_dim3A_69 = vector.broadcast %broadcast_in_dim3A_68 : i32 to vector<16xi32>
      %swap3A_70 = arith.constant 144 : index
      %swap3A_71 = tpu.vector_load %arg26[%swap3A_70] {strides = array<i32>} : memref<288xi32, #tpu.memory_space<vmem>>, vector<16xi32>,
      tpu.vector_store %arg26[%swap3A_70], %broadcast_in_dim3A_69 {strides = array<i32>} : memref<288xi32, #tpu.memory_space<vmem>>, vector<16xi32>,
      %broadcast_in_dim3A_72 = arith.constant 0 : i32
      %broadcast_in_dim3A_73 = vector.broadcast %broadcast_in_dim3A_72 : i32 to vector<16xi32>
      %swap3A_74 = arith.constant 160 : index
      %swap3A_75 = tpu.vector_load %arg26[%swap3A_74] {strides = array<i32>} : memref<288xi32, #tpu.memory_space<vmem>>, vector<16xi32>,
      tpu.vector_store %arg26[%swap3A_74], %broadcast_in_dim3A_73 {strides = array<i32>} : memref<288xi32, #tpu.memory_space<vmem>>, vector<16xi32>,
      %broadcast_in_dim3A_76 = arith.constant 0 : i32
      %broadcast_in_dim3A_77 = vector.broadcast %broadcast_in_dim3A_76 : i32 to vector<16xi32>
      %swap3A_78 = arith.constant 176 : index
      %swap3A_79 = tpu.vector_load %arg26[%swap3A_78] {strides = array<i32>} : memref<288xi32, #tpu.memory_space<vmem>>, vector<16xi32>,
      tpu.vector_store %arg26[%swap3A_78], %broadcast_in_dim3A_77 {strides = array<i32>} : memref<288xi32, #tpu.memory_space<vmem>>, vector<16xi32>,
      %broadcast_in_dim3A_80 = arith.constant 0 : i32
      %broadcast_in_dim3A_81 = vector.broadcast %broadcast_in_dim3A_80 : i32 to vector<16xi32>
      %swap3A_82 = arith.constant 192 : index
      %swap3A_83 = tpu.vector_load %arg26[%swap3A_82] {strides = array<i32>} : memref<288xi32, #tpu.memory_space<vmem>>, vector<16xi32>,
      tpu.vector_store %arg26[%swap3A_82], %broadcast_in_dim3A_81 {strides = array<i32>} : memref<288xi32, #tpu.memory_space<vmem>>, vector<16xi32>,
      %broadcast_in_dim3A_84 = arith.constant 0 : i32
      %broadcast_in_dim3A_85 = vector.broadcast %broadcast_in_dim3A_84 : i32 to vector<16xi32>
      %swap3A_86 = arith.constant 208 : index
      %swap3A_87 = tpu.vector_load %arg26[%swap3A_86] {strides = array<i32>} : memref<288xi32, #tpu.memory_space<vmem>>, vector<16xi32>,
      tpu.vector_store %arg26[%swap3A_86], %broadcast_in_dim3A_85 {strides = array<i32>} : memref<288xi32, #tpu.memory_space<vmem>>, vector<16xi32>,
      %broadcast_in_dim3A_88 = arith.constant 0 : i32
      %broadcast_in_dim3A_89 = vector.broadcast %broadcast_in_dim3A_88 : i32 to vector<16xi32>
      %swap3A_90 = arith.constant 224 : index
      %swap3A_91 = tpu.vector_load %arg26[%swap3A_90] {strides = array<i32>} : memref<288xi32, #tpu.memory_space<vmem>>, vector<16xi32>,
      tpu.vector_store %arg26[%swap3A_90], %broadcast_in_dim3A_89 {strides = array<i32>} : memref<288xi32, #tpu.memory_space<vmem>>, vector<16xi32>,
      %broadcast_in_dim3A_92 = arith.constant 0 : i32
      %broadcast_in_dim3A_93 = vector.broadcast %broadcast_in_dim3A_92 : i32 to vector<16xi32>
      %swap3A_94 = arith.constant 240 : index
      %swap3A_95 = tpu.vector_load %arg26[%swap3A_94] {strides = array<i32>} : memref<288xi32, #tpu.memory_space<vmem>>, vector<16xi32>,
      tpu.vector_store %arg26[%swap3A_94], %broadcast_in_dim3A_93 {strides = array<i32>} : memref<288xi32, #tpu.memory_space<vmem>>, vector<16xi32>,
      %broadcast_in_dim3A_96 = arith.constant 0 : i32
      %broadcast_in_dim3A_97 = vector.broadcast %broadcast_in_dim3A_96 : i32 to vector<16xi32>
      %swap3A_98 = arith.constant 256 : index
      %swap3A_99 = tpu.vector_load %arg26[%swap3A_98] {strides = array<i32>} : memref<288xi32, #tpu.memory_space<vmem>>, vector<16xi32>,
      tpu.vector_store %arg26[%swap3A_98], %broadcast_in_dim3A_97 {strides = array<i32>} : memref<288xi32, #tpu.memory_space<vmem>>, vector<16xi32>,
      %broadcast_in_dim3A_100 = arith.constant 0 : i32
      %broadcast_in_dim3A_101 = vector.broadcast %broadcast_in_dim3A_100 : i32 to vector<16xi32>
      %swap3A_102 = arith.constant 272 : index
      %swap3A_103 = tpu.vector_load %arg26[%swap3A_102] {strides = array<i32>} : memref<288xi32, #tpu.memory_space<vmem>>, vector<16xi32>,
      tpu.vector_store %arg26[%swap3A_102], %broadcast_in_dim3A_101 {strides = array<i32>} : memref<288xi32, #tpu.memory_space<vmem>>, vector<16xi32>,
      %broadcast_in_dim3A_104 = arith.constant 0 : i32
      %broadcast_in_dim3A_105 = vector.broadcast %broadcast_in_dim3A_104 : i32 to vector<16xi32>
      %add3A_106 = arith.constant 0 : i32
      %add3A_107 = arith.addi %mul3A_32, %add3A_106 : i32
      %swap3A_108 = arith.index_cast %add3A_107 : i32 to index
      %swap3A_109 = tpu.vector_load %arg27[%swap3A_108] {strides = array<i32>} : memref<5120xi32, #tpu.memory_space<vmem>>, vector<16xi32>,
      tpu.vector_store %arg27[%swap3A_108], %broadcast_in_dim3A_105 {strides = array<i32>} : memref<5120xi32, #tpu.memory_space<vmem>>, vector<16xi32>,
      %broadcast_in_dim3A_110 = arith.constant 0 : i32
      %broadcast_in_dim3A_111 = vector.broadcast %broadcast_in_dim3A_110 : i32 to vector<16xi32>
      %add3A_112 = arith.constant 16 : i32
      %add3A_113 = arith.addi %mul3A_32, %add3A_112 : i32
      %swap3A_114 = arith.index_cast %add3A_113 : i32 to index
      %swap3A_115 = tpu.vector_load %arg27[%swap3A_114] {strides = array<i32>} : memref<5120xi32, #tpu.memory_space<vmem>>, vector<16xi32>,
      tpu.vector_store %arg27[%swap3A_114], %broadcast_in_dim3A_111 {strides = array<i32>} : memref<5120xi32, #tpu.memory_space<vmem>>, vector<16xi32>,
      %broadcast_in_dim3A_116 = arith.constant 0 : i32
      %broadcast_in_dim3A_117 = vector.broadcast %broadcast_in_dim3A_116 : i32 to vector<16xi32>
      %add3A_118 = arith.constant 32 : i32
      %add3A_119 = arith.addi %mul3A_32, %add3A_118 : i32
      %swap3A_120 = arith.index_cast %add3A_119 : i32 to index
      %swap3A_121 = tpu.vector_load %arg27[%swap3A_120] {strides = array<i32>} : memref<5120xi32, #tpu.memory_space<vmem>>, vector<16xi32>,
      tpu.vector_store %arg27[%swap3A_120], %broadcast_in_dim3A_117 {strides = array<i32>} : memref<5120xi32, #tpu.memory_space<vmem>>, vector<16xi32>,
      %broadcast_in_dim3A_122 = arith.constant 0 : i32
      %broadcast_in_dim3A_123 = vector.broadcast %broadcast_in_dim3A_122 : i32 to vector<16xi32>
      %add3A_124 = arith.constant 48 : i32
      %add3A_125 = arith.addi %mul3A_32, %add3A_124 : i32
      %swap3A_126 = arith.index_cast %add3A_125 : i32 to index
      %swap3A_127 = tpu.vector_load %arg27[%swap3A_126] {strides = array<i32>} : memref<5120xi32, #tpu.memory_space<vmem>>, vector<16xi32>,
      tpu.vector_store %arg27[%swap3A_126], %broadcast_in_dim3A_123 {strides = array<i32>} : memref<5120xi32, #tpu.memory_space<vmem>>, vector<16xi32>,
      %parallel_loop3A = arith.constant 0 : i32
      %parallel_loop3A_128 = arith.constant 10240 : i32
      %parallel_loop3A_129 = arith.constant 16 : i32
      scf.for %parallel_loop3A_211 = %parallel_loop3A to %parallel_loop3A_128 step %parallel_loop3A_129  : i32 {
        %parallel_loop3A_212 = arith.index_cast %parallel_loop3A_211 : i32 to index
        %parallel_loop3A_213 = tpu.vector_load %arg16[%parallel_loop3A_212] {strides = array<i32>} : memref<10240xf32, #tpu.memory_space<vmem>>, vector<16xf32>,
        %parallel_loop3A_214 = arith.subf %parallel_loop3A_213, %gather3A : vector<16xf32>
        %parallel_loop3A_215 = arith.index_cast %parallel_loop3A_211 : i32 to index
        %parallel_loop3A_216 = tpu.vector_load %arg17[%parallel_loop3A_215] {strides = array<i32>} : memref<10240xf32, #tpu.memory_space<vmem>>, vector<16xf32>,
        %parallel_loop3A_217 = arith.subf %parallel_loop3A_216, %gather3A_29 : vector<16xf32>
        %parallel_loop3A_218 = arith.index_cast %parallel_loop3A_211 : i32 to index
        %parallel_loop3A_219 = tpu.vector_load %arg18[%parallel_loop3A_218] {strides = array<i32>} : memref<10240xf32, #tpu.memory_space<vmem>>, vector<16xf32>,
        %parallel_loop3A_220 = arith.subf %parallel_loop3A_219, %gather3A_30 : vector<16xf32>
        %parallel_loop3A_221 = arith.mulf %parallel_loop3A_214, %parallel_loop3A_214 : vector<16xf32>
        %parallel_loop3A_222 = arith.index_cast %parallel_loop3A_211 : i32 to index
        %parallel_loop3A_223 = tpu.vector_load %arg13[%parallel_loop3A_222] {strides = array<i32>} : memref<10240xf32, #tpu.memory_space<vmem>>, vector<16xf32>,
        tpu.vector_store %arg13[%parallel_loop3A_222], %parallel_loop3A_221 {strides = array<i32>} : memref<10240xf32, #tpu.memory_space<vmem>>, vector<16xf32>,
        %parallel_loop3A_224 = arith.mulf %parallel_loop3A_217, %parallel_loop3A_217 : vector<16xf32>
        %parallel_loop3A_225 = arith.index_cast %parallel_loop3A_211 : i32 to index
        %parallel_loop3A_226 = tpu.vector_load %arg14[%parallel_loop3A_225] {strides = array<i32>} : memref<10240xf32, #tpu.memory_space<vmem>>, vector<16xf32>,
        tpu.vector_store %arg14[%parallel_loop3A_225], %parallel_loop3A_224 {strides = array<i32>} : memref<10240xf32, #tpu.memory_space<vmem>>, vector<16xf32>,
        %parallel_loop3A_227 = arith.mulf %parallel_loop3A_220, %parallel_loop3A_220 : vector<16xf32>
        %parallel_loop3A_228 = arith.index_cast %parallel_loop3A_211 : i32 to index
        %parallel_loop3A_229 = tpu.vector_load %arg15[%parallel_loop3A_228] {strides = array<i32>} : memref<10240xf32, #tpu.memory_space<vmem>>, vector<16xf32>,
        tpu.vector_store %arg15[%parallel_loop3A_228], %parallel_loop3A_227 {strides = array<i32>} : memref<10240xf32, #tpu.memory_space<vmem>>, vector<16xf32>,
      } {sc.loop_unroll_factor = 4 : i64, sc.parallel_access}
      %broadcast_in_dim3A_130 = arith.constant 0 : i32
      %broadcast_in_dim3A_131 = vector.broadcast %broadcast_in_dim3A_130 : i32 to vector<16xi32>
      %parallel_loop3A_132 = arith.constant 0 : i32
      %parallel_loop3A_133 = arith.constant 10240 : i32
      %parallel_loop3A_134 = arith.constant 16 : i32
      %parallel_loop3A_135 = scf.for %parallel_loop3A_211 = %parallel_loop3A_132 to %parallel_loop3A_133 step %parallel_loop3A_134 iter_args(%parallel_loop3A_212 = %broadcast_in_dim3A_131) -> (vector<16xi32>)  : i32 {
        %parallel_loop3A_213 = vector.broadcast %parallel_loop3A_211 : i32 to vector<16xi32>
        %parallel_loop3A_214 = arith.addi %parallel_loop3A_213, %iota3A : vector<16xi32>
        %parallel_loop3A_215 = arith.index_cast %parallel_loop3A_211 : i32 to index
        %parallel_loop3A_216 = tpu.vector_load %arg13[%parallel_loop3A_215] {strides = array<i32>} : memref<10240xf32, #tpu.memory_space<vmem>>, vector<16xf32>,
        %parallel_loop3A_217 = arith.index_cast %parallel_loop3A_211 : i32 to index
        %parallel_loop3A_218 = tpu.vector_load %arg14[%parallel_loop3A_217] {strides = array<i32>} : memref<10240xf32, #tpu.memory_space<vmem>>, vector<16xf32>,
        %parallel_loop3A_219 = arith.addf %parallel_loop3A_216, %parallel_loop3A_218 : vector<16xf32>
        %parallel_loop3A_220 = arith.index_cast %parallel_loop3A_211 : i32 to index
        %parallel_loop3A_221 = tpu.vector_load %arg15[%parallel_loop3A_220] {strides = array<i32>} : memref<10240xf32, #tpu.memory_space<vmem>>, vector<16xf32>,
        %parallel_loop3A_222 = arith.addf %parallel_loop3A_219, %parallel_loop3A_221 : vector<16xf32>
        %parallel_loop3A_223 = vector.broadcast %squeeze3A : f32 to vector<16xf32>
        %parallel_loop3A_224 = arith.cmpf ole, %parallel_loop3A_222, %parallel_loop3A_223 : vector<16xf32>
        %parallel_loop3A_225 = arith.extui %parallel_loop3A_224 : vector<16xi1> to vector<16xi32>
        %parallel_loop3A_226 = arith.constant true
        %parallel_loop3A_227 = vector.broadcast %parallel_loop3A_226 : i1 to vector<16xi1>
        %parallel_loop3A_228 = tpu.scan <sum>, %parallel_loop3A_225 masked %parallel_loop3A_227 : vector<16xi32>, vector<16xi1> -> vector<16xi32>
        %parallel_loop3A_229 = arith.addi %parallel_loop3A_212, %parallel_loop3A_228 : vector<16xi32>
        %parallel_loop3A_230 = arith.constant 1 : i32
        %parallel_loop3A_231 = vector.broadcast %parallel_loop3A_230 : i32 to vector<16xi32>
        %parallel_loop3A_232 = arith.subi %parallel_loop3A_229, %parallel_loop3A_231 : vector<16xi32>
        tpu.vector_store_idx %arg22[%parallel_loop3A_232], %parallel_loop3A_222 masked %parallel_loop3A_224 : memref<10240xf32, #tpu.memory_space<vmem>>[vector<16xi32>], vector<16xf32>, vector<16xi1>
        tpu.vector_store_idx %arg23[%parallel_loop3A_232], %parallel_loop3A_214 masked %parallel_loop3A_224 : memref<10240xi32, #tpu.memory_space<vmem>>[vector<16xi32>], vector<16xi32>, vector<16xi1>
        %parallel_loop3A_233 = vector.broadcast %squeeze3A_5 : f32 to vector<16xf32>
        %parallel_loop3A_234 = arith.mulf %parallel_loop3A_222, %parallel_loop3A_233 : vector<16xf32>
        %parallel_loop3A_235 = arith.fptosi %parallel_loop3A_234 : vector<16xf32> to vector<16xi32>
        %parallel_loop3A_236 = arith.constant 16 : i32
        %parallel_loop3A_237 = vector.broadcast %parallel_loop3A_236 : i32 to vector<16xi32>
        %parallel_loop3A_238 = arith.minsi %parallel_loop3A_235, %parallel_loop3A_237 : vector<16xi32>
        %parallel_loop3A_239 = arith.constant 16 : i32
        %parallel_loop3A_240 = vector.broadcast %parallel_loop3A_239 : i32 to vector<16xi32>
        %parallel_loop3A_241 = arith.muli %parallel_loop3A_238, %parallel_loop3A_240 : vector<16xi32>
        %parallel_loop3A_242 = arith.addi %parallel_loop3A_241, %iota3A : vector<16xi32>
        tpu.vector_store_idx %arg26[%parallel_loop3A_242], %broadcast_in_dim3A_10 masked %parallel_loop3A_224 {add = true} : memref<288xi32, #tpu.memory_space<vmem>>[vector<16xi32>], vector<16xi32>, vector<16xi1>
        %parallel_loop3A_243 = tpu.all_reduce %parallel_loop3A_224 {dim = 0 : i64, kind = #tpu.reduction_kind<sum>} : vector<16xi1> -> vector<16xi32>
        %parallel_loop3A_244 = arith.addi %parallel_loop3A_212, %parallel_loop3A_243 : vector<16xi32>
        scf.yield %parallel_loop3A_244 : vector<16xi32>
      } {sc.loop_unroll_factor = 4 : i64, sc.parallel_access}
      %reduce_max3A = arith.constant true
      %reduce_max3A_136 = vector.broadcast %reduce_max3A : i1 to vector<16xi1>
      %reduce_max3A_137 = arith.constant -2147483648 : i32
      %reduce_max3A_138 = vector.broadcast %reduce_max3A_137 : i32 to vector<16xi32>
      %reduce_max3A_139 = arith.xori %parallel_loop3A_135, %reduce_max3A_138 : vector<16xi32>
      %reduce_max3A_140 = tpu.scan <max>, %reduce_max3A_139 masked %reduce_max3A_136 : vector<16xi32>, vector<16xi1> -> vector<16xi32>
      %reduce_max3A_141 = arith.xori %reduce_max3A_140, %reduce_max3A_138 : vector<16xi32>
      %reduce_max3A_142 = vector.extract %reduce_max3A_141[15] : i32 from vector<16xi32>
      %min3A = arith.constant 64 : i32
      %min3A_143 = arith.minsi %reduce_max3A_142, %min3A : i32
      %add3A_144 = arith.constant 0 : i32
      %add3A_145 = vector.broadcast %add3A_144 : i32 to vector<16xi32>
      %add3A_146 = arith.addi %add3A_145, %iota3A : vector<16xi32>
      %lt3A = vector.broadcast %min3A_143 : i32 to vector<16xi32>
      %lt3A_147 = arith.cmpi slt, %add3A_146, %lt3A : vector<16xi32>
      %jit3A = arith.constant 1.000000e+00 : f32
      %jit3A_148 = arith.constant 0.000000e+00 : f32
      %broadcast_in_dim3A_149 = vector.broadcast %jit3A : f32 to vector<16xf32>
      %broadcast_in_dim3A_150 = vector.broadcast %jit3A_148 : f32 to vector<16xf32>
      %select_n3A = arith.select %lt3A_147, %broadcast_in_dim3A_149, %broadcast_in_dim3A_150 : vector<16xi1>, vector<16xf32>
      %add3A_151 = arith.constant 0 : i32
      %add3A_152 = arith.addi %mul3A_32, %add3A_151 : i32
      %swap3A_153 = arith.index_cast %add3A_152 : i32 to index
      %swap3A_154 = tpu.vector_load %arg28[%swap3A_153] {strides = array<i32>} : memref<5120xf32, #tpu.memory_space<vmem>>, vector<16xf32>,
      tpu.vector_store %arg28[%swap3A_153], %select_n3A {strides = array<i32>} : memref<5120xf32, #tpu.memory_space<vmem>>, vector<16xf32>,
      %add3A_155 = arith.constant 16 : i32
      %add3A_156 = vector.broadcast %add3A_155 : i32 to vector<16xi32>
      %add3A_157 = arith.addi %add3A_156, %iota3A : vector<16xi32>
      %lt3A_158 = vector.broadcast %min3A_143 : i32 to vector<16xi32>
      %lt3A_159 = arith.cmpi slt, %add3A_157, %lt3A_158 : vector<16xi32>
      %jit3A_160 = arith.constant 1.000000e+00 : f32
      %jit3A_161 = arith.constant 0.000000e+00 : f32
      %broadcast_in_dim3A_162 = vector.broadcast %jit3A_160 : f32 to vector<16xf32>
      %broadcast_in_dim3A_163 = vector.broadcast %jit3A_161 : f32 to vector<16xf32>
      %select_n3A_164 = arith.select %lt3A_159, %broadcast_in_dim3A_162, %broadcast_in_dim3A_163 : vector<16xi1>, vector<16xf32>
      %add3A_165 = arith.constant 16 : i32
      %add3A_166 = arith.addi %mul3A_32, %add3A_165 : i32
      %swap3A_167 = arith.index_cast %add3A_166 : i32 to index
      %swap3A_168 = tpu.vector_load %arg28[%swap3A_167] {strides = array<i32>} : memref<5120xf32, #tpu.memory_space<vmem>>, vector<16xf32>,
      tpu.vector_store %arg28[%swap3A_167], %select_n3A_164 {strides = array<i32>} : memref<5120xf32, #tpu.memory_space<vmem>>, vector<16xf32>,
      %add3A_169 = arith.constant 32 : i32
      %add3A_170 = vector.broadcast %add3A_169 : i32 to vector<16xi32>
      %add3A_171 = arith.addi %add3A_170, %iota3A : vector<16xi32>
      %lt3A_172 = vector.broadcast %min3A_143 : i32 to vector<16xi32>
      %lt3A_173 = arith.cmpi slt, %add3A_171, %lt3A_172 : vector<16xi32>
      %jit3A_174 = arith.constant 1.000000e+00 : f32
      %jit3A_175 = arith.constant 0.000000e+00 : f32
      %broadcast_in_dim3A_176 = vector.broadcast %jit3A_174 : f32 to vector<16xf32>
      %broadcast_in_dim3A_177 = vector.broadcast %jit3A_175 : f32 to vector<16xf32>
      %select_n3A_178 = arith.select %lt3A_173, %broadcast_in_dim3A_176, %broadcast_in_dim3A_177 : vector<16xi1>, vector<16xf32>
      %add3A_179 = arith.constant 32 : i32
      %add3A_180 = arith.addi %mul3A_32, %add3A_179 : i32
      %swap3A_181 = arith.index_cast %add3A_180 : i32 to index
      %swap3A_182 = tpu.vector_load %arg28[%swap3A_181] {strides = array<i32>} : memref<5120xf32, #tpu.memory_space<vmem>>, vector<16xf32>,
      tpu.vector_store %arg28[%swap3A_181], %select_n3A_178 {strides = array<i32>} : memref<5120xf32, #tpu.memory_space<vmem>>, vector<16xf32>,
      %add3A_183 = arith.constant 48 : i32
      %add3A_184 = vector.broadcast %add3A_183 : i32 to vector<16xi32>
      %add3A_185 = arith.addi %add3A_184, %iota3A : vector<16xi32>
      %lt3A_186 = vector.broadcast %min3A_143 : i32 to vector<16xi32>
      %lt3A_187 = arith.cmpi slt, %add3A_185, %lt3A_186 : vector<16xi32>
      %jit3A_188 = arith.constant 1.000000e+00 : f32
      %jit3A_189 = arith.constant 0.000000e+00 : f32
      %broadcast_in_dim3A_190 = vector.broadcast %jit3A_188 : f32 to vector<16xf32>
      %broadcast_in_dim3A_191 = vector.broadcast %jit3A_189 : f32 to vector<16xf32>
      %select_n3A_192 = arith.select %lt3A_187, %broadcast_in_dim3A_190, %broadcast_in_dim3A_191 : vector<16xi1>, vector<16xf32>
      %add3A_193 = arith.constant 48 : i32
      %add3A_194 = arith.addi %mul3A_32, %add3A_193 : i32
      %swap3A_195 = arith.index_cast %add3A_194 : i32 to index
      %swap3A_196 = tpu.vector_load %arg28[%swap3A_195] {strides = array<i32>} : memref<5120xf32, #tpu.memory_space<vmem>>, vector<16xf32>,
      tpu.vector_store %arg28[%swap3A_195], %select_n3A_192 {strides = array<i32>} : memref<5120xf32, #tpu.memory_space<vmem>>, vector<16xf32>,
      %le3A = arith.constant 64 : i32
      %le3A_197 = arith.cmpi sle, %reduce_max3A_142, %le3A : i32
      %convert_element_type3A = arith.extui %le3A_197 : i1 to i32
      %cond3A = arith.constant 0 : i32
      %cond3A_198 = arith.cmpi ne, %convert_element_type3A, %cond3A : i32
      scf.if %cond3A_198 {
        %scan3A_211 = arith.constant 0 : i32
        %scan3A_212 = arith.constant 0 : i32
        %scan3A_213 = arith.constant 4 : i32
        %scan3A_214 = arith.addi %scan3A_212, %scan3A_213 : i32
        %scan3A_215 = arith.constant 1 : i32
        %scan3A_216 = scf.for %scan3A_218 = %scan3A_212 to %scan3A_214 step %scan3A_215 iter_args(%scan3A_219 = %scan3A_211) -> (i32)  : i32 {
          %mul3A_220 = arith.constant 16 : i32
          %mul3A_221 = arith.muli %scan3A_218, %mul3A_220 : i32
          %add3A_222 = vector.broadcast %mul3A_221 : i32 to vector<16xi32>
          %add3A_223 = arith.addi %add3A_222, %iota3A : vector<16xi32>
          %lt3A_224 = vector.broadcast %reduce_max3A_142 : i32 to vector<16xi32>
          %lt3A_225 = arith.cmpi slt, %add3A_223, %lt3A_224 : vector<16xi32>
          %mul3A_226 = arith.constant 16 : i32
          %mul3A_227 = arith.muli %scan3A_218, %mul3A_226 : i32
          %get3A_228 = arith.index_cast %mul3A_227 : i32 to index
          %get3A_229 = tpu.vector_load %arg23[%get3A_228] {strides = array<i32>} : memref<10240xi32, #tpu.memory_space<vmem>>, vector<16xi32>,
          %add3A_230 = vector.broadcast %mul3A_32 : i32 to vector<16xi32>
          %add3A_231 = arith.addi %add3A_230, %add3A_223 : vector<16xi32>
          tpu.vector_store_idx %arg27[%add3A_231], %get3A_229 masked %lt3A_225 : memref<5120xi32, #tpu.memory_space<vmem>>[vector<16xi32>], vector<16xi32>, vector<16xi1>
          %scan3A_232 = arith.constant 0 : i32
          scf.yield %scan3A_232 : i32
        }
        %scan3A_217 = arith.constant 4 : i32
      } else {
      }
      %gt3A = arith.constant 64 : i32
      %gt3A_199 = arith.cmpi sgt, %reduce_max3A_142, %gt3A : i32
      %convert_element_type3A_200 = arith.extui %gt3A_199 : i1 to i32
      %cond3A_201 = arith.constant 0 : i32
      %cond3A_202 = arith.cmpi ne, %convert_element_type3A_200, %cond3A_201 : i32
      scf.if %cond3A_202 {
        %add3A_211 = arith.constant 15 : i32
        %add3A_212 = arith.addi %reduce_max3A_142, %add3A_211 : i32
        %jit3A_213 = arith.constant 16 : i32
        %div3A = arith.divsi %add3A_212, %jit3A_213 : i32
        %sign3A = arith.constant 0 : i32
        %sign3A_214 = arith.cmpi sgt, %add3A_212, %sign3A : i32
        %sign3A_215 = arith.extui %sign3A_214 : i1 to i32
        %sign3A_216 = arith.constant 0 : i32
        %sign3A_217 = arith.cmpi slt, %add3A_212, %sign3A_216 : i32
        %sign3A_218 = arith.extui %sign3A_217 : i1 to i32
        %sign3A_219 = arith.subi %sign3A_215, %sign3A_218 : i32
        %sign3A_220 = arith.constant 0 : i32
        %sign3A_221 = arith.cmpi sgt, %jit3A_213, %sign3A_220 : i32
        %sign3A_222 = arith.extui %sign3A_221 : i1 to i32
        %sign3A_223 = arith.constant 0 : i32
        %sign3A_224 = arith.cmpi slt, %jit3A_213, %sign3A_223 : i32
        %sign3A_225 = arith.extui %sign3A_224 : i1 to i32
        %sign3A_226 = arith.subi %sign3A_222, %sign3A_225 : i32
        %ne3A = arith.cmpi ne, %sign3A_219, %sign3A_226 : i32
        %rem3A = arith.remsi %add3A_212, %jit3A_213 : i32
        %ne3A_227 = arith.constant 0 : i32
        %ne3A_228 = arith.cmpi ne, %rem3A, %ne3A_227 : i32
        %and3A = arith.andi %ne3A, %ne3A_228 : i1
        %sub3A_229 = arith.constant 1 : i32
        %sub3A_230 = arith.subi %div3A, %sub3A_229 : i32
        %select_n3A_231 = arith.select %and3A, %sub3A_230, %div3A : i32
        %get3A_232 = arith.constant 0 : index
        %get3A_233 = tpu.vector_load %arg26[%get3A_232] {strides = array<i32>} : memref<288xi32, #tpu.memory_space<vmem>>, vector<16xi32>,
        %reduce_sum3A = arith.constant true
        %reduce_sum3A_234 = vector.broadcast %reduce_sum3A : i1 to vector<16xi1>
        %reduce_sum3A_235 = tpu.scan <sum>, %get3A_233 masked %reduce_sum3A_234 : vector<16xi32>, vector<16xi1> -> vector<16xi32>
        %reduce_sum3A_236 = vector.extract %reduce_sum3A_235[15] : i32 from vector<16xi32>
        %add3A_237 = arith.constant 0 : i32
        %add3A_238 = arith.addi %add3A_237, %reduce_sum3A_236 : i32
        %lt3A_239 = arith.constant -1 : i32
        %lt3A_240 = arith.constant 0 : i32
        %lt3A_241 = arith.cmpi slt, %lt3A_239, %lt3A_240 : i32
        %ge3A = arith.constant 64 : i32
        %ge3A_242 = arith.cmpi sge, %add3A_238, %ge3A : i32
        %and3A_243 = arith.andi %lt3A_241, %ge3A_242 : i1
        %jit3A_244 = arith.constant 0 : i32
        %jit3A_245 = arith.constant 0 : i32
        %select_n3A_246 = arith.select %and3A_243, %jit3A_244, %jit3A_245 : i32
        %jit3A_247 = arith.constant 0 : i32
        %jit3A_248 = arith.constant -1 : i32
        %select_n3A_249 = arith.select %and3A_243, %jit3A_247, %jit3A_248 : i32
        %get3A_250 = arith.constant 16 : index
        %get3A_251 = tpu.vector_load %arg26[%get3A_250] {strides = array<i32>} : memref<288xi32, #tpu.memory_space<vmem>>, vector<16xi32>,
        %reduce_sum3A_252 = arith.constant true
        %reduce_sum3A_253 = vector.broadcast %reduce_sum3A_252 : i1 to vector<16xi1>
        %reduce_sum3A_254 = tpu.scan <sum>, %get3A_251 masked %reduce_sum3A_253 : vector<16xi32>, vector<16xi1> -> vector<16xi32>
        %reduce_sum3A_255 = vector.extract %reduce_sum3A_254[15] : i32 from vector<16xi32>
        %add3A_256 = arith.addi %add3A_238, %reduce_sum3A_255 : i32
        %lt3A_257 = arith.constant 0 : i32
        %lt3A_258 = arith.cmpi slt, %select_n3A_249, %lt3A_257 : i32
        %ge3A_259 = arith.constant 64 : i32
        %ge3A_260 = arith.cmpi sge, %add3A_256, %ge3A_259 : i32
        %and3A_261 = arith.andi %lt3A_258, %ge3A_260 : i1
        %select_n3A_262 = arith.select %and3A_261, %add3A_238, %select_n3A_246 : i32
        %jit3A_263 = arith.constant 1 : i32
        %select_n3A_264 = arith.select %and3A_261, %jit3A_263, %select_n3A_249 : i32
        %get3A_265 = arith.constant 32 : index
        %get3A_266 = tpu.vector_load %arg26[%get3A_265] {strides = array<i32>} : memref<288xi32, #tpu.memory_space<vmem>>, vector<16xi32>,
        %reduce_sum3A_267 = arith.constant true
        %reduce_sum3A_268 = vector.broadcast %reduce_sum3A_267 : i1 to vector<16xi1>
        %reduce_sum3A_269 = tpu.scan <sum>, %get3A_266 masked %reduce_sum3A_268 : vector<16xi32>, vector<16xi1> -> vector<16xi32>
        %reduce_sum3A_270 = vector.extract %reduce_sum3A_269[15] : i32 from vector<16xi32>
        %add3A_271 = arith.addi %add3A_256, %reduce_sum3A_270 : i32
        %lt3A_272 = arith.constant 0 : i32
        %lt3A_273 = arith.cmpi slt, %select_n3A_264, %lt3A_272 : i32
        %ge3A_274 = arith.constant 64 : i32
        %ge3A_275 = arith.cmpi sge, %add3A_271, %ge3A_274 : i32
        %and3A_276 = arith.andi %lt3A_273, %ge3A_275 : i1
        %select_n3A_277 = arith.select %and3A_276, %add3A_256, %select_n3A_262 : i32
        %jit3A_278 = arith.constant 2 : i32
        %select_n3A_279 = arith.select %and3A_276, %jit3A_278, %select_n3A_264 : i32
        %get3A_280 = arith.constant 48 : index
        %get3A_281 = tpu.vector_load %arg26[%get3A_280] {strides = array<i32>} : memref<288xi32, #tpu.memory_space<vmem>>, vector<16xi32>,
        %reduce_sum3A_282 = arith.constant true
        %reduce_sum3A_283 = vector.broadcast %reduce_sum3A_282 : i1 to vector<16xi1>
        %reduce_sum3A_284 = tpu.scan <sum>, %get3A_281 masked %reduce_sum3A_283 : vector<16xi32>, vector<16xi1> -> vector<16xi32>
        %reduce_sum3A_285 = vector.extract %reduce_sum3A_284[15] : i32 from vector<16xi32>
        %add3A_286 = arith.addi %add3A_271, %reduce_sum3A_285 : i32
        %lt3A_287 = arith.constant 0 : i32
        %lt3A_288 = arith.cmpi slt, %select_n3A_279, %lt3A_287 : i32
        %ge3A_289 = arith.constant 64 : i32
        %ge3A_290 = arith.cmpi sge, %add3A_286, %ge3A_289 : i32
        %and3A_291 = arith.andi %lt3A_288, %ge3A_290 : i1
        %select_n3A_292 = arith.select %and3A_291, %add3A_271, %select_n3A_277 : i32
        %jit3A_293 = arith.constant 3 : i32
        %select_n3A_294 = arith.select %and3A_291, %jit3A_293, %select_n3A_279 : i32
        %get3A_295 = arith.constant 64 : index
        %get3A_296 = tpu.vector_load %arg26[%get3A_295] {strides = array<i32>} : memref<288xi32, #tpu.memory_space<vmem>>, vector<16xi32>,
        %reduce_sum3A_297 = arith.constant true
        %reduce_sum3A_298 = vector.broadcast %reduce_sum3A_297 : i1 to vector<16xi1>
        %reduce_sum3A_299 = tpu.scan <sum>, %get3A_296 masked %reduce_sum3A_298 : vector<16xi32>, vector<16xi1> -> vector<16xi32>
        %reduce_sum3A_300 = vector.extract %reduce_sum3A_299[15] : i32 from vector<16xi32>
        %add3A_301 = arith.addi %add3A_286, %reduce_sum3A_300 : i32
        %lt3A_302 = arith.constant 0 : i32
        %lt3A_303 = arith.cmpi slt, %select_n3A_294, %lt3A_302 : i32
        %ge3A_304 = arith.constant 64 : i32
        %ge3A_305 = arith.cmpi sge, %add3A_301, %ge3A_304 : i32
        %and3A_306 = arith.andi %lt3A_303, %ge3A_305 : i1
        %select_n3A_307 = arith.select %and3A_306, %add3A_286, %select_n3A_292 : i32
        %jit3A_308 = arith.constant 4 : i32
        %select_n3A_309 = arith.select %and3A_306, %jit3A_308, %select_n3A_294 : i32
        %get3A_310 = arith.constant 80 : index
        %get3A_311 = tpu.vector_load %arg26[%get3A_310] {strides = array<i32>} : memref<288xi32, #tpu.memory_space<vmem>>, vector<16xi32>,
        %reduce_sum3A_312 = arith.constant true
        %reduce_sum3A_313 = vector.broadcast %reduce_sum3A_312 : i1 to vector<16xi1>
        %reduce_sum3A_314 = tpu.scan <sum>, %get3A_311 masked %reduce_sum3A_313 : vector<16xi32>, vector<16xi1> -> vector<16xi32>
        %reduce_sum3A_315 = vector.extract %reduce_sum3A_314[15] : i32 from vector<16xi32>
        %add3A_316 = arith.addi %add3A_301, %reduce_sum3A_315 : i32
        %lt3A_317 = arith.constant 0 : i32
        %lt3A_318 = arith.cmpi slt, %select_n3A_309, %lt3A_317 : i32
        %ge3A_319 = arith.constant 64 : i32
        %ge3A_320 = arith.cmpi sge, %add3A_316, %ge3A_319 : i32
        %and3A_321 = arith.andi %lt3A_318, %ge3A_320 : i1
        %select_n3A_322 = arith.select %and3A_321, %add3A_301, %select_n3A_307 : i32
        %jit3A_323 = arith.constant 5 : i32
        %select_n3A_324 = arith.select %and3A_321, %jit3A_323, %select_n3A_309 : i32
        %get3A_325 = arith.constant 96 : index
        %get3A_326 = tpu.vector_load %arg26[%get3A_325] {strides = array<i32>} : memref<288xi32, #tpu.memory_space<vmem>>, vector<16xi32>,
        %reduce_sum3A_327 = arith.constant true
        %reduce_sum3A_328 = vector.broadcast %reduce_sum3A_327 : i1 to vector<16xi1>
        %reduce_sum3A_329 = tpu.scan <sum>, %get3A_326 masked %reduce_sum3A_328 : vector<16xi32>, vector<16xi1> -> vector<16xi32>
        %reduce_sum3A_330 = vector.extract %reduce_sum3A_329[15] : i32 from vector<16xi32>
        %add3A_331 = arith.addi %add3A_316, %reduce_sum3A_330 : i32
        %lt3A_332 = arith.constant 0 : i32
        %lt3A_333 = arith.cmpi slt, %select_n3A_324, %lt3A_332 : i32
        %ge3A_334 = arith.constant 64 : i32
        %ge3A_335 = arith.cmpi sge, %add3A_331, %ge3A_334 : i32
        %and3A_336 = arith.andi %lt3A_333, %ge3A_335 : i1
        %select_n3A_337 = arith.select %and3A_336, %add3A_316, %select_n3A_322 : i32
        %jit3A_338 = arith.constant 6 : i32
        %select_n3A_339 = arith.select %and3A_336, %jit3A_338, %select_n3A_324 : i32
        %get3A_340 = arith.constant 112 : index
        %get3A_341 = tpu.vector_load %arg26[%get3A_340] {strides = array<i32>} : memref<288xi32, #tpu.memory_space<vmem>>, vector<16xi32>,
        %reduce_sum3A_342 = arith.constant true
        %reduce_sum3A_343 = vector.broadcast %reduce_sum3A_342 : i1 to vector<16xi1>
        %reduce_sum3A_344 = tpu.scan <sum>, %get3A_341 masked %reduce_sum3A_343 : vector<16xi32>, vector<16xi1> -> vector<16xi32>
        %reduce_sum3A_345 = vector.extract %reduce_sum3A_344[15] : i32 from vector<16xi32>
        %add3A_346 = arith.addi %add3A_331, %reduce_sum3A_345 : i32
        %lt3A_347 = arith.constant 0 : i32
        %lt3A_348 = arith.cmpi slt, %select_n3A_339, %lt3A_347 : i32
        %ge3A_349 = arith.constant 64 : i32
        %ge3A_350 = arith.cmpi sge, %add3A_346, %ge3A_349 : i32
        %and3A_351 = arith.andi %lt3A_348, %ge3A_350 : i1
        %select_n3A_352 = arith.select %and3A_351, %add3A_331, %select_n3A_337 : i32
        %jit3A_353 = arith.constant 7 : i32
        %select_n3A_354 = arith.select %and3A_351, %jit3A_353, %select_n3A_339 : i32
        %get3A_355 = arith.constant 128 : index
        %get3A_356 = tpu.vector_load %arg26[%get3A_355] {strides = array<i32>} : memref<288xi32, #tpu.memory_space<vmem>>, vector<16xi32>,
        %reduce_sum3A_357 = arith.constant true
        %reduce_sum3A_358 = vector.broadcast %reduce_sum3A_357 : i1 to vector<16xi1>
        %reduce_sum3A_359 = tpu.scan <sum>, %get3A_356 masked %reduce_sum3A_358 : vector<16xi32>, vector<16xi1> -> vector<16xi32>
        %reduce_sum3A_360 = vector.extract %reduce_sum3A_359[15] : i32 from vector<16xi32>
        %add3A_361 = arith.addi %add3A_346, %reduce_sum3A_360 : i32
        %lt3A_362 = arith.constant 0 : i32
        %lt3A_363 = arith.cmpi slt, %select_n3A_354, %lt3A_362 : i32
        %ge3A_364 = arith.constant 64 : i32
        %ge3A_365 = arith.cmpi sge, %add3A_361, %ge3A_364 : i32
        %and3A_366 = arith.andi %lt3A_363, %ge3A_365 : i1
        %select_n3A_367 = arith.select %and3A_366, %add3A_346, %select_n3A_352 : i32
        %jit3A_368 = arith.constant 8 : i32
        %select_n3A_369 = arith.select %and3A_366, %jit3A_368, %select_n3A_354 : i32
        %get3A_370 = arith.constant 144 : index
        %get3A_371 = tpu.vector_load %arg26[%get3A_370] {strides = array<i32>} : memref<288xi32, #tpu.memory_space<vmem>>, vector<16xi32>,
        %reduce_sum3A_372 = arith.constant true
        %reduce_sum3A_373 = vector.broadcast %reduce_sum3A_372 : i1 to vector<16xi1>
        %reduce_sum3A_374 = tpu.scan <sum>, %get3A_371 masked %reduce_sum3A_373 : vector<16xi32>, vector<16xi1> -> vector<16xi32>
        %reduce_sum3A_375 = vector.extract %reduce_sum3A_374[15] : i32 from vector<16xi32>
        %add3A_376 = arith.addi %add3A_361, %reduce_sum3A_375 : i32
        %lt3A_377 = arith.constant 0 : i32
        %lt3A_378 = arith.cmpi slt, %select_n3A_369, %lt3A_377 : i32
        %ge3A_379 = arith.constant 64 : i32
        %ge3A_380 = arith.cmpi sge, %add3A_376, %ge3A_379 : i32
        %and3A_381 = arith.andi %lt3A_378, %ge3A_380 : i1
        %select_n3A_382 = arith.select %and3A_381, %add3A_361, %select_n3A_367 : i32
        %jit3A_383 = arith.constant 9 : i32
        %select_n3A_384 = arith.select %and3A_381, %jit3A_383, %select_n3A_369 : i32
        %get3A_385 = arith.constant 160 : index
        %get3A_386 = tpu.vector_load %arg26[%get3A_385] {strides = array<i32>} : memref<288xi32, #tpu.memory_space<vmem>>, vector<16xi32>,
        %reduce_sum3A_387 = arith.constant true
        %reduce_sum3A_388 = vector.broadcast %reduce_sum3A_387 : i1 to vector<16xi1>
        %reduce_sum3A_389 = tpu.scan <sum>, %get3A_386 masked %reduce_sum3A_388 : vector<16xi32>, vector<16xi1> -> vector<16xi32>
        %reduce_sum3A_390 = vector.extract %reduce_sum3A_389[15] : i32 from vector<16xi32>
        %add3A_391 = arith.addi %add3A_376, %reduce_sum3A_390 : i32
        %lt3A_392 = arith.constant 0 : i32
        %lt3A_393 = arith.cmpi slt, %select_n3A_384, %lt3A_392 : i32
        %ge3A_394 = arith.constant 64 : i32
        %ge3A_395 = arith.cmpi sge, %add3A_391, %ge3A_394 : i32
        %and3A_396 = arith.andi %lt3A_393, %ge3A_395 : i1
        %select_n3A_397 = arith.select %and3A_396, %add3A_376, %select_n3A_382 : i32
        %jit3A_398 = arith.constant 10 : i32
        %select_n3A_399 = arith.select %and3A_396, %jit3A_398, %select_n3A_384 : i32
        %get3A_400 = arith.constant 176 : index
        %get3A_401 = tpu.vector_load %arg26[%get3A_400] {strides = array<i32>} : memref<288xi32, #tpu.memory_space<vmem>>, vector<16xi32>,
        %reduce_sum3A_402 = arith.constant true
        %reduce_sum3A_403 = vector.broadcast %reduce_sum3A_402 : i1 to vector<16xi1>
        %reduce_sum3A_404 = tpu.scan <sum>, %get3A_401 masked %reduce_sum3A_403 : vector<16xi32>, vector<16xi1> -> vector<16xi32>
        %reduce_sum3A_405 = vector.extract %reduce_sum3A_404[15] : i32 from vector<16xi32>
        %add3A_406 = arith.addi %add3A_391, %reduce_sum3A_405 : i32
        %lt3A_407 = arith.constant 0 : i32
        %lt3A_408 = arith.cmpi slt, %select_n3A_399, %lt3A_407 : i32
        %ge3A_409 = arith.constant 64 : i32
        %ge3A_410 = arith.cmpi sge, %add3A_406, %ge3A_409 : i32
        %and3A_411 = arith.andi %lt3A_408, %ge3A_410 : i1
        %select_n3A_412 = arith.select %and3A_411, %add3A_391, %select_n3A_397 : i32
        %jit3A_413 = arith.constant 11 : i32
        %select_n3A_414 = arith.select %and3A_411, %jit3A_413, %select_n3A_399 : i32
        %get3A_415 = arith.constant 192 : index
        %get3A_416 = tpu.vector_load %arg26[%get3A_415] {strides = array<i32>} : memref<288xi32, #tpu.memory_space<vmem>>, vector<16xi32>,
        %reduce_sum3A_417 = arith.constant true
        %reduce_sum3A_418 = vector.broadcast %reduce_sum3A_417 : i1 to vector<16xi1>
        %reduce_sum3A_419 = tpu.scan <sum>, %get3A_416 masked %reduce_sum3A_418 : vector<16xi32>, vector<16xi1> -> vector<16xi32>
        %reduce_sum3A_420 = vector.extract %reduce_sum3A_419[15] : i32 from vector<16xi32>
        %add3A_421 = arith.addi %add3A_406, %reduce_sum3A_420 : i32
        %lt3A_422 = arith.constant 0 : i32
        %lt3A_423 = arith.cmpi slt, %select_n3A_414, %lt3A_422 : i32
        %ge3A_424 = arith.constant 64 : i32
        %ge3A_425 = arith.cmpi sge, %add3A_421, %ge3A_424 : i32
        %and3A_426 = arith.andi %lt3A_423, %ge3A_425 : i1
        %select_n3A_427 = arith.select %and3A_426, %add3A_406, %select_n3A_412 : i32
        %jit3A_428 = arith.constant 12 : i32
        %select_n3A_429 = arith.select %and3A_426, %jit3A_428, %select_n3A_414 : i32
        %get3A_430 = arith.constant 208 : index
        %get3A_431 = tpu.vector_load %arg26[%get3A_430] {strides = array<i32>} : memref<288xi32, #tpu.memory_space<vmem>>, vector<16xi32>,
        %reduce_sum3A_432 = arith.constant true
        %reduce_sum3A_433 = vector.broadcast %reduce_sum3A_432 : i1 to vector<16xi1>
        %reduce_sum3A_434 = tpu.scan <sum>, %get3A_431 masked %reduce_sum3A_433 : vector<16xi32>, vector<16xi1> -> vector<16xi32>
        %reduce_sum3A_435 = vector.extract %reduce_sum3A_434[15] : i32 from vector<16xi32>
        %add3A_436 = arith.addi %add3A_421, %reduce_sum3A_435 : i32
        %lt3A_437 = arith.constant 0 : i32
        %lt3A_438 = arith.cmpi slt, %select_n3A_429, %lt3A_437 : i32
        %ge3A_439 = arith.constant 64 : i32
        %ge3A_440 = arith.cmpi sge, %add3A_436, %ge3A_439 : i32
        %and3A_441 = arith.andi %lt3A_438, %ge3A_440 : i1
        %select_n3A_442 = arith.select %and3A_441, %add3A_421, %select_n3A_427 : i32
        %jit3A_443 = arith.constant 13 : i32
        %select_n3A_444 = arith.select %and3A_441, %jit3A_443, %select_n3A_429 : i32
        %get3A_445 = arith.constant 224 : index
        %get3A_446 = tpu.vector_load %arg26[%get3A_445] {strides = array<i32>} : memref<288xi32, #tpu.memory_space<vmem>>, vector<16xi32>,
        %reduce_sum3A_447 = arith.constant true
        %reduce_sum3A_448 = vector.broadcast %reduce_sum3A_447 : i1 to vector<16xi1>
        %reduce_sum3A_449 = tpu.scan <sum>, %get3A_446 masked %reduce_sum3A_448 : vector<16xi32>, vector<16xi1> -> vector<16xi32>
        %reduce_sum3A_450 = vector.extract %reduce_sum3A_449[15] : i32 from vector<16xi32>
        %add3A_451 = arith.addi %add3A_436, %reduce_sum3A_450 : i32
        %lt3A_452 = arith.constant 0 : i32
        %lt3A_453 = arith.cmpi slt, %select_n3A_444, %lt3A_452 : i32
        %ge3A_454 = arith.constant 64 : i32
        %ge3A_455 = arith.cmpi sge, %add3A_451, %ge3A_454 : i32
        %and3A_456 = arith.andi %lt3A_453, %ge3A_455 : i1
        %select_n3A_457 = arith.select %and3A_456, %add3A_436, %select_n3A_442 : i32
        %jit3A_458 = arith.constant 14 : i32
        %select_n3A_459 = arith.select %and3A_456, %jit3A_458, %select_n3A_444 : i32
        %get3A_460 = arith.constant 240 : index
        %get3A_461 = tpu.vector_load %arg26[%get3A_460] {strides = array<i32>} : memref<288xi32, #tpu.memory_space<vmem>>, vector<16xi32>,
        %reduce_sum3A_462 = arith.constant true
        %reduce_sum3A_463 = vector.broadcast %reduce_sum3A_462 : i1 to vector<16xi1>
        %reduce_sum3A_464 = tpu.scan <sum>, %get3A_461 masked %reduce_sum3A_463 : vector<16xi32>, vector<16xi1> -> vector<16xi32>
        %reduce_sum3A_465 = vector.extract %reduce_sum3A_464[15] : i32 from vector<16xi32>
        %add3A_466 = arith.addi %add3A_451, %reduce_sum3A_465 : i32
        %lt3A_467 = arith.constant 0 : i32
        %lt3A_468 = arith.cmpi slt, %select_n3A_459, %lt3A_467 : i32
        %ge3A_469 = arith.constant 64 : i32
        %ge3A_470 = arith.cmpi sge, %add3A_466, %ge3A_469 : i32
        %and3A_471 = arith.andi %lt3A_468, %ge3A_470 : i1
        %select_n3A_472 = arith.select %and3A_471, %add3A_451, %select_n3A_457 : i32
        %jit3A_473 = arith.constant 15 : i32
        %select_n3A_474 = arith.select %and3A_471, %jit3A_473, %select_n3A_459 : i32
        %get3A_475 = arith.constant 256 : index
        %get3A_476 = tpu.vector_load %arg26[%get3A_475] {strides = array<i32>} : memref<288xi32, #tpu.memory_space<vmem>>, vector<16xi32>,
        %reduce_sum3A_477 = arith.constant true
        %reduce_sum3A_478 = vector.broadcast %reduce_sum3A_477 : i1 to vector<16xi1>
        %reduce_sum3A_479 = tpu.scan <sum>, %get3A_476 masked %reduce_sum3A_478 : vector<16xi32>, vector<16xi1> -> vector<16xi32>
        %reduce_sum3A_480 = vector.extract %reduce_sum3A_479[15] : i32 from vector<16xi32>
        %add3A_481 = arith.addi %add3A_466, %reduce_sum3A_480 : i32
        %lt3A_482 = arith.constant 0 : i32
        %lt3A_483 = arith.cmpi slt, %select_n3A_474, %lt3A_482 : i32
        %ge3A_484 = arith.constant 64 : i32
        %ge3A_485 = arith.cmpi sge, %add3A_481, %ge3A_484 : i32
        %and3A_486 = arith.andi %lt3A_483, %ge3A_485 : i1
        %select_n3A_487 = arith.select %and3A_486, %add3A_466, %select_n3A_472 : i32
        %jit3A_488 = arith.constant 16 : i32
        %select_n3A_489 = arith.select %and3A_486, %jit3A_488, %select_n3A_474 : i32
        %mul3A_490 = arith.constant 16 : i32
        %mul3A_491 = arith.muli %select_n3A_231, %mul3A_490 : i32
        %broadcast_in_dim3A_492 = arith.constant 0 : i32
        %broadcast_in_dim3A_493 = vector.broadcast %broadcast_in_dim3A_492 : i32 to vector<16xi32>
        %broadcast_in_dim3A_494 = arith.constant 0 : i32
        %broadcast_in_dim3A_495 = vector.broadcast %broadcast_in_dim3A_494 : i32 to vector<16xi32>
        %parallel_loop3A_496 = arith.constant 0 : i32
        %parallel_loop3A_497 = arith.constant 16 : i32
        %parallel_loop3A_498:2 = scf.for %parallel_loop3A_546 = %parallel_loop3A_496 to %mul3A_491 step %parallel_loop3A_497 iter_args(%parallel_loop3A_547 = %broadcast_in_dim3A_493, %parallel_loop3A_548 = %broadcast_in_dim3A_495) -> (vector<16xi32>, vector<16xi32>)  : i32 {
          %parallel_loop3A_549 = arith.constant 16 : i32
          %parallel_loop3A_550 = arith.divsi %parallel_loop3A_546, %parallel_loop3A_549 : i32
          %parallel_loop3A_551 = arith.constant 0 : i32
          %parallel_loop3A_552 = arith.cmpi sgt, %parallel_loop3A_546, %parallel_loop3A_551 : i32
          %parallel_loop3A_553 = arith.extui %parallel_loop3A_552 : i1 to i32
          %parallel_loop3A_554 = arith.constant 0 : i32
          %parallel_loop3A_555 = arith.cmpi slt, %parallel_loop3A_546, %parallel_loop3A_554 : i32
          %parallel_loop3A_556 = arith.extui %parallel_loop3A_555 : i1 to i32
          %parallel_loop3A_557 = arith.subi %parallel_loop3A_553, %parallel_loop3A_556 : i32
          %parallel_loop3A_558 = arith.constant 0 : i32
          %parallel_loop3A_559 = arith.cmpi sgt, %parallel_loop3A_549, %parallel_loop3A_558 : i32
          %parallel_loop3A_560 = arith.extui %parallel_loop3A_559 : i1 to i32
          %parallel_loop3A_561 = arith.constant 0 : i32
          %parallel_loop3A_562 = arith.cmpi slt, %parallel_loop3A_549, %parallel_loop3A_561 : i32
          %parallel_loop3A_563 = arith.extui %parallel_loop3A_562 : i1 to i32
          %parallel_loop3A_564 = arith.subi %parallel_loop3A_560, %parallel_loop3A_563 : i32
          %parallel_loop3A_565 = arith.cmpi ne, %parallel_loop3A_557, %parallel_loop3A_564 : i32
          %parallel_loop3A_566 = arith.remsi %parallel_loop3A_546, %parallel_loop3A_549 : i32
          %parallel_loop3A_567 = arith.constant 0 : i32
          %parallel_loop3A_568 = arith.cmpi ne, %parallel_loop3A_566, %parallel_loop3A_567 : i32
          %parallel_loop3A_569 = arith.andi %parallel_loop3A_565, %parallel_loop3A_568 : i1
          %parallel_loop3A_570 = arith.constant 1 : i32
          %parallel_loop3A_571 = arith.subi %parallel_loop3A_550, %parallel_loop3A_570 : i32
          %parallel_loop3A_572 = arith.select %parallel_loop3A_569, %parallel_loop3A_571, %parallel_loop3A_550 : i32
          %parallel_loop3A_573 = vector.broadcast %parallel_loop3A_546 : i32 to vector<16xi32>
          %parallel_loop3A_574 = arith.addi %parallel_loop3A_573, %iota3A : vector<16xi32>
          %parallel_loop3A_575 = vector.broadcast %reduce_max3A_142 : i32 to vector<16xi32>
          %parallel_loop3A_576 = arith.cmpi slt, %parallel_loop3A_574, %parallel_loop3A_575 : vector<16xi32>
          %parallel_loop3A_577 = arith.constant 16 : i32
          %parallel_loop3A_578 = arith.muli %parallel_loop3A_572, %parallel_loop3A_577 : i32
          %parallel_loop3A_579 = arith.index_cast %parallel_loop3A_578 : i32 to index
          %parallel_loop3A_580 = tpu.vector_load %arg22[%parallel_loop3A_579] {strides = array<i32>} : memref<10240xf32, #tpu.memory_space<vmem>>, vector<16xf32>,
          %parallel_loop3A_581 = arith.constant 16 : i32
          %parallel_loop3A_582 = arith.muli %parallel_loop3A_572, %parallel_loop3A_581 : i32
          %parallel_loop3A_583 = arith.index_cast %parallel_loop3A_582 : i32 to index
          %parallel_loop3A_584 = tpu.vector_load %arg23[%parallel_loop3A_583] {strides = array<i32>} : memref<10240xi32, #tpu.memory_space<vmem>>, vector<16xi32>,
          %parallel_loop3A_585 = vector.broadcast %squeeze3A_5 : f32 to vector<16xf32>
          %parallel_loop3A_586 = arith.mulf %parallel_loop3A_580, %parallel_loop3A_585 : vector<16xf32>
          %parallel_loop3A_587 = arith.fptosi %parallel_loop3A_586 : vector<16xf32> to vector<16xi32>
          %parallel_loop3A_588 = arith.constant 16 : i32
          %parallel_loop3A_589 = vector.broadcast %parallel_loop3A_588 : i32 to vector<16xi32>
          %parallel_loop3A_590 = arith.minsi %parallel_loop3A_587, %parallel_loop3A_589 : vector<16xi32>
          %parallel_loop3A_591 = vector.broadcast %select_n3A_489 : i32 to vector<16xi32>
          %parallel_loop3A_592 = arith.cmpi slt, %parallel_loop3A_590, %parallel_loop3A_591 : vector<16xi32>
          %parallel_loop3A_593 = arith.andi %parallel_loop3A_592, %parallel_loop3A_576 : vector<16xi1>
          %parallel_loop3A_594 = arith.extui %parallel_loop3A_593 : vector<16xi1> to vector<16xi32>
          %parallel_loop3A_595 = arith.constant true
          %parallel_loop3A_596 = vector.broadcast %parallel_loop3A_595 : i1 to vector<16xi1>
          %parallel_loop3A_597 = tpu.scan <sum>, %parallel_loop3A_594 masked %parallel_loop3A_596 : vector<16xi32>, vector<16xi1> -> vector<16xi32>
          %parallel_loop3A_598 = vector.broadcast %mul3A_32 : i32 to vector<16xi32>
          %parallel_loop3A_599 = arith.addi %parallel_loop3A_598, %parallel_loop3A_547 : vector<16xi32>
          %parallel_loop3A_600 = arith.addi %parallel_loop3A_599, %parallel_loop3A_597 : vector<16xi32>
          %parallel_loop3A_601 = arith.constant 1 : i32
          %parallel_loop3A_602 = vector.broadcast %parallel_loop3A_601 : i32 to vector<16xi32>
          %parallel_loop3A_603 = arith.subi %parallel_loop3A_600, %parallel_loop3A_602 : vector<16xi32>
          tpu.vector_store_idx %arg27[%parallel_loop3A_603], %parallel_loop3A_584 masked %parallel_loop3A_593 : memref<5120xi32, #tpu.memory_space<vmem>>[vector<16xi32>], vector<16xi32>, vector<16xi1>
          %parallel_loop3A_604 = tpu.all_reduce %parallel_loop3A_593 {dim = 0 : i64, kind = #tpu.reduction_kind<sum>} : vector<16xi1> -> vector<16xi32>
          %parallel_loop3A_605 = arith.addi %parallel_loop3A_547, %parallel_loop3A_604 : vector<16xi32>
          %parallel_loop3A_606 = vector.broadcast %select_n3A_489 : i32 to vector<16xi32>
          %parallel_loop3A_607 = arith.cmpi eq, %parallel_loop3A_590, %parallel_loop3A_606 : vector<16xi32>
          %parallel_loop3A_608 = arith.andi %parallel_loop3A_607, %parallel_loop3A_576 : vector<16xi1>
          %parallel_loop3A_609 = arith.extui %parallel_loop3A_608 : vector<16xi1> to vector<16xi32>
          %parallel_loop3A_610 = arith.constant true
          %parallel_loop3A_611 = vector.broadcast %parallel_loop3A_610 : i1 to vector<16xi1>
          %parallel_loop3A_612 = tpu.scan <sum>, %parallel_loop3A_609 masked %parallel_loop3A_611 : vector<16xi32>, vector<16xi1> -> vector<16xi32>
          %parallel_loop3A_613 = arith.addi %parallel_loop3A_548, %parallel_loop3A_612 : vector<16xi32>
          %parallel_loop3A_614 = arith.constant 1 : i32
          %parallel_loop3A_615 = vector.broadcast %parallel_loop3A_614 : i32 to vector<16xi32>
          %parallel_loop3A_616 = arith.subi %parallel_loop3A_613, %parallel_loop3A_615 : vector<16xi32>
          tpu.vector_store_idx %arg24[%parallel_loop3A_616], %parallel_loop3A_580 masked %parallel_loop3A_608 : memref<10240xf32, #tpu.memory_space<vmem>>[vector<16xi32>], vector<16xf32>, vector<16xi1>
          %parallel_loop3A_617 = arith.addi %parallel_loop3A_548, %parallel_loop3A_612 : vector<16xi32>
          %parallel_loop3A_618 = arith.constant 1 : i32
          %parallel_loop3A_619 = vector.broadcast %parallel_loop3A_618 : i32 to vector<16xi32>
          %parallel_loop3A_620 = arith.subi %parallel_loop3A_617, %parallel_loop3A_619 : vector<16xi32>
          tpu.vector_store_idx %arg25[%parallel_loop3A_620], %parallel_loop3A_584 masked %parallel_loop3A_608 : memref<10240xi32, #tpu.memory_space<vmem>>[vector<16xi32>], vector<16xi32>, vector<16xi1>
          %parallel_loop3A_621 = tpu.all_reduce %parallel_loop3A_608 {dim = 0 : i64, kind = #tpu.reduction_kind<sum>} : vector<16xi1> -> vector<16xi32>
          %parallel_loop3A_622 = arith.addi %parallel_loop3A_548, %parallel_loop3A_621 : vector<16xi32>
          scf.yield %parallel_loop3A_605, %parallel_loop3A_622 : vector<16xi32>, vector<16xi32>
        } {sc.loop_unroll_factor = 2 : i64, sc.parallel_access}
        %reduce_max3A_499 = arith.constant true
        %reduce_max3A_500 = vector.broadcast %reduce_max3A_499 : i1 to vector<16xi1>
        %reduce_max3A_501 = arith.constant -2147483648 : i32
        %reduce_max3A_502 = vector.broadcast %reduce_max3A_501 : i32 to vector<16xi32>
        %reduce_max3A_503 = arith.xori %parallel_loop3A_498#1, %reduce_max3A_502 : vector<16xi32>
        %reduce_max3A_504 = tpu.scan <max>, %reduce_max3A_503 masked %reduce_max3A_500 : vector<16xi32>, vector<16xi1> -> vector<16xi32>
        %reduce_max3A_505 = arith.xori %reduce_max3A_504, %reduce_max3A_502 : vector<16xi32>
        %reduce_max3A_506 = vector.extract %reduce_max3A_505[15] : i32 from vector<16xi32>
        %add3A_507 = arith.constant 15 : i32
        %add3A_508 = arith.addi %reduce_max3A_506, %add3A_507 : i32
        %jit3A_509 = arith.constant 16 : i32
        %div3A_510 = arith.divsi %add3A_508, %jit3A_509 : i32
        %sign3A_511 = arith.constant 0 : i32
        %sign3A_512 = arith.cmpi sgt, %add3A_508, %sign3A_511 : i32
        %sign3A_513 = arith.extui %sign3A_512 : i1 to i32
        %sign3A_514 = arith.constant 0 : i32
        %sign3A_515 = arith.cmpi slt, %add3A_508, %sign3A_514 : i32
        %sign3A_516 = arith.extui %sign3A_515 : i1 to i32
        %sign3A_517 = arith.subi %sign3A_513, %sign3A_516 : i32
        %sign3A_518 = arith.constant 0 : i32
        %sign3A_519 = arith.cmpi sgt, %jit3A_509, %sign3A_518 : i32
        %sign3A_520 = arith.extui %sign3A_519 : i1 to i32
        %sign3A_521 = arith.constant 0 : i32
        %sign3A_522 = arith.cmpi slt, %jit3A_509, %sign3A_521 : i32
        %sign3A_523 = arith.extui %sign3A_522 : i1 to i32
        %sign3A_524 = arith.subi %sign3A_520, %sign3A_523 : i32
        %ne3A_525 = arith.cmpi ne, %sign3A_517, %sign3A_524 : i32
        %rem3A_526 = arith.remsi %add3A_508, %jit3A_509 : i32
        %ne3A_527 = arith.constant 0 : i32
        %ne3A_528 = arith.cmpi ne, %rem3A_526, %ne3A_527 : i32
        %and3A_529 = arith.andi %ne3A_525, %ne3A_528 : i1
        %sub3A_530 = arith.constant 1 : i32
        %sub3A_531 = arith.subi %div3A_510, %sub3A_530 : i32
        %select_n3A_532 = arith.select %and3A_529, %sub3A_531, %div3A_510 : i32
        %sub3A_533 = arith.constant 64 : i32
        %sub3A_534 = arith.subi %sub3A_533, %select_n3A_487 : i32
        %while3A = arith.constant 0 : i32
        %while3A_535 = arith.constant 0 : i32
        %while3A_536 = arith.subi %sub3A_534, %while3A : i32
        %while3A_537 = arith.addi %while3A, %while3A_536 : i32
        %while3A_538 = arith.constant 1 : i32
        %while3A_539 = arith.divsi %while3A_536, %while3A_538 : i32
        %while3A_540 = arith.muli %while3A_539, %while3A_538 : i32
        %while3A_541 = arith.addi %while3A, %while3A_540 : i32
        %while3A_542 = arith.constant 1 : i32
        %while3A_543 = scf.for %while3A_546 = %while3A to %while3A_541 step %while3A_542 iter_args(%while3A_547 = %while3A_535) -> (i32)  : i32 {
          %while3A_548 = arith.constant 0 : i32
          %while3A_549 = arith.subi %select_n3A_532, %while3A_548 : i32
          %while3A_550 = arith.addi %while3A_548, %while3A_549 : i32
          %while3A_551 = arith.constant 1 : i32
          %while3A_552 = arith.divsi %while3A_549, %while3A_551 : i32
          %while3A_553 = arith.muli %while3A_552, %while3A_551 : i32
          %while3A_554 = arith.addi %while3A_548, %while3A_553 : i32
          %while3A_555 = arith.constant 1 : i32
          %while3A_556 = scf.for %while3A_600 = %while3A_548 to %while3A_554 step %while3A_555 iter_args(%while3A_601 = %broadcast_in_dim3A_14) -> (vector<16xf32>)  : i32 {
            %mul3A_602 = arith.constant 16 : i32
            %mul3A_603 = arith.muli %while3A_600, %mul3A_602 : i32
            %add3A_604 = vector.broadcast %mul3A_603 : i32 to vector<16xi32>
            %add3A_605 = arith.addi %add3A_604, %iota3A : vector<16xi32>
            %lt3A_606 = vector.broadcast %reduce_max3A_506 : i32 to vector<16xi32>
            %lt3A_607 = arith.cmpi slt, %add3A_605, %lt3A_606 : vector<16xi32>
            %mul3A_608 = arith.constant 16 : i32
            %mul3A_609 = arith.muli %while3A_600, %mul3A_608 : i32
            %get3A_610 = arith.index_cast %mul3A_609 : i32 to index
            %get3A_611 = tpu.vector_load %arg24[%get3A_610] {strides = array<i32>} : memref<10240xf32, #tpu.memory_space<vmem>>, vector<16xf32>,
            %select_n3A_612 = arith.select %lt3A_607, %get3A_611, %broadcast_in_dim3A_14 : vector<16xi1>, vector<16xf32>
            %min3A_613 = arith.minimumf %while3A_601, %select_n3A_612 : vector<16xf32>
            scf.yield %min3A_613 : vector<16xf32>
          }
          %while3A_557 = arith.constant 1 : i32
          %while3A_558 = scf.for %while3A_600 = %while3A_554 to %while3A_550 step %while3A_557 iter_args(%while3A_601 = %while3A_556) -> (vector<16xf32>)  : i32 {
            %mul3A_602 = arith.constant 16 : i32
            %mul3A_603 = arith.muli %while3A_600, %mul3A_602 : i32
            %add3A_604 = vector.broadcast %mul3A_603 : i32 to vector<16xi32>
            %add3A_605 = arith.addi %add3A_604, %iota3A : vector<16xi32>
            %lt3A_606 = vector.broadcast %reduce_max3A_506 : i32 to vector<16xi32>
            %lt3A_607 = arith.cmpi slt, %add3A_605, %lt3A_606 : vector<16xi32>
            %mul3A_608 = arith.constant 16 : i32
            %mul3A_609 = arith.muli %while3A_600, %mul3A_608 : i32
            %get3A_610 = arith.index_cast %mul3A_609 : i32 to index
            %get3A_611 = tpu.vector_load %arg24[%get3A_610] {strides = array<i32>} : memref<10240xf32, #tpu.memory_space<vmem>>, vector<16xf32>,
            %select_n3A_612 = arith.select %lt3A_607, %get3A_611, %broadcast_in_dim3A_14 : vector<16xi1>, vector<16xf32>
            %min3A_613 = arith.minimumf %while3A_601, %select_n3A_612 : vector<16xf32>
            scf.yield %min3A_613 : vector<16xf32>
          }
          %reduce_min3A = arith.constant true
          %reduce_min3A_559 = vector.broadcast %reduce_min3A : i1 to vector<16xi1>
          %reduce_min3A_560 = tpu.scan <min>, %while3A_558 masked %reduce_min3A_559 : vector<16xf32>, vector<16xi1> -> vector<16xf32>
          %reduce_min3A_561 = vector.extract %reduce_min3A_560[15] : f32 from vector<16xf32>
          %while3A_562 = arith.constant 0 : i32
          %while3A_563 = arith.subi %select_n3A_532, %while3A_562 : i32
          %while3A_564 = arith.addi %while3A_562, %while3A_563 : i32
          %while3A_565 = arith.constant 1 : i32
          %while3A_566 = arith.divsi %while3A_563, %while3A_565 : i32
          %while3A_567 = arith.muli %while3A_566, %while3A_565 : i32
          %while3A_568 = arith.addi %while3A_562, %while3A_567 : i32
          %while3A_569 = arith.constant 1 : i32
          %while3A_570 = scf.for %while3A_600 = %while3A_562 to %while3A_568 step %while3A_569 iter_args(%while3A_601 = %broadcast_in_dim3A_16) -> (vector<16xi32>)  : i32 {
            %mul3A_602 = arith.constant 16 : i32
            %mul3A_603 = arith.muli %while3A_600, %mul3A_602 : i32
            %add3A_604 = vector.broadcast %mul3A_603 : i32 to vector<16xi32>
            %add3A_605 = arith.addi %add3A_604, %iota3A : vector<16xi32>
            %lt3A_606 = vector.broadcast %reduce_max3A_506 : i32 to vector<16xi32>
            %lt3A_607 = arith.cmpi slt, %add3A_605, %lt3A_606 : vector<16xi32>
            %mul3A_608 = arith.constant 16 : i32
            %mul3A_609 = arith.muli %while3A_600, %mul3A_608 : i32
            %get3A_610 = arith.index_cast %mul3A_609 : i32 to index
            %get3A_611 = tpu.vector_load %arg24[%get3A_610] {strides = array<i32>} : memref<10240xf32, #tpu.memory_space<vmem>>, vector<16xf32>,
            %mul3A_612 = arith.constant 16 : i32
            %mul3A_613 = arith.muli %while3A_600, %mul3A_612 : i32
            %get3A_614 = arith.index_cast %mul3A_613 : i32 to index
            %get3A_615 = tpu.vector_load %arg25[%get3A_614] {strides = array<i32>} : memref<10240xi32, #tpu.memory_space<vmem>>, vector<16xi32>,
            %eq3A_616 = vector.broadcast %reduce_min3A_561 : f32 to vector<16xf32>
            %eq3A_617 = arith.cmpf oeq, %get3A_611, %eq3A_616 : vector<16xf32>
            %and3A_618 = arith.andi %lt3A_607, %eq3A_617 : vector<16xi1>
            %select_n3A_619 = arith.select %and3A_618, %get3A_615, %broadcast_in_dim3A_16 : vector<16xi1>, vector<16xi32>
            %min3A_620 = arith.minsi %while3A_601, %select_n3A_619 : vector<16xi32>
            scf.yield %min3A_620 : vector<16xi32>
          }
          %while3A_571 = arith.constant 1 : i32
          %while3A_572 = scf.for %while3A_600 = %while3A_568 to %while3A_564 step %while3A_571 iter_args(%while3A_601 = %while3A_570) -> (vector<16xi32>)  : i32 {
            %mul3A_602 = arith.constant 16 : i32
            %mul3A_603 = arith.muli %while3A_600, %mul3A_602 : i32
            %add3A_604 = vector.broadcast %mul3A_603 : i32 to vector<16xi32>
            %add3A_605 = arith.addi %add3A_604, %iota3A : vector<16xi32>
            %lt3A_606 = vector.broadcast %reduce_max3A_506 : i32 to vector<16xi32>
            %lt3A_607 = arith.cmpi slt, %add3A_605, %lt3A_606 : vector<16xi32>
            %mul3A_608 = arith.constant 16 : i32
            %mul3A_609 = arith.muli %while3A_600, %mul3A_608 : i32
            %get3A_610 = arith.index_cast %mul3A_609 : i32 to index
            %get3A_611 = tpu.vector_load %arg24[%get3A_610] {strides = array<i32>} : memref<10240xf32, #tpu.memory_space<vmem>>, vector<16xf32>,
            %mul3A_612 = arith.constant 16 : i32
            %mul3A_613 = arith.muli %while3A_600, %mul3A_612 : i32
            %get3A_614 = arith.index_cast %mul3A_613 : i32 to index
            %get3A_615 = tpu.vector_load %arg25[%get3A_614] {strides = array<i32>} : memref<10240xi32, #tpu.memory_space<vmem>>, vector<16xi32>,
            %eq3A_616 = vector.broadcast %reduce_min3A_561 : f32 to vector<16xf32>
            %eq3A_617 = arith.cmpf oeq, %get3A_611, %eq3A_616 : vector<16xf32>
            %and3A_618 = arith.andi %lt3A_607, %eq3A_617 : vector<16xi1>
            %select_n3A_619 = arith.select %and3A_618, %get3A_615, %broadcast_in_dim3A_16 : vector<16xi1>, vector<16xi32>
            %min3A_620 = arith.minsi %while3A_601, %select_n3A_619 : vector<16xi32>
            scf.yield %min3A_620 : vector<16xi32>
          }
          %reduce_min3A_573 = arith.constant true
          %reduce_min3A_574 = vector.broadcast %reduce_min3A_573 : i1 to vector<16xi1>
          %reduce_min3A_575 = arith.constant -2147483648 : i32
          %reduce_min3A_576 = vector.broadcast %reduce_min3A_575 : i32 to vector<16xi32>
          %reduce_min3A_577 = arith.xori %while3A_572, %reduce_min3A_576 : vector<16xi32>
          %reduce_min3A_578 = tpu.scan <min>, %reduce_min3A_577 masked %reduce_min3A_574 : vector<16xi32>, vector<16xi1> -> vector<16xi32>
          %reduce_min3A_579 = arith.xori %reduce_min3A_578, %reduce_min3A_576 : vector<16xi32>
          %reduce_min3A_580 = vector.extract %reduce_min3A_579[15] : i32 from vector<16xi32>
          %while3A_581 = arith.constant 0 : i32
          %while3A_582 = arith.constant 0 : i32
          %while3A_583 = arith.subi %select_n3A_532, %while3A_581 : i32
          %while3A_584 = arith.addi %while3A_581, %while3A_583 : i32
          %while3A_585 = arith.constant 1 : i32
          %while3A_586 = arith.divsi %while3A_583, %while3A_585 : i32
          %while3A_587 = arith.muli %while3A_586, %while3A_585 : i32
          %while3A_588 = arith.addi %while3A_581, %while3A_587 : i32
          %while3A_589 = arith.constant 1 : i32
          %while3A_590 = scf.for %while3A_600 = %while3A_581 to %while3A_588 step %while3A_589 iter_args(%while3A_601 = %while3A_582) -> (i32)  : i32 {
            %mul3A_602 = arith.constant 16 : i32
            %mul3A_603 = arith.muli %while3A_600, %mul3A_602 : i32
            %add3A_604 = vector.broadcast %mul3A_603 : i32 to vector<16xi32>
            %add3A_605 = arith.addi %add3A_604, %iota3A : vector<16xi32>
            %lt3A_606 = vector.broadcast %reduce_max3A_506 : i32 to vector<16xi32>
            %lt3A_607 = arith.cmpi slt, %add3A_605, %lt3A_606 : vector<16xi32>
            %mul3A_608 = arith.constant 16 : i32
            %mul3A_609 = arith.muli %while3A_600, %mul3A_608 : i32
            %get3A_610 = arith.index_cast %mul3A_609 : i32 to index
            %get3A_611 = tpu.vector_load %arg24[%get3A_610] {strides = array<i32>} : memref<10240xf32, #tpu.memory_space<vmem>>, vector<16xf32>,
            %mul3A_612 = arith.constant 16 : i32
            %mul3A_613 = arith.muli %while3A_600, %mul3A_612 : i32
            %get3A_614 = arith.index_cast %mul3A_613 : i32 to index
            %get3A_615 = tpu.vector_load %arg25[%get3A_614] {strides = array<i32>} : memref<10240xi32, #tpu.memory_space<vmem>>, vector<16xi32>,
            %eq3A_616 = vector.broadcast %reduce_min3A_561 : f32 to vector<16xf32>
            %eq3A_617 = arith.cmpf oeq, %get3A_611, %eq3A_616 : vector<16xf32>
            %and3A_618 = arith.andi %lt3A_607, %eq3A_617 : vector<16xi1>
            %eq3A_619 = vector.broadcast %reduce_min3A_580 : i32 to vector<16xi32>
            %eq3A_620 = arith.cmpi eq, %get3A_615, %eq3A_619 : vector<16xi32>
            %and3A_621 = arith.andi %and3A_618, %eq3A_620 : vector<16xi1>
            tpu.vector_store_idx %arg24[%add3A_605], %broadcast_in_dim3A_14 masked %and3A_621 : memref<10240xf32, #tpu.memory_space<vmem>>[vector<16xi32>], vector<16xf32>, vector<16xi1>
            %while3A_622 = arith.constant 0 : i32
            scf.yield %while3A_622 : i32
          }
          %while3A_591 = arith.constant 1 : i32
          %while3A_592 = scf.for %while3A_600 = %while3A_588 to %while3A_584 step %while3A_591 iter_args(%while3A_601 = %while3A_590) -> (i32)  : i32 {
            %mul3A_602 = arith.constant 16 : i32
            %mul3A_603 = arith.muli %while3A_600, %mul3A_602 : i32
            %add3A_604 = vector.broadcast %mul3A_603 : i32 to vector<16xi32>
            %add3A_605 = arith.addi %add3A_604, %iota3A : vector<16xi32>
            %lt3A_606 = vector.broadcast %reduce_max3A_506 : i32 to vector<16xi32>
            %lt3A_607 = arith.cmpi slt, %add3A_605, %lt3A_606 : vector<16xi32>
            %mul3A_608 = arith.constant 16 : i32
            %mul3A_609 = arith.muli %while3A_600, %mul3A_608 : i32
            %get3A_610 = arith.index_cast %mul3A_609 : i32 to index
            %get3A_611 = tpu.vector_load %arg24[%get3A_610] {strides = array<i32>} : memref<10240xf32, #tpu.memory_space<vmem>>, vector<16xf32>,
            %mul3A_612 = arith.constant 16 : i32
            %mul3A_613 = arith.muli %while3A_600, %mul3A_612 : i32
            %get3A_614 = arith.index_cast %mul3A_613 : i32 to index
            %get3A_615 = tpu.vector_load %arg25[%get3A_614] {strides = array<i32>} : memref<10240xi32, #tpu.memory_space<vmem>>, vector<16xi32>,
            %eq3A_616 = vector.broadcast %reduce_min3A_561 : f32 to vector<16xf32>
            %eq3A_617 = arith.cmpf oeq, %get3A_611, %eq3A_616 : vector<16xf32>
            %and3A_618 = arith.andi %lt3A_607, %eq3A_617 : vector<16xi1>
            %eq3A_619 = vector.broadcast %reduce_min3A_580 : i32 to vector<16xi32>
            %eq3A_620 = arith.cmpi eq, %get3A_615, %eq3A_619 : vector<16xi32>
            %and3A_621 = arith.andi %and3A_618, %eq3A_620 : vector<16xi1>
            tpu.vector_store_idx %arg24[%add3A_605], %broadcast_in_dim3A_14 masked %and3A_621 : memref<10240xf32, #tpu.memory_space<vmem>>[vector<16xi32>], vector<16xf32>, vector<16xi1>
            %while3A_622 = arith.constant 0 : i32
            scf.yield %while3A_622 : i32
          }
          %add3A_593 = arith.addi %mul3A_32, %select_n3A_487 : i32
          %add3A_594 = arith.addi %add3A_593, %while3A_546 : i32
          %broadcast_in_dim3A_595 = vector.broadcast %add3A_594 : i32 to vector<16xi32>
          %broadcast_in_dim3A_596 = vector.broadcast %reduce_min3A_580 : i32 to vector<16xi32>
          %eq3A = arith.constant 0 : i32
          %eq3A_597 = vector.broadcast %eq3A : i32 to vector<16xi32>
          %eq3A_598 = arith.cmpi eq, %iota3A, %eq3A_597 : vector<16xi32>
          tpu.vector_store_idx %arg27[%broadcast_in_dim3A_595], %broadcast_in_dim3A_596 masked %eq3A_598 : memref<5120xi32, #tpu.memory_space<vmem>>[vector<16xi32>], vector<16xi32>, vector<16xi1>
          %while3A_599 = arith.constant 0 : i32
          scf.yield %while3A_599 : i32
        }
        %while3A_544 = arith.constant 1 : i32
        %while3A_545 = scf.for %while3A_546 = %while3A_541 to %while3A_537 step %while3A_544 iter_args(%while3A_547 = %while3A_543) -> (i32)  : i32 {
          %while3A_548 = arith.constant 0 : i32
          %while3A_549 = arith.subi %select_n3A_532, %while3A_548 : i32
          %while3A_550 = arith.addi %while3A_548, %while3A_549 : i32
          %while3A_551 = arith.constant 1 : i32
          %while3A_552 = arith.divsi %while3A_549, %while3A_551 : i32
          %while3A_553 = arith.muli %while3A_552, %while3A_551 : i32
          %while3A_554 = arith.addi %while3A_548, %while3A_553 : i32
          %while3A_555 = arith.constant 1 : i32
          %while3A_556 = scf.for %while3A_600 = %while3A_548 to %while3A_554 step %while3A_555 iter_args(%while3A_601 = %broadcast_in_dim3A_14) -> (vector<16xf32>)  : i32 {
            %mul3A_602 = arith.constant 16 : i32
            %mul3A_603 = arith.muli %while3A_600, %mul3A_602 : i32
            %add3A_604 = vector.broadcast %mul3A_603 : i32 to vector<16xi32>
            %add3A_605 = arith.addi %add3A_604, %iota3A : vector<16xi32>
            %lt3A_606 = vector.broadcast %reduce_max3A_506 : i32 to vector<16xi32>
            %lt3A_607 = arith.cmpi slt, %add3A_605, %lt3A_606 : vector<16xi32>
            %mul3A_608 = arith.constant 16 : i32
            %mul3A_609 = arith.muli %while3A_600, %mul3A_608 : i32
            %get3A_610 = arith.index_cast %mul3A_609 : i32 to index
            %get3A_611 = tpu.vector_load %arg24[%get3A_610] {strides = array<i32>} : memref<10240xf32, #tpu.memory_space<vmem>>, vector<16xf32>,
            %select_n3A_612 = arith.select %lt3A_607, %get3A_611, %broadcast_in_dim3A_14 : vector<16xi1>, vector<16xf32>
            %min3A_613 = arith.minimumf %while3A_601, %select_n3A_612 : vector<16xf32>
            scf.yield %min3A_613 : vector<16xf32>
          }
          %while3A_557 = arith.constant 1 : i32
          %while3A_558 = scf.for %while3A_600 = %while3A_554 to %while3A_550 step %while3A_557 iter_args(%while3A_601 = %while3A_556) -> (vector<16xf32>)  : i32 {
            %mul3A_602 = arith.constant 16 : i32
            %mul3A_603 = arith.muli %while3A_600, %mul3A_602 : i32
            %add3A_604 = vector.broadcast %mul3A_603 : i32 to vector<16xi32>
            %add3A_605 = arith.addi %add3A_604, %iota3A : vector<16xi32>
            %lt3A_606 = vector.broadcast %reduce_max3A_506 : i32 to vector<16xi32>
            %lt3A_607 = arith.cmpi slt, %add3A_605, %lt3A_606 : vector<16xi32>
            %mul3A_608 = arith.constant 16 : i32
            %mul3A_609 = arith.muli %while3A_600, %mul3A_608 : i32
            %get3A_610 = arith.index_cast %mul3A_609 : i32 to index
            %get3A_611 = tpu.vector_load %arg24[%get3A_610] {strides = array<i32>} : memref<10240xf32, #tpu.memory_space<vmem>>, vector<16xf32>,
            %select_n3A_612 = arith.select %lt3A_607, %get3A_611, %broadcast_in_dim3A_14 : vector<16xi1>, vector<16xf32>
            %min3A_613 = arith.minimumf %while3A_601, %select_n3A_612 : vector<16xf32>
            scf.yield %min3A_613 : vector<16xf32>
          }
          %reduce_min3A = arith.constant true
          %reduce_min3A_559 = vector.broadcast %reduce_min3A : i1 to vector<16xi1>
          %reduce_min3A_560 = tpu.scan <min>, %while3A_558 masked %reduce_min3A_559 : vector<16xf32>, vector<16xi1> -> vector<16xf32>
          %reduce_min3A_561 = vector.extract %reduce_min3A_560[15] : f32 from vector<16xf32>
          %while3A_562 = arith.constant 0 : i32
          %while3A_563 = arith.subi %select_n3A_532, %while3A_562 : i32
          %while3A_564 = arith.addi %while3A_562, %while3A_563 : i32
          %while3A_565 = arith.constant 1 : i32
          %while3A_566 = arith.divsi %while3A_563, %while3A_565 : i32
          %while3A_567 = arith.muli %while3A_566, %while3A_565 : i32
          %while3A_568 = arith.addi %while3A_562, %while3A_567 : i32
          %while3A_569 = arith.constant 1 : i32
          %while3A_570 = scf.for %while3A_600 = %while3A_562 to %while3A_568 step %while3A_569 iter_args(%while3A_601 = %broadcast_in_dim3A_16) -> (vector<16xi32>)  : i32 {
            %mul3A_602 = arith.constant 16 : i32
            %mul3A_603 = arith.muli %while3A_600, %mul3A_602 : i32
            %add3A_604 = vector.broadcast %mul3A_603 : i32 to vector<16xi32>
            %add3A_605 = arith.addi %add3A_604, %iota3A : vector<16xi32>
            %lt3A_606 = vector.broadcast %reduce_max3A_506 : i32 to vector<16xi32>
            %lt3A_607 = arith.cmpi slt, %add3A_605, %lt3A_606 : vector<16xi32>
            %mul3A_608 = arith.constant 16 : i32
            %mul3A_609 = arith.muli %while3A_600, %mul3A_608 : i32
            %get3A_610 = arith.index_cast %mul3A_609 : i32 to index
            %get3A_611 = tpu.vector_load %arg24[%get3A_610] {strides = array<i32>} : memref<10240xf32, #tpu.memory_space<vmem>>, vector<16xf32>,
            %mul3A_612 = arith.constant 16 : i32
            %mul3A_613 = arith.muli %while3A_600, %mul3A_612 : i32
            %get3A_614 = arith.index_cast %mul3A_613 : i32 to index
            %get3A_615 = tpu.vector_load %arg25[%get3A_614] {strides = array<i32>} : memref<10240xi32, #tpu.memory_space<vmem>>, vector<16xi32>,
            %eq3A_616 = vector.broadcast %reduce_min3A_561 : f32 to vector<16xf32>
            %eq3A_617 = arith.cmpf oeq, %get3A_611, %eq3A_616 : vector<16xf32>
            %and3A_618 = arith.andi %lt3A_607, %eq3A_617 : vector<16xi1>
            %select_n3A_619 = arith.select %and3A_618, %get3A_615, %broadcast_in_dim3A_16 : vector<16xi1>, vector<16xi32>
            %min3A_620 = arith.minsi %while3A_601, %select_n3A_619 : vector<16xi32>
            scf.yield %min3A_620 : vector<16xi32>
          }
          %while3A_571 = arith.constant 1 : i32
          %while3A_572 = scf.for %while3A_600 = %while3A_568 to %while3A_564 step %while3A_571 iter_args(%while3A_601 = %while3A_570) -> (vector<16xi32>)  : i32 {
            %mul3A_602 = arith.constant 16 : i32
            %mul3A_603 = arith.muli %while3A_600, %mul3A_602 : i32
            %add3A_604 = vector.broadcast %mul3A_603 : i32 to vector<16xi32>
            %add3A_605 = arith.addi %add3A_604, %iota3A : vector<16xi32>
            %lt3A_606 = vector.broadcast %reduce_max3A_506 : i32 to vector<16xi32>
            %lt3A_607 = arith.cmpi slt, %add3A_605, %lt3A_606 : vector<16xi32>
            %mul3A_608 = arith.constant 16 : i32
            %mul3A_609 = arith.muli %while3A_600, %mul3A_608 : i32
            %get3A_610 = arith.index_cast %mul3A_609 : i32 to index
            %get3A_611 = tpu.vector_load %arg24[%get3A_610] {strides = array<i32>} : memref<10240xf32, #tpu.memory_space<vmem>>, vector<16xf32>,
            %mul3A_612 = arith.constant 16 : i32
            %mul3A_613 = arith.muli %while3A_600, %mul3A_612 : i32
            %get3A_614 = arith.index_cast %mul3A_613 : i32 to index
            %get3A_615 = tpu.vector_load %arg25[%get3A_614] {strides = array<i32>} : memref<10240xi32, #tpu.memory_space<vmem>>, vector<16xi32>,
            %eq3A_616 = vector.broadcast %reduce_min3A_561 : f32 to vector<16xf32>
            %eq3A_617 = arith.cmpf oeq, %get3A_611, %eq3A_616 : vector<16xf32>
            %and3A_618 = arith.andi %lt3A_607, %eq3A_617 : vector<16xi1>
            %select_n3A_619 = arith.select %and3A_618, %get3A_615, %broadcast_in_dim3A_16 : vector<16xi1>, vector<16xi32>
            %min3A_620 = arith.minsi %while3A_601, %select_n3A_619 : vector<16xi32>
            scf.yield %min3A_620 : vector<16xi32>
          }
          %reduce_min3A_573 = arith.constant true
          %reduce_min3A_574 = vector.broadcast %reduce_min3A_573 : i1 to vector<16xi1>
          %reduce_min3A_575 = arith.constant -2147483648 : i32
          %reduce_min3A_576 = vector.broadcast %reduce_min3A_575 : i32 to vector<16xi32>
          %reduce_min3A_577 = arith.xori %while3A_572, %reduce_min3A_576 : vector<16xi32>
          %reduce_min3A_578 = tpu.scan <min>, %reduce_min3A_577 masked %reduce_min3A_574 : vector<16xi32>, vector<16xi1> -> vector<16xi32>
          %reduce_min3A_579 = arith.xori %reduce_min3A_578, %reduce_min3A_576 : vector<16xi32>
          %reduce_min3A_580 = vector.extract %reduce_min3A_579[15] : i32 from vector<16xi32>
          %while3A_581 = arith.constant 0 : i32
          %while3A_582 = arith.constant 0 : i32
          %while3A_583 = arith.subi %select_n3A_532, %while3A_581 : i32
          %while3A_584 = arith.addi %while3A_581, %while3A_583 : i32
          %while3A_585 = arith.constant 1 : i32
          %while3A_586 = arith.divsi %while3A_583, %while3A_585 : i32
          %while3A_587 = arith.muli %while3A_586, %while3A_585 : i32
          %while3A_588 = arith.addi %while3A_581, %while3A_587 : i32
          %while3A_589 = arith.constant 1 : i32
          %while3A_590 = scf.for %while3A_600 = %while3A_581 to %while3A_588 step %while3A_589 iter_args(%while3A_601 = %while3A_582) -> (i32)  : i32 {
            %mul3A_602 = arith.constant 16 : i32
            %mul3A_603 = arith.muli %while3A_600, %mul3A_602 : i32
            %add3A_604 = vector.broadcast %mul3A_603 : i32 to vector<16xi32>
            %add3A_605 = arith.addi %add3A_604, %iota3A : vector<16xi32>
            %lt3A_606 = vector.broadcast %reduce_max3A_506 : i32 to vector<16xi32>
            %lt3A_607 = arith.cmpi slt, %add3A_605, %lt3A_606 : vector<16xi32>
            %mul3A_608 = arith.constant 16 : i32
            %mul3A_609 = arith.muli %while3A_600, %mul3A_608 : i32
            %get3A_610 = arith.index_cast %mul3A_609 : i32 to index
            %get3A_611 = tpu.vector_load %arg24[%get3A_610] {strides = array<i32>} : memref<10240xf32, #tpu.memory_space<vmem>>, vector<16xf32>,
            %mul3A_612 = arith.constant 16 : i32
            %mul3A_613 = arith.muli %while3A_600, %mul3A_612 : i32
            %get3A_614 = arith.index_cast %mul3A_613 : i32 to index
            %get3A_615 = tpu.vector_load %arg25[%get3A_614] {strides = array<i32>} : memref<10240xi32, #tpu.memory_space<vmem>>, vector<16xi32>,
            %eq3A_616 = vector.broadcast %reduce_min3A_561 : f32 to vector<16xf32>
            %eq3A_617 = arith.cmpf oeq, %get3A_611, %eq3A_616 : vector<16xf32>
            %and3A_618 = arith.andi %lt3A_607, %eq3A_617 : vector<16xi1>
            %eq3A_619 = vector.broadcast %reduce_min3A_580 : i32 to vector<16xi32>
            %eq3A_620 = arith.cmpi eq, %get3A_615, %eq3A_619 : vector<16xi32>
            %and3A_621 = arith.andi %and3A_618, %eq3A_620 : vector<16xi1>
            tpu.vector_store_idx %arg24[%add3A_605], %broadcast_in_dim3A_14 masked %and3A_621 : memref<10240xf32, #tpu.memory_space<vmem>>[vector<16xi32>], vector<16xf32>, vector<16xi1>
            %while3A_622 = arith.constant 0 : i32
            scf.yield %while3A_622 : i32
          }
          %while3A_591 = arith.constant 1 : i32
          %while3A_592 = scf.for %while3A_600 = %while3A_588 to %while3A_584 step %while3A_591 iter_args(%while3A_601 = %while3A_590) -> (i32)  : i32 {
            %mul3A_602 = arith.constant 16 : i32
            %mul3A_603 = arith.muli %while3A_600, %mul3A_602 : i32
            %add3A_604 = vector.broadcast %mul3A_603 : i32 to vector<16xi32>
            %add3A_605 = arith.addi %add3A_604, %iota3A : vector<16xi32>
            %lt3A_606 = vector.broadcast %reduce_max3A_506 : i32 to vector<16xi32>
            %lt3A_607 = arith.cmpi slt, %add3A_605, %lt3A_606 : vector<16xi32>
            %mul3A_608 = arith.constant 16 : i32
            %mul3A_609 = arith.muli %while3A_600, %mul3A_608 : i32
            %get3A_610 = arith.index_cast %mul3A_609 : i32 to index
            %get3A_611 = tpu.vector_load %arg24[%get3A_610] {strides = array<i32>} : memref<10240xf32, #tpu.memory_space<vmem>>, vector<16xf32>,
            %mul3A_612 = arith.constant 16 : i32
            %mul3A_613 = arith.muli %while3A_600, %mul3A_612 : i32
            %get3A_614 = arith.index_cast %mul3A_613 : i32 to index
            %get3A_615 = tpu.vector_load %arg25[%get3A_614] {strides = array<i32>} : memref<10240xi32, #tpu.memory_space<vmem>>, vector<16xi32>,
            %eq3A_616 = vector.broadcast %reduce_min3A_561 : f32 to vector<16xf32>
            %eq3A_617 = arith.cmpf oeq, %get3A_611, %eq3A_616 : vector<16xf32>
            %and3A_618 = arith.andi %lt3A_607, %eq3A_617 : vector<16xi1>
            %eq3A_619 = vector.broadcast %reduce_min3A_580 : i32 to vector<16xi32>
            %eq3A_620 = arith.cmpi eq, %get3A_615, %eq3A_619 : vector<16xi32>
            %and3A_621 = arith.andi %and3A_618, %eq3A_620 : vector<16xi1>
            tpu.vector_store_idx %arg24[%add3A_605], %broadcast_in_dim3A_14 masked %and3A_621 : memref<10240xf32, #tpu.memory_space<vmem>>[vector<16xi32>], vector<16xf32>, vector<16xi1>
            %while3A_622 = arith.constant 0 : i32
            scf.yield %while3A_622 : i32
          }
          %add3A_593 = arith.addi %mul3A_32, %select_n3A_487 : i32
          %add3A_594 = arith.addi %add3A_593, %while3A_546 : i32
          %broadcast_in_dim3A_595 = vector.broadcast %add3A_594 : i32 to vector<16xi32>
          %broadcast_in_dim3A_596 = vector.broadcast %reduce_min3A_580 : i32 to vector<16xi32>
          %eq3A = arith.constant 0 : i32
          %eq3A_597 = vector.broadcast %eq3A : i32 to vector<16xi32>
          %eq3A_598 = arith.cmpi eq, %iota3A, %eq3A_597 : vector<16xi32>
          tpu.vector_store_idx %arg27[%broadcast_in_dim3A_595], %broadcast_in_dim3A_596 masked %eq3A_598 : memref<5120xi32, #tpu.memory_space<vmem>>[vector<16xi32>], vector<16xi32>, vector<16xi1>
          %while3A_599 = arith.constant 0 : i32
          scf.yield %while3A_599 : i32
        }
      } else {
      }
      %scan3A_203 = arith.constant 0 : i32
      %scan3A_204 = arith.constant 0 : i32
      %scan3A_205 = arith.constant 4 : i32
      %scan3A_206 = arith.addi %scan3A_204, %scan3A_205 : i32
      %scan3A_207 = arith.constant 1 : i32
      %scan3A_208 = scf.for %scan3A_211 = %scan3A_204 to %scan3A_206 step %scan3A_207 iter_args(%scan3A_212 = %scan3A_203) -> (i32)  : i32 {
        %mul3A_213 = arith.constant 16 : i32
        %mul3A_214 = arith.muli %scan3A_211, %mul3A_213 : i32
        %add3A_215 = vector.broadcast %mul3A_214 : i32 to vector<16xi32>
        %add3A_216 = arith.addi %add3A_215, %iota3A : vector<16xi32>
        %add3A_217 = vector.broadcast %mul3A_32 : i32 to vector<16xi32>
        %add3A_218 = arith.addi %add3A_217, %add3A_216 : vector<16xi32>
        %gather3A_219 = tpu.vector_load_idx %arg27[%add3A_218] : memref<5120xi32, #tpu.memory_space<vmem>>[vector<16xi32>], vector<16xi32>,
        %gather3A_220 = tpu.vector_load_idx %arg16[%gather3A_219] : memref<10240xf32, #tpu.memory_space<vmem>>[vector<16xi32>], vector<16xf32>,
        %sub3A_221 = arith.subf %gather3A_220, %gather3A : vector<16xf32>
        %gather3A_222 = tpu.vector_load_idx %arg17[%gather3A_219] : memref<10240xf32, #tpu.memory_space<vmem>>[vector<16xi32>], vector<16xf32>,
        %sub3A_223 = arith.subf %gather3A_222, %gather3A_29 : vector<16xf32>
        %gather3A_224 = tpu.vector_load_idx %arg18[%gather3A_219] : memref<10240xf32, #tpu.memory_space<vmem>>[vector<16xi32>], vector<16xf32>,
        %sub3A_225 = arith.subf %gather3A_224, %gather3A_30 : vector<16xf32>
        %broadcast_in_dim3A_226 = arith.constant 0 : i32
        %broadcast_in_dim3A_227 = vector.broadcast %broadcast_in_dim3A_226 : i32 to vector<16xi32>
        tpu.vector_store_idx %arg29[%add3A_216, %broadcast_in_dim3A_227], %sub3A_221 : memref<64x8xf32, #tpu.memory_space<vmem>>[vector<16xi32>, vector<16xi32>], vector<16xf32>,
        tpu.vector_store_idx %arg29[%add3A_216, %broadcast_in_dim3A_10], %sub3A_223 : memref<64x8xf32, #tpu.memory_space<vmem>>[vector<16xi32>, vector<16xi32>], vector<16xf32>,
        %add3A_228 = arith.addi %broadcast_in_dim3A_10, %broadcast_in_dim3A_10 : vector<16xi32>
        tpu.vector_store_idx %arg29[%add3A_216, %add3A_228], %sub3A_225 : memref<64x8xf32, #tpu.memory_space<vmem>>[vector<16xi32>, vector<16xi32>], vector<16xf32>,
        %broadcast_in_dim3A_229 = arith.constant 3 : i32
        %broadcast_in_dim3A_230 = vector.broadcast %broadcast_in_dim3A_229 : i32 to vector<16xi32>
        tpu.vector_store_idx %arg29[%add3A_216, %broadcast_in_dim3A_230], %broadcast_in_dim3A_12 : memref<64x8xf32, #tpu.memory_space<vmem>>[vector<16xi32>, vector<16xi32>], vector<16xf32>,
        %broadcast_in_dim3A_231 = arith.constant 4 : i32
        %broadcast_in_dim3A_232 = vector.broadcast %broadcast_in_dim3A_231 : i32 to vector<16xi32>
        tpu.vector_store_idx %arg29[%add3A_216, %broadcast_in_dim3A_232], %broadcast_in_dim3A_12 : memref<64x8xf32, #tpu.memory_space<vmem>>[vector<16xi32>, vector<16xi32>], vector<16xf32>,
        %broadcast_in_dim3A_233 = arith.constant 5 : i32
        %broadcast_in_dim3A_234 = vector.broadcast %broadcast_in_dim3A_233 : i32 to vector<16xi32>
        tpu.vector_store_idx %arg29[%add3A_216, %broadcast_in_dim3A_234], %broadcast_in_dim3A_12 : memref<64x8xf32, #tpu.memory_space<vmem>>[vector<16xi32>, vector<16xi32>], vector<16xf32>,
        %broadcast_in_dim3A_235 = arith.constant 6 : i32
        %broadcast_in_dim3A_236 = vector.broadcast %broadcast_in_dim3A_235 : i32 to vector<16xi32>
        tpu.vector_store_idx %arg29[%add3A_216, %broadcast_in_dim3A_236], %broadcast_in_dim3A_12 : memref<64x8xf32, #tpu.memory_space<vmem>>[vector<16xi32>, vector<16xi32>], vector<16xf32>,
        %broadcast_in_dim3A_237 = arith.constant 7 : i32
        %broadcast_in_dim3A_238 = vector.broadcast %broadcast_in_dim3A_237 : i32 to vector<16xi32>
        tpu.vector_store_idx %arg29[%add3A_216, %broadcast_in_dim3A_238], %broadcast_in_dim3A_12 : memref<64x8xf32, #tpu.memory_space<vmem>>[vector<16xi32>, vector<16xi32>], vector<16xf32>,
        %scan3A_239 = arith.constant 0 : i32
        scf.yield %scan3A_239 : i32
      }
      %scan3A_209 = arith.constant 4 : i32
      "tpu.region"() ({
        %run_scoped3A = tpu.sem_alloc : memref<!tpu.dma_semaphore, #tpu.memory_space<semaphore_mem>>
        %dma_start3A = arith.constant 0 : i32
        %dma_start3A_211 = arith.constant 0 : i32
        %dma_start3A_212 = tpu.memref_slice %arg12[%add3A_27, %dma_start3A, %dma_start3A_211] : memref<2560x64x8xf32, #tpu.memory_space<hbm>> -> memref<1x64x8xf32, #tpu.memory_space<hbm>>
        %dma_start3A_213 = tpu.memref_squeeze %dma_start3A_212 : memref<1x64x8xf32, #tpu.memory_space<hbm>> -> memref<64x8xf32, #tpu.memory_space<hbm>>
        %dma_start3A_214 = arith.constant 0 : i32
        %dma_start3A_215 = arith.constant 0 : i32
        %dma_start3A_216 = tpu.memref_slice %arg12[%add3A_27, %dma_start3A_214, %dma_start3A_215] : memref<2560x64x8xf32, #tpu.memory_space<hbm>> -> memref<1x64x8xf32, #tpu.memory_space<hbm>>
        %dma_start3A_217 = tpu.memref_squeeze %dma_start3A_216 : memref<1x64x8xf32, #tpu.memory_space<hbm>> -> memref<64x8xf32, #tpu.memory_space<hbm>>
        tpu.enqueue_dma source(%arg29 : memref<64x8xf32, #tpu.memory_space<vmem>>) target(%dma_start3A_217 : memref<64x8xf32, #tpu.memory_space<hbm>>) target_semaphore(%run_scoped3A : memref<!tpu.dma_semaphore, #tpu.memory_space<semaphore_mem>>)
        %dma_wait3A = arith.constant 0 : i32
        %dma_wait3A_218 = arith.constant 0 : i32
        %dma_wait3A_219 = tpu.memref_slice %arg12[%add3A_27, %dma_wait3A, %dma_wait3A_218] : memref<2560x64x8xf32, #tpu.memory_space<hbm>> -> memref<1x64x8xf32, #tpu.memory_space<hbm>>
        %dma_wait3A_220 = tpu.memref_squeeze %dma_wait3A_219 : memref<1x64x8xf32, #tpu.memory_space<hbm>> -> memref<64x8xf32, #tpu.memory_space<hbm>>
        %dma_wait3A_221 = arith.constant 0 : i32
        %dma_wait3A_222 = arith.constant 0 : i32
        %dma_wait3A_223 = tpu.memref_slice %arg12[%add3A_27, %dma_wait3A_221, %dma_wait3A_222] : memref<2560x64x8xf32, #tpu.memory_space<hbm>> -> memref<1x64x8xf32, #tpu.memory_space<hbm>>
        %dma_wait3A_224 = tpu.memref_squeeze %dma_wait3A_223 : memref<1x64x8xf32, #tpu.memory_space<hbm>> -> memref<64x8xf32, #tpu.memory_space<hbm>>
        tpu.wait_dma2 semaphore(%run_scoped3A : memref<!tpu.dma_semaphore, #tpu.memory_space<semaphore_mem>>) src(%arg29 : memref<64x8xf32, #tpu.memory_space<vmem>>) dst(%dma_wait3A_224 : memref<64x8xf32, #tpu.memory_space<hbm>>)
        tpu.yield
      }) : () -> ()
      %scan3A_210 = arith.constant 0 : i32
      scf.yield %scan3A_210 : i32
    }
    %scan3A_22 = arith.constant 80 : i32
    "tpu.region"() ({
      %run_scoped3A = tpu.sem_alloc : memref<!tpu.dma_semaphore, #tpu.memory_space<semaphore_mem>>
      %dma_start3A = arith.constant 0 : i32
      %dma_start3A_23 = tpu.memref_slice %arg10[%add3A, %dma_start3A] : memref<32x5120xi32, #tpu.memory_space<hbm>> -> memref<1x5120xi32, #tpu.memory_space<hbm>>
      %dma_start3A_24 = tpu.memref_squeeze %dma_start3A_23 : memref<1x5120xi32, #tpu.memory_space<hbm>> -> memref<5120xi32, #tpu.memory_space<hbm>>
      %dma_start3A_25 = arith.constant 0 : i32
      %dma_start3A_26 = tpu.memref_slice %arg10[%add3A, %dma_start3A_25] : memref<32x5120xi32, #tpu.memory_space<hbm>> -> memref<1x5120xi32, #tpu.memory_space<hbm>>
      %dma_start3A_27 = tpu.memref_squeeze %dma_start3A_26 : memref<1x5120xi32, #tpu.memory_space<hbm>> -> memref<5120xi32, #tpu.memory_space<hbm>>
      tpu.enqueue_dma source(%arg27 : memref<5120xi32, #tpu.memory_space<vmem>>) target(%dma_start3A_27 : memref<5120xi32, #tpu.memory_space<hbm>>) target_semaphore(%run_scoped3A : memref<!tpu.dma_semaphore, #tpu.memory_space<semaphore_mem>>)
      %dma_wait3A = arith.constant 0 : i32
      %dma_wait3A_28 = tpu.memref_slice %arg10[%add3A, %dma_wait3A] : memref<32x5120xi32, #tpu.memory_space<hbm>> -> memref<1x5120xi32, #tpu.memory_space<hbm>>
      %dma_wait3A_29 = tpu.memref_squeeze %dma_wait3A_28 : memref<1x5120xi32, #tpu.memory_space<hbm>> -> memref<5120xi32, #tpu.memory_space<hbm>>
      %dma_wait3A_30 = arith.constant 0 : i32
      %dma_wait3A_31 = tpu.memref_slice %arg10[%add3A, %dma_wait3A_30] : memref<32x5120xi32, #tpu.memory_space<hbm>> -> memref<1x5120xi32, #tpu.memory_space<hbm>>
      %dma_wait3A_32 = tpu.memref_squeeze %dma_wait3A_31 : memref<1x5120xi32, #tpu.memory_space<hbm>> -> memref<5120xi32, #tpu.memory_space<hbm>>
      tpu.wait_dma2 semaphore(%run_scoped3A : memref<!tpu.dma_semaphore, #tpu.memory_space<semaphore_mem>>) src(%arg27 : memref<5120xi32, #tpu.memory_space<vmem>>) dst(%dma_wait3A_32 : memref<5120xi32, #tpu.memory_space<hbm>>)
      tpu.yield
    }) : () -> ()
    "tpu.region"() ({
      %run_scoped3A = tpu.sem_alloc : memref<!tpu.dma_semaphore, #tpu.memory_space<semaphore_mem>>
      %dma_start3A = arith.constant 0 : i32
      %dma_start3A_23 = tpu.memref_slice %arg11[%add3A, %dma_start3A] : memref<32x5120xf32, #tpu.memory_space<hbm>> -> memref<1x5120xf32, #tpu.memory_space<hbm>>
      %dma_start3A_24 = tpu.memref_squeeze %dma_start3A_23 : memref<1x5120xf32, #tpu.memory_space<hbm>> -> memref<5120xf32, #tpu.memory_space<hbm>>
      %dma_start3A_25 = arith.constant 0 : i32
      %dma_start3A_26 = tpu.memref_slice %arg11[%add3A, %dma_start3A_25] : memref<32x5120xf32, #tpu.memory_space<hbm>> -> memref<1x5120xf32, #tpu.memory_space<hbm>>
      %dma_start3A_27 = tpu.memref_squeeze %dma_start3A_26 : memref<1x5120xf32, #tpu.memory_space<hbm>> -> memref<5120xf32, #tpu.memory_space<hbm>>
      tpu.enqueue_dma source(%arg28 : memref<5120xf32, #tpu.memory_space<vmem>>) target(%dma_start3A_27 : memref<5120xf32, #tpu.memory_space<hbm>>) target_semaphore(%run_scoped3A : memref<!tpu.dma_semaphore, #tpu.memory_space<semaphore_mem>>)
      %dma_wait3A = arith.constant 0 : i32
      %dma_wait3A_28 = tpu.memref_slice %arg11[%add3A, %dma_wait3A] : memref<32x5120xf32, #tpu.memory_space<hbm>> -> memref<1x5120xf32, #tpu.memory_space<hbm>>
      %dma_wait3A_29 = tpu.memref_squeeze %dma_wait3A_28 : memref<1x5120xf32, #tpu.memory_space<hbm>> -> memref<5120xf32, #tpu.memory_space<hbm>>
      %dma_wait3A_30 = arith.constant 0 : i32
      %dma_wait3A_31 = tpu.memref_slice %arg11[%add3A, %dma_wait3A_30] : memref<32x5120xf32, #tpu.memory_space<hbm>> -> memref<1x5120xf32, #tpu.memory_space<hbm>>
      %dma_wait3A_32 = tpu.memref_squeeze %dma_wait3A_31 : memref<1x5120xf32, #tpu.memory_space<hbm>> -> memref<5120xf32, #tpu.memory_space<hbm>>
      tpu.wait_dma2 semaphore(%run_scoped3A : memref<!tpu.dma_semaphore, #tpu.memory_space<semaphore_mem>>) src(%arg28 : memref<5120xf32, #tpu.memory_space<vmem>>) dst(%dma_wait3A_32 : memref<5120xf32, #tpu.memory_space<hbm>>)
      tpu.yield
    }) : () -> ()
    return
  }
}

#map = affine_map<(d0, d1) -> (0, 0)>
#map1 = affine_map<(d0, d1) -> (0, 0, 0)>
module attributes {stable_mosaic.version = 14 : i64} {
  func.func @k(%arg0: i32, %arg1: i32, %arg2: memref<10000x128xf32, #tpu.memory_space<hbm>>, %arg3: memref<32x40x128xi32, #tpu.memory_space<hbm>>, %arg4: memref<163840x128xf32, #tpu.memory_space<hbm>>, %arg5: memref<40x128xi32, #tpu.memory_space<vmem>>, %arg6: memref<128x128xf32, #tpu.memory_space<vmem>>, %arg7: memref<128x128xf32, #tpu.memory_space<vmem>>, %arg8: memref<!tpu.dma_semaphore, #tpu.memory_space<semaphore_mem>>, %arg9: memref<!tpu.dma_semaphore, #tpu.memory_space<semaphore_mem>>) attributes {dimension_semantics = [#tpu.dimension_semantics<core_parallel>, #tpu.dimension_semantics<subcore_parallel>], iteration_bounds = array<i64: 2, 16>, scalar_prefetch = 0 : i64, scratch_operands = 5 : i64, tpu.core_type = #tpu.core_type<sc_vector_subcore>, window_params = [{transform_indices = #map}, {transform_indices = #map1}, {transform_indices = #map}]} {
    %mul3A = arith.constant 2 : i32
    %mul3A_0 = arith.muli %arg1, %mul3A : i32
    %add3A = arith.addi %mul3A_0, %arg0 : i32
    %mul3A_1 = arith.constant 5120 : i32
    %mul3A_2 = arith.muli %add3A, %mul3A_1 : i32
    "tpu.region"() ({
      %run_scoped3A = tpu.sem_alloc : memref<!tpu.dma_semaphore, #tpu.memory_space<semaphore_mem>>
      %dma_start3A_15 = arith.constant 0 : i32
      %dma_start3A_16 = arith.constant 0 : i32
      %dma_start3A_17 = tpu.memref_slice %arg3[%add3A, %dma_start3A_15, %dma_start3A_16] : memref<32x40x128xi32, #tpu.memory_space<hbm>> -> memref<1x40x128xi32, #tpu.memory_space<hbm>>
      %dma_start3A_18 = tpu.memref_squeeze %dma_start3A_17 : memref<1x40x128xi32, #tpu.memory_space<hbm>> -> memref<40x128xi32, #tpu.memory_space<hbm>>
      %dma_start3A_19 = arith.constant 0 : i32
      %dma_start3A_20 = arith.constant 0 : i32
      %dma_start3A_21 = tpu.memref_slice %arg3[%add3A, %dma_start3A_19, %dma_start3A_20] : memref<32x40x128xi32, #tpu.memory_space<hbm>> -> memref<1x40x128xi32, #tpu.memory_space<hbm>>
      %dma_start3A_22 = tpu.memref_squeeze %dma_start3A_21 : memref<1x40x128xi32, #tpu.memory_space<hbm>> -> memref<40x128xi32, #tpu.memory_space<hbm>>
      tpu.enqueue_dma source(%dma_start3A_22 : memref<40x128xi32, #tpu.memory_space<hbm>>) target(%arg5 : memref<40x128xi32, #tpu.memory_space<vmem>>) target_semaphore(%run_scoped3A : memref<!tpu.dma_semaphore, #tpu.memory_space<semaphore_mem>>)
      %dma_wait3A = arith.constant 0 : i32
      %dma_wait3A_23 = arith.constant 0 : i32
      %dma_wait3A_24 = tpu.memref_slice %arg3[%add3A, %dma_wait3A, %dma_wait3A_23] : memref<32x40x128xi32, #tpu.memory_space<hbm>> -> memref<1x40x128xi32, #tpu.memory_space<hbm>>
      %dma_wait3A_25 = tpu.memref_squeeze %dma_wait3A_24 : memref<1x40x128xi32, #tpu.memory_space<hbm>> -> memref<40x128xi32, #tpu.memory_space<hbm>>
      %dma_wait3A_26 = arith.constant 0 : i32
      %dma_wait3A_27 = arith.constant 0 : i32
      %dma_wait3A_28 = tpu.memref_slice %arg3[%add3A, %dma_wait3A_26, %dma_wait3A_27] : memref<32x40x128xi32, #tpu.memory_space<hbm>> -> memref<1x40x128xi32, #tpu.memory_space<hbm>>
      %dma_wait3A_29 = tpu.memref_squeeze %dma_wait3A_28 : memref<1x40x128xi32, #tpu.memory_space<hbm>> -> memref<40x128xi32, #tpu.memory_space<hbm>>
      tpu.wait_dma2 semaphore(%run_scoped3A : memref<!tpu.dma_semaphore, #tpu.memory_space<semaphore_mem>>) src(%dma_wait3A_29 : memref<40x128xi32, #tpu.memory_space<hbm>>) dst(%arg5 : memref<40x128xi32, #tpu.memory_space<vmem>>)
      tpu.yield
    }) : () -> ()
    %dma_start3A = arith.constant 0 : i32
    %dma_start3A_3 = arith.constant 0 : i32
    %dma_start3A_4 = tpu.memref_slice %arg5[%dma_start3A, %dma_start3A_3] : memref<40x128xi32, #tpu.memory_space<vmem>> -> memref<1x128xi32, #tpu.memory_space<vmem>>
    %dma_start3A_5 = tpu.memref_squeeze %dma_start3A_4 : memref<1x128xi32, #tpu.memory_space<vmem>> -> memref<128xi32, #tpu.memory_space<vmem>>
    %dma_start3A_6 = arith.constant 0 : i32
    %dma_start3A_7 = arith.constant 0 : i32
    %dma_start3A_8 = tpu.memref_slice %arg2[%dma_start3A_6, %dma_start3A_7] : memref<10000x128xf32, #tpu.memory_space<hbm>> -> memref<10000x128xf32, #tpu.memory_space<hbm>>
    tpu.enqueue_indirect_dma source(%dma_start3A_8 : memref<10000x128xf32, #tpu.memory_space<hbm>>) target(%arg6 : memref<128x128xf32, #tpu.memory_space<vmem>>) offsets(%dma_start3A_5 : memref<128xi32, #tpu.memory_space<vmem>>) semaphore(%arg8 : memref<!tpu.dma_semaphore, #tpu.memory_space<semaphore_mem>>)
    %scan3A = arith.constant 0 : i32
    %scan3A_9 = arith.constant 0 : i32
    %scan3A_10 = arith.constant 20 : i32
    %scan3A_11 = arith.addi %scan3A_9, %scan3A_10 : i32
    %scan3A_12 = arith.constant 1 : i32
    %scan3A_13 = scf.for %scan3A_15 = %scan3A_9 to %scan3A_11 step %scan3A_12 iter_args(%scan3A_16 = %scan3A) -> (i32)  : i32 {
      %mul3A_17 = arith.constant 2 : i32
      %mul3A_18 = arith.muli %scan3A_15, %mul3A_17 : i32
      %add3A_19 = arith.constant 1 : i32
      %add3A_20 = arith.addi %mul3A_18, %add3A_19 : i32
      %dma_start3A_21 = arith.constant 0 : i32
      %dma_start3A_22 = tpu.memref_slice %arg5[%add3A_20, %dma_start3A_21] : memref<40x128xi32, #tpu.memory_space<vmem>> -> memref<1x128xi32, #tpu.memory_space<vmem>>
      %dma_start3A_23 = tpu.memref_squeeze %dma_start3A_22 : memref<1x128xi32, #tpu.memory_space<vmem>> -> memref<128xi32, #tpu.memory_space<vmem>>
      %dma_start3A_24 = arith.constant 0 : i32
      %dma_start3A_25 = arith.constant 0 : i32
      %dma_start3A_26 = tpu.memref_slice %arg2[%dma_start3A_24, %dma_start3A_25] : memref<10000x128xf32, #tpu.memory_space<hbm>> -> memref<10000x128xf32, #tpu.memory_space<hbm>>
      tpu.enqueue_indirect_dma source(%dma_start3A_26 : memref<10000x128xf32, #tpu.memory_space<hbm>>) target(%arg7 : memref<128x128xf32, #tpu.memory_space<vmem>>) offsets(%dma_start3A_23 : memref<128xi32, #tpu.memory_space<vmem>>) semaphore(%arg9 : memref<!tpu.dma_semaphore, #tpu.memory_space<semaphore_mem>>)
      %dma_wait3A = arith.constant 0 : i32
      %dma_wait3A_27 = tpu.memref_slice %arg5[%mul3A_18, %dma_wait3A] : memref<40x128xi32, #tpu.memory_space<vmem>> -> memref<1x128xi32, #tpu.memory_space<vmem>>
      %dma_wait3A_28 = tpu.memref_squeeze %dma_wait3A_27 : memref<1x128xi32, #tpu.memory_space<vmem>> -> memref<128xi32, #tpu.memory_space<vmem>>
      %dma_wait3A_29 = arith.constant 0 : i32
      %dma_wait3A_30 = arith.constant 0 : i32
      %dma_wait3A_31 = tpu.memref_slice %arg2[%dma_wait3A_29, %dma_wait3A_30] : memref<10000x128xf32, #tpu.memory_space<hbm>> -> memref<10000x128xf32, #tpu.memory_space<hbm>>
      tpu.wait_indirect_dma semaphore(%arg8 : memref<!tpu.dma_semaphore, #tpu.memory_space<semaphore_mem>>) src(%dma_wait3A_31 : memref<10000x128xf32, #tpu.memory_space<hbm>>) dst(%arg6 : memref<128x128xf32, #tpu.memory_space<vmem>>)
      %mul3A_32 = arith.constant 128 : i32
      %mul3A_33 = arith.muli %mul3A_18, %mul3A_32 : i32
      %add3A_34 = arith.addi %mul3A_2, %mul3A_33 : i32
      "tpu.region"() ({
        %run_scoped3A = tpu.sem_alloc : memref<!tpu.dma_semaphore, #tpu.memory_space<semaphore_mem>>
        %dma_start3A_53 = arith.constant 0 : i32
        %dma_start3A_54 = tpu.memref_slice %arg4[%add3A_34, %dma_start3A_53] : memref<163840x128xf32, #tpu.memory_space<hbm>> -> memref<128x128xf32, #tpu.memory_space<hbm>>
        %dma_start3A_55 = arith.constant 0 : i32
        %dma_start3A_56 = tpu.memref_slice %arg4[%add3A_34, %dma_start3A_55] : memref<163840x128xf32, #tpu.memory_space<hbm>> -> memref<128x128xf32, #tpu.memory_space<hbm>>
        tpu.enqueue_dma source(%arg6 : memref<128x128xf32, #tpu.memory_space<vmem>>) target(%dma_start3A_56 : memref<128x128xf32, #tpu.memory_space<hbm>>) target_semaphore(%run_scoped3A : memref<!tpu.dma_semaphore, #tpu.memory_space<semaphore_mem>>)
        %dma_wait3A_57 = arith.constant 0 : i32
        %dma_wait3A_58 = tpu.memref_slice %arg4[%add3A_34, %dma_wait3A_57] : memref<163840x128xf32, #tpu.memory_space<hbm>> -> memref<128x128xf32, #tpu.memory_space<hbm>>
        %dma_wait3A_59 = arith.constant 0 : i32
        %dma_wait3A_60 = tpu.memref_slice %arg4[%add3A_34, %dma_wait3A_59] : memref<163840x128xf32, #tpu.memory_space<hbm>> -> memref<128x128xf32, #tpu.memory_space<hbm>>
        tpu.wait_dma2 semaphore(%run_scoped3A : memref<!tpu.dma_semaphore, #tpu.memory_space<semaphore_mem>>) src(%arg6 : memref<128x128xf32, #tpu.memory_space<vmem>>) dst(%dma_wait3A_60 : memref<128x128xf32, #tpu.memory_space<hbm>>)
        tpu.yield
      }) : () -> ()
      %add3A_35 = arith.constant 2 : i32
      %add3A_36 = arith.addi %mul3A_18, %add3A_35 : i32
      %lt3A = arith.constant 40 : i32
      %lt3A_37 = arith.cmpi slt, %add3A_36, %lt3A : i32
      %convert_element_type3A = arith.extui %lt3A_37 : i1 to i32
      %cond3A = arith.constant 0 : i32
      %cond3A_38 = arith.cmpi ne, %convert_element_type3A, %cond3A : i32
      scf.if %cond3A_38 {
        %add3A_53 = arith.constant 2 : i32
        %add3A_54 = arith.addi %mul3A_18, %add3A_53 : i32
        %dma_start3A_55 = arith.constant 0 : i32
        %dma_start3A_56 = tpu.memref_slice %arg5[%add3A_54, %dma_start3A_55] : memref<40x128xi32, #tpu.memory_space<vmem>> -> memref<1x128xi32, #tpu.memory_space<vmem>>
        %dma_start3A_57 = tpu.memref_squeeze %dma_start3A_56 : memref<1x128xi32, #tpu.memory_space<vmem>> -> memref<128xi32, #tpu.memory_space<vmem>>
        %dma_start3A_58 = arith.constant 0 : i32
        %dma_start3A_59 = arith.constant 0 : i32
        %dma_start3A_60 = tpu.memref_slice %arg2[%dma_start3A_58, %dma_start3A_59] : memref<10000x128xf32, #tpu.memory_space<hbm>> -> memref<10000x128xf32, #tpu.memory_space<hbm>>
        tpu.enqueue_indirect_dma source(%dma_start3A_60 : memref<10000x128xf32, #tpu.memory_space<hbm>>) target(%arg6 : memref<128x128xf32, #tpu.memory_space<vmem>>) offsets(%dma_start3A_57 : memref<128xi32, #tpu.memory_space<vmem>>) semaphore(%arg8 : memref<!tpu.dma_semaphore, #tpu.memory_space<semaphore_mem>>)
      } else {
      }
      %add3A_39 = arith.constant 1 : i32
      %add3A_40 = arith.addi %mul3A_18, %add3A_39 : i32
      %dma_wait3A_41 = arith.constant 0 : i32
      %dma_wait3A_42 = tpu.memref_slice %arg5[%add3A_40, %dma_wait3A_41] : memref<40x128xi32, #tpu.memory_space<vmem>> -> memref<1x128xi32, #tpu.memory_space<vmem>>
      %dma_wait3A_43 = tpu.memref_squeeze %dma_wait3A_42 : memref<1x128xi32, #tpu.memory_space<vmem>> -> memref<128xi32, #tpu.memory_space<vmem>>
      %dma_wait3A_44 = arith.constant 0 : i32
      %dma_wait3A_45 = arith.constant 0 : i32
      %dma_wait3A_46 = tpu.memref_slice %arg2[%dma_wait3A_44, %dma_wait3A_45] : memref<10000x128xf32, #tpu.memory_space<hbm>> -> memref<10000x128xf32, #tpu.memory_space<hbm>>
      tpu.wait_indirect_dma semaphore(%arg9 : memref<!tpu.dma_semaphore, #tpu.memory_space<semaphore_mem>>) src(%dma_wait3A_46 : memref<10000x128xf32, #tpu.memory_space<hbm>>) dst(%arg7 : memref<128x128xf32, #tpu.memory_space<vmem>>)
      %add3A_47 = arith.constant 1 : i32
      %add3A_48 = arith.addi %mul3A_18, %add3A_47 : i32
      %mul3A_49 = arith.constant 128 : i32
      %mul3A_50 = arith.muli %add3A_48, %mul3A_49 : i32
      %add3A_51 = arith.addi %mul3A_2, %mul3A_50 : i32
      "tpu.region"() ({
        %run_scoped3A = tpu.sem_alloc : memref<!tpu.dma_semaphore, #tpu.memory_space<semaphore_mem>>
        %dma_start3A_53 = arith.constant 0 : i32
        %dma_start3A_54 = tpu.memref_slice %arg4[%add3A_51, %dma_start3A_53] : memref<163840x128xf32, #tpu.memory_space<hbm>> -> memref<128x128xf32, #tpu.memory_space<hbm>>
        %dma_start3A_55 = arith.constant 0 : i32
        %dma_start3A_56 = tpu.memref_slice %arg4[%add3A_51, %dma_start3A_55] : memref<163840x128xf32, #tpu.memory_space<hbm>> -> memref<128x128xf32, #tpu.memory_space<hbm>>
        tpu.enqueue_dma source(%arg7 : memref<128x128xf32, #tpu.memory_space<vmem>>) target(%dma_start3A_56 : memref<128x128xf32, #tpu.memory_space<hbm>>) target_semaphore(%run_scoped3A : memref<!tpu.dma_semaphore, #tpu.memory_space<semaphore_mem>>)
        %dma_wait3A_57 = arith.constant 0 : i32
        %dma_wait3A_58 = tpu.memref_slice %arg4[%add3A_51, %dma_wait3A_57] : memref<163840x128xf32, #tpu.memory_space<hbm>> -> memref<128x128xf32, #tpu.memory_space<hbm>>
        %dma_wait3A_59 = arith.constant 0 : i32
        %dma_wait3A_60 = tpu.memref_slice %arg4[%add3A_51, %dma_wait3A_59] : memref<163840x128xf32, #tpu.memory_space<hbm>> -> memref<128x128xf32, #tpu.memory_space<hbm>>
        tpu.wait_dma2 semaphore(%run_scoped3A : memref<!tpu.dma_semaphore, #tpu.memory_space<semaphore_mem>>) src(%arg7 : memref<128x128xf32, #tpu.memory_space<vmem>>) dst(%dma_wait3A_60 : memref<128x128xf32, #tpu.memory_space<hbm>>)
        tpu.yield
      }) : () -> ()
      %scan3A_52 = arith.constant 0 : i32
      scf.yield %scan3A_52 : i32
    }
    %scan3A_14 = arith.constant 20 : i32
    return
  }
}

module attributes {stable_mosaic.version = 14 : i64} {
  func.func @_fps_body(%arg0: memref<80x128xf32, #tpu.memory_space<vmem>>, %arg1: memref<80x128xf32, #tpu.memory_space<vmem>>, %arg2: memref<80x128xf32, #tpu.memory_space<vmem>>, %arg3: memref<10240xf32, #tpu.memory_space<smem>>, %arg4: memref<10240xf32, #tpu.memory_space<smem>>, %arg5: memref<10240xf32, #tpu.memory_space<smem>>, %arg6: memref<2500xi32, #tpu.memory_space<smem>>, %arg7: memref<2500xf32, #tpu.memory_space<smem>>, %arg8: memref<2500xf32, #tpu.memory_space<smem>>, %arg9: memref<2500xf32, #tpu.memory_space<smem>>, %arg10: memref<80x128xf32, #tpu.memory_space<vmem>>, %arg11: memref<80x128xf32, #tpu.memory_space<vmem>>) attributes {dimension_semantics = [], scalar_prefetch = 0 : i64, scratch_operands = 2 : i64, tpu.core_type = #tpu.core_type<tc>} {
    %iota3A = tpu.iota {dimensions = array<i32: 0>} : vector<80x128xi32>
    %mul3A = arith.constant 128 : i32
    %mul3A_0 = vector.broadcast %mul3A : i32 to vector<80x128xi32>
    %mul3A_1 = arith.muli %iota3A, %mul3A_0 : vector<80x128xi32>
    %iota3A_2 = tpu.iota {dimensions = array<i32: 1>} : vector<80x128xi32>
    %add3A = arith.addi %mul3A_1, %iota3A_2 : vector<80x128xi32>
    %convert_element_type3A = arith.sitofp %add3A : vector<80x128xi32> to vector<80x128xf32>
    %swap3A = arith.constant 0 : index
    %swap3A_3 = arith.constant 0 : index
    %swap3A_4 = vector.load %arg11[%swap3A, %swap3A_3] : memref<80x128xf32, #tpu.memory_space<vmem>>, vector<80x128xf32>
    tpu.vector_store %arg11[%swap3A, %swap3A_3], %convert_element_type3A {strides = array<i32>} : memref<80x128xf32, #tpu.memory_space<vmem>>, vector<80x128xf32>,
    %lt3A = arith.constant 10000 : i32
    %lt3A_5 = vector.broadcast %lt3A : i32 to vector<80x128xi32>
    %lt3A_6 = arith.cmpi slt, %add3A, %lt3A_5 : vector<80x128xi32>
    %jit3A = arith.constant 0x7F800000 : f32
    %jit3A_7 = arith.constant -1.000000e+00 : f32
    %broadcast_in_dim3A = vector.broadcast %jit3A : f32 to vector<80x128xf32>
    %broadcast_in_dim3A_8 = vector.broadcast %jit3A_7 : f32 to vector<80x128xf32>
    %select_n3A = arith.select %lt3A_6, %broadcast_in_dim3A, %broadcast_in_dim3A_8 : vector<80x128xi1>, vector<80x128xf32>
    %swap3A_9 = arith.constant 0 : index
    %swap3A_10 = arith.constant 0 : index
    %swap3A_11 = vector.load %arg10[%swap3A_9, %swap3A_10] : memref<80x128xf32, #tpu.memory_space<vmem>>, vector<80x128xf32>
    tpu.vector_store %arg10[%swap3A_9, %swap3A_10], %select_n3A {strides = array<i32>} : memref<80x128xf32, #tpu.memory_space<vmem>>, vector<80x128xf32>,
    %scan3A = arith.constant 0 : i32
    %scan3A_12 = arith.constant 2500 : i32
    %scan3A_13 = arith.addi %scan3A, %scan3A_12 : i32
    %scan3A_14 = arith.constant 1 : i32
    scf.for %scan3A_16 = %scan3A to %scan3A_13 step %scan3A_14  : i32 {
      %get3A = arith.constant 0 : index
      %get3A_17 = arith.constant 0 : index
      %get3A_18 = vector.load %arg10[%get3A, %get3A_17] : memref<80x128xf32, #tpu.memory_space<vmem>>, vector<80x128xf32>
      %reduce_max3A = arith.constant dense<0xFF800000> : vector<128xf32>
      %reduce_max3A_19 = vector.multi_reduction <maximumf>, %get3A_18, %reduce_max3A [0] : vector<80x128xf32> to vector<128xf32>
      %broadcast_in_dim3A_20 = vector.shape_cast %reduce_max3A_19 : vector<128xf32> to vector<1x128xf32>
      %eq3A = vector.broadcast %broadcast_in_dim3A_20 : vector<1x128xf32> to vector<80x128xf32>
      %eq3A_21 = arith.cmpf oeq, %get3A_18, %eq3A : vector<80x128xf32>
      %get3A_22 = arith.constant 0 : index
      %get3A_23 = arith.constant 0 : index
      %get3A_24 = vector.load %arg11[%get3A_22, %get3A_23] : memref<80x128xf32, #tpu.memory_space<vmem>>, vector<80x128xf32>
      %jit3A_25 = arith.constant 3.000000e+08 : f32
      %broadcast_in_dim3A_26 = vector.broadcast %jit3A_25 : f32 to vector<80x128xf32>
      %select_n3A_27 = arith.select %eq3A_21, %get3A_24, %broadcast_in_dim3A_26 : vector<80x128xi1>, vector<80x128xf32>
      %reduce_min3A = arith.constant dense<0x7F800000> : vector<128xf32>
      %reduce_min3A_28 = vector.multi_reduction <minimumf>, %select_n3A_27, %reduce_min3A [0] : vector<80x128xf32> to vector<128xf32>
      %broadcast_in_dim3A_29 = vector.shape_cast %reduce_min3A_28 : vector<128xf32> to vector<1x128xf32>
      %reduce_max3A_30 = arith.constant dense<0xFF800000> : vector<1xf32>
      %reduce_max3A_31 = vector.multi_reduction <maximumf>, %broadcast_in_dim3A_20, %reduce_max3A_30 [1] : vector<1x128xf32> to vector<1xf32>
      %broadcast_in_dim3A_32 = vector.shape_cast %reduce_max3A_31 : vector<1xf32> to vector<1x1xf32>
      %eq3A_33 = vector.broadcast %broadcast_in_dim3A_32 : vector<1x1xf32> to vector<1x128xf32>
      %eq3A_34 = arith.cmpf oeq, %broadcast_in_dim3A_20, %eq3A_33 : vector<1x128xf32>
      %jit3A_35 = arith.constant 3.000000e+08 : f32
      %broadcast_in_dim3A_36 = vector.broadcast %jit3A_35 : f32 to vector<1x128xf32>
      %select_n3A_37 = arith.select %eq3A_34, %broadcast_in_dim3A_29, %broadcast_in_dim3A_36 : vector<1x128xi1>, vector<1x128xf32>
      %reduce_min3A_38 = vector.shape_cast %select_n3A_37 : vector<1x128xf32> to vector<1x1x128xf32>
      %reduce_min3A_39 = arith.constant dense<0x7F800000> : vector<1xf32>
      %reduce_min3A_40 = vector.multi_reduction <minimumf>, %reduce_min3A_38, %reduce_min3A_39 [1, 2] : vector<1x1x128xf32> to vector<1xf32>
      %reduce_min3A_41 = vector.shape_cast %reduce_min3A_40 : vector<1xf32> to vector<1x1x1xf32>
      %reduce_min3A_42 = vector.extract %reduce_min3A_41[0, 0, 0] : f32 from vector<1x1x1xf32>
      %convert_element_type3A_43 = arith.fptosi %reduce_min3A_42 : f32 to i32
      %get3A_44 = arith.index_cast %convert_element_type3A_43 : i32 to index
      %get3A_45 = memref.load %arg3[%get3A_44] : memref<10240xf32, #tpu.memory_space<smem>>
      %get3A_46 = arith.index_cast %convert_element_type3A_43 : i32 to index
      %get3A_47 = memref.load %arg4[%get3A_46] : memref<10240xf32, #tpu.memory_space<smem>>
      %get3A_48 = arith.index_cast %convert_element_type3A_43 : i32 to index
      %get3A_49 = memref.load %arg5[%get3A_48] : memref<10240xf32, #tpu.memory_space<smem>>
      %swap3A_50 = arith.index_cast %scan3A_16 : i32 to index
      %swap3A_51 = memref.load %arg6[%swap3A_50] : memref<2500xi32, #tpu.memory_space<smem>>
      memref.store %convert_element_type3A_43, %arg6[%swap3A_50] : memref<2500xi32, #tpu.memory_space<smem>>
      %swap3A_52 = arith.index_cast %scan3A_16 : i32 to index
      %swap3A_53 = memref.load %arg7[%swap3A_52] : memref<2500xf32, #tpu.memory_space<smem>>
      memref.store %get3A_45, %arg7[%swap3A_52] : memref<2500xf32, #tpu.memory_space<smem>>
      %swap3A_54 = arith.index_cast %scan3A_16 : i32 to index
      %swap3A_55 = memref.load %arg8[%swap3A_54] : memref<2500xf32, #tpu.memory_space<smem>>
      memref.store %get3A_47, %arg8[%swap3A_54] : memref<2500xf32, #tpu.memory_space<smem>>
      %swap3A_56 = arith.index_cast %scan3A_16 : i32 to index
      %swap3A_57 = memref.load %arg9[%swap3A_56] : memref<2500xf32, #tpu.memory_space<smem>>
      memref.store %get3A_49, %arg9[%swap3A_56] : memref<2500xf32, #tpu.memory_space<smem>>
      %get3A_58 = arith.constant 0 : index
      %get3A_59 = arith.constant 0 : index
      %get3A_60 = vector.load %arg0[%get3A_58, %get3A_59] : memref<80x128xf32, #tpu.memory_space<vmem>>, vector<80x128xf32>
      %sub3A = vector.broadcast %get3A_45 : f32 to vector<80x128xf32>
      %sub3A_61 = arith.subf %get3A_60, %sub3A : vector<80x128xf32>
      %get3A_62 = arith.constant 0 : index
      %get3A_63 = arith.constant 0 : index
      %get3A_64 = vector.load %arg1[%get3A_62, %get3A_63] : memref<80x128xf32, #tpu.memory_space<vmem>>, vector<80x128xf32>
      %sub3A_65 = vector.broadcast %get3A_47 : f32 to vector<80x128xf32>
      %sub3A_66 = arith.subf %get3A_64, %sub3A_65 : vector<80x128xf32>
      %get3A_67 = arith.constant 0 : index
      %get3A_68 = arith.constant 0 : index
      %get3A_69 = vector.load %arg2[%get3A_67, %get3A_68] : memref<80x128xf32, #tpu.memory_space<vmem>>, vector<80x128xf32>
      %sub3A_70 = vector.broadcast %get3A_49 : f32 to vector<80x128xf32>
      %sub3A_71 = arith.subf %get3A_69, %sub3A_70 : vector<80x128xf32>
      %mul3A_72 = arith.mulf %sub3A_61, %sub3A_61 : vector<80x128xf32>
      %mul3A_73 = arith.mulf %sub3A_66, %sub3A_66 : vector<80x128xf32>
      %add3A_74 = arith.addf %mul3A_72, %mul3A_73 : vector<80x128xf32>
      %mul3A_75 = arith.mulf %sub3A_71, %sub3A_71 : vector<80x128xf32>
      %add3A_76 = arith.addf %add3A_74, %mul3A_75 : vector<80x128xf32>
      %min3A = arith.minimumf %get3A_18, %add3A_76 : vector<80x128xf32>
      %swap3A_77 = arith.constant 0 : index
      %swap3A_78 = arith.constant 0 : index
      %swap3A_79 = vector.load %arg10[%swap3A_77, %swap3A_78] : memref<80x128xf32, #tpu.memory_space<vmem>>, vector<80x128xf32>
      tpu.vector_store %arg10[%swap3A_77, %swap3A_78], %min3A {strides = array<i32>} : memref<80x128xf32, #tpu.memory_space<vmem>>, vector<80x128xf32>,
    }
    %scan3A_15 = arith.constant 2500 : i32
    return
  }
}

module attributes {stable_mosaic.version = 14 : i64} {
  func.func @_xw_body(%arg0: i32, %arg1: memref<1000x128xf32, #tpu.memory_space<vmem>>, %arg2: memref<128x128xf32, #tpu.memory_space<vmem>>, %arg3: memref<1000x128xf32, #tpu.memory_space<vmem>>) attributes {dimension_semantics = [#tpu.dimension_semantics<arbitrary>], iteration_bounds = array<i64: 10>, scalar_prefetch = 0 : i64, scratch_operands = 0 : i64, tpu.core_type = #tpu.core_type<tc>, window_params = [{transform_indices = @transform_0, window_bounds = array<i64: 1000, 128>}, {pipeline_mode = #tpu.pipeline_mode<synchronous>, transform_indices = @transform_1, window_bounds = array<i64: 128, 128>}, {transform_indices = @transform_2, window_bounds = array<i64: 1000, 128>}]} {
    %get3A = arith.constant 0 : index
    %get3A_0 = arith.constant 0 : index
    %get3A_1 = vector.load %arg1[%get3A, %get3A_0] : memref<1000x128xf32, #tpu.memory_space<vmem>>, vector<1000x128xf32>
    %get3A_2 = arith.constant 0 : index
    %get3A_3 = arith.constant 0 : index
    %get3A_4 = vector.load %arg2[%get3A_2, %get3A_3] : memref<128x128xf32, #tpu.memory_space<vmem>>, vector<128x128xf32>
    %dot_general3A = arith.constant dense<0.000000e+00> : vector<1000x128xf32>
    %dot_general3A_5 = tpu.matmul %get3A_1, %get3A_4, %dot_general3A {dimension_numbers = #tpu.dot_dimension_numbers<[1], [0], [0], [1], [0, 0, 1, 1], [], []>, transpose_lhs_hint = false} : vector<1000x128xf32>, vector<128x128xf32>, vector<1000x128xf32> -> vector<1000x128xf32>
    %swap3A = arith.constant 0 : index
    %swap3A_6 = arith.constant 0 : index
    %swap3A_7 = vector.load %arg3[%swap3A, %swap3A_6] : memref<1000x128xf32, #tpu.memory_space<vmem>>, vector<1000x128xf32>
    tpu.vector_store %arg3[%swap3A, %swap3A_6], %dot_general3A_5 {strides = array<i32>} : memref<1000x128xf32, #tpu.memory_space<vmem>>, vector<1000x128xf32>,
    return
  }
  func.func @transform_0(%arg0: i32) -> (i32, i32) {
    %c0_i32 = arith.constant 0 : i32
    %c0_i32_0 = arith.constant 0 : i32
    return %arg0, %c0_i32 : i32, i32
  }
  func.func @transform_1(%arg0: i32) -> (i32, i32) {
    %c0_i32 = arith.constant 0 : i32
    %c0_i32_0 = arith.constant 0 : i32
    %c0_i32_1 = arith.constant 0 : i32
    return %c0_i32, %c0_i32_0 : i32, i32
  }
  func.func @transform_2(%arg0: i32) -> (i32, i32) {
    %c0_i32 = arith.constant 0 : i32
    %c0_i32_0 = arith.constant 0 : i32
    return %arg0, %c0_i32 : i32, i32
  }
}

module attributes {stable_mosaic.version = 14 : i64} {
  func.func @_mlp_body(%arg0: i32, %arg1: memref<4096x128xf32, #tpu.memory_space<vmem>>, %arg2: memref<4096x8xf32, #tpu.memory_space<vmem>>, %arg3: memref<64x64xf32, #tpu.memory_space<vmem>>, %arg4: memref<8x128xf32, #tpu.memory_space<vmem>>, %arg5: memref<1x128xf32, #tpu.memory_space<vmem>>, %arg6: memref<128x128xf32, #tpu.memory_space<vmem>>, %arg7: memref<1x128xf32, #tpu.memory_space<vmem>>, %arg8: memref<128x256xf32, #tpu.memory_space<vmem>>, %arg9: memref<1x256xf32, #tpu.memory_space<vmem>>, %arg10: memref<64x256xf32, #tpu.memory_space<vmem>>) attributes {dimension_semantics = [#tpu.dimension_semantics<arbitrary>], iteration_bounds = array<i64: 40>, scalar_prefetch = 0 : i64, scratch_operands = 0 : i64, tpu.core_type = #tpu.core_type<tc>, window_params = [{transform_indices = @transform_0, window_bounds = array<i64: 4096, 128>}, {transform_indices = @transform_1, window_bounds = array<i64: 4096, 8>}, {transform_indices = @transform_2, window_bounds = array<i64: 64, 64>}, {pipeline_mode = #tpu.pipeline_mode<synchronous>, transform_indices = @transform_3, window_bounds = array<i64: 8, 128>}, {pipeline_mode = #tpu.pipeline_mode<synchronous>, transform_indices = @transform_4, window_bounds = array<i64: 1, 128>}, {pipeline_mode = #tpu.pipeline_mode<synchronous>, transform_indices = @transform_5, window_bounds = array<i64: 128, 128>}, {pipeline_mode = #tpu.pipeline_mode<synchronous>, transform_indices = @transform_6, window_bounds = array<i64: 1, 128>}, {pipeline_mode = #tpu.pipeline_mode<synchronous>, transform_indices = @transform_7, window_bounds = array<i64: 128, 256>}, {pipeline_mode = #tpu.pipeline_mode<synchronous>, transform_indices = @transform_8, window_bounds = array<i64: 1, 256>}, {transform_indices = @transform_9, window_bounds = array<i64: 64, 256>}]} {
    %get3A = arith.constant 0 : index
    %get3A_0 = arith.constant 0 : index
    %get3A_1 = vector.load %arg1[%get3A, %get3A_0] : memref<4096x128xf32, #tpu.memory_space<vmem>>, vector<4096x128xf32>
    %get3A_2 = arith.constant 0 : index
    %get3A_3 = arith.constant 0 : index
    %get3A_4 = vector.load %arg2[%get3A_2, %get3A_3] : memref<4096x8xf32, #tpu.memory_space<vmem>>, vector<4096x8xf32>
    %get3A_5 = arith.constant 0 : index
    %get3A_6 = arith.constant 0 : index
    %get3A_7 = vector.load %arg4[%get3A_5, %get3A_6] : memref<8x128xf32, #tpu.memory_space<vmem>>, vector<8x128xf32>
    %dot_general3A = arith.constant dense<0.000000e+00> : vector<4096x128xf32>
    %dot_general3A_8 = tpu.matmul %get3A_4, %get3A_7, %dot_general3A {dimension_numbers = #tpu.dot_dimension_numbers<[1], [0], [0], [1], [0, 0, 1, 1], [], []>, transpose_lhs_hint = false} : vector<4096x8xf32>, vector<8x128xf32>, vector<4096x128xf32> -> vector<4096x128xf32>
    %add3A = arith.addf %get3A_1, %dot_general3A_8 : vector<4096x128xf32>
    %get3A_9 = arith.constant 0 : index
    %get3A_10 = arith.constant 0 : index
    %get3A_11 = vector.load %arg5[%get3A_9, %get3A_10] : memref<1x128xf32, #tpu.memory_space<vmem>>, vector<1x128xf32>
    %add3A_12 = vector.broadcast %get3A_11 : vector<1x128xf32> to vector<4096x128xf32>
    %add3A_13 = arith.addf %add3A, %add3A_12 : vector<4096x128xf32>
    %max3A = arith.constant 0.000000e+00 : f32
    %max3A_14 = vector.broadcast %max3A : f32 to vector<4096x128xf32>
    %max3A_15 = arith.maximumf %add3A_13, %max3A_14 : vector<4096x128xf32>
    %get3A_16 = arith.constant 0 : index
    %get3A_17 = arith.constant 0 : index
    %get3A_18 = vector.load %arg6[%get3A_16, %get3A_17] : memref<128x128xf32, #tpu.memory_space<vmem>>, vector<128x128xf32>
    %dot_general3A_19 = arith.constant dense<0.000000e+00> : vector<4096x128xf32>
    %dot_general3A_20 = tpu.matmul %max3A_15, %get3A_18, %dot_general3A_19 {dimension_numbers = #tpu.dot_dimension_numbers<[1], [0], [0], [1], [0, 0, 1, 1], [], []>, transpose_lhs_hint = false} : vector<4096x128xf32>, vector<128x128xf32>, vector<4096x128xf32> -> vector<4096x128xf32>
    %get3A_21 = arith.constant 0 : index
    %get3A_22 = arith.constant 0 : index
    %get3A_23 = vector.load %arg7[%get3A_21, %get3A_22] : memref<1x128xf32, #tpu.memory_space<vmem>>, vector<1x128xf32>
    %add3A_24 = vector.broadcast %get3A_23 : vector<1x128xf32> to vector<4096x128xf32>
    %add3A_25 = arith.addf %dot_general3A_20, %add3A_24 : vector<4096x128xf32>
    %max3A_26 = arith.constant 0.000000e+00 : f32
    %max3A_27 = vector.broadcast %max3A_26 : f32 to vector<4096x128xf32>
    %max3A_28 = arith.maximumf %add3A_25, %max3A_27 : vector<4096x128xf32>
    %get3A_29 = arith.constant 0 : index
    %get3A_30 = arith.constant 0 : index
    %get3A_31 = vector.load %arg8[%get3A_29, %get3A_30] : memref<128x256xf32, #tpu.memory_space<vmem>>, vector<128x256xf32>
    %dot_general3A_32 = arith.constant dense<0.000000e+00> : vector<4096x256xf32>
    %dot_general3A_33 = tpu.matmul %max3A_28, %get3A_31, %dot_general3A_32 {dimension_numbers = #tpu.dot_dimension_numbers<[1], [0], [0], [1], [0, 0, 1, 1], [], []>, transpose_lhs_hint = false} : vector<4096x128xf32>, vector<128x256xf32>, vector<4096x256xf32> -> vector<4096x256xf32>
    %get3A_34 = arith.constant 0 : index
    %get3A_35 = arith.constant 0 : index
    %get3A_36 = vector.load %arg9[%get3A_34, %get3A_35] : memref<1x256xf32, #tpu.memory_space<vmem>>, vector<1x256xf32>
    %add3A_37 = vector.broadcast %get3A_36 : vector<1x256xf32> to vector<4096x256xf32>
    %add3A_38 = arith.addf %dot_general3A_33, %add3A_37 : vector<4096x256xf32>
    %max3A_39 = arith.constant 0.000000e+00 : f32
    %max3A_40 = vector.broadcast %max3A_39 : f32 to vector<4096x256xf32>
    %max3A_41 = arith.maximumf %add3A_38, %max3A_40 : vector<4096x256xf32>
    %reshape3A = vector.shape_cast %max3A_41 : vector<4096x256xf32> to vector<64x64x256xf32>
    %get3A_42 = arith.constant 0 : index
    %get3A_43 = arith.constant 0 : index
    %get3A_44 = vector.load %arg3[%get3A_42, %get3A_43] : memref<64x64xf32, #tpu.memory_space<vmem>>, vector<64x64xf32>
    %broadcast_in_dim3A = vector.shape_cast %get3A_44 : vector<64x64xf32> to vector<64x64x1xf32>
    %gt3A = arith.constant 0.000000e+00 : f32
    %gt3A_45 = vector.broadcast %gt3A : f32 to vector<64x64x1xf32>
    %gt3A_46 = arith.cmpf ogt, %broadcast_in_dim3A, %gt3A_45 : vector<64x64x1xf32>
    %jit3A = arith.constant -1.000000e+00 : f32
    %broadcast_in_dim3A_47 = vector.shape_cast %gt3A_46 : vector<64x64x1xi1> to vector<64x64x1xi1>
    %broadcast_in_dim3A_48 = vector.broadcast %broadcast_in_dim3A_47 : vector<64x64x1xi1> to vector<64x64x256xi1>
    %broadcast_in_dim3A_49 = vector.broadcast %jit3A : f32 to vector<64x64x256xf32>
    %select_n3A = arith.select %broadcast_in_dim3A_48, %reshape3A, %broadcast_in_dim3A_49 : vector<64x64x256xi1>, vector<64x64x256xf32>
    %reduce_max3A = arith.constant dense<0xFF800000> : vector<64x256xf32>
    %reduce_max3A_50 = vector.multi_reduction <maximumf>, %select_n3A, %reduce_max3A [1] : vector<64x64x256xf32> to vector<64x256xf32>
    %lt3A = arith.constant 0.000000e+00 : f32
    %lt3A_51 = vector.broadcast %lt3A : f32 to vector<64x256xf32>
    %lt3A_52 = arith.cmpf olt, %reduce_max3A_50, %lt3A_51 : vector<64x256xf32>
    %jit3A_53 = arith.constant 0.000000e+00 : f32
    %broadcast_in_dim3A_54 = vector.broadcast %jit3A_53 : f32 to vector<64x256xf32>
    %select_n3A_55 = arith.select %lt3A_52, %broadcast_in_dim3A_54, %reduce_max3A_50 : vector<64x256xi1>, vector<64x256xf32>
    %swap3A = arith.constant 0 : index
    %swap3A_56 = arith.constant 0 : index
    %swap3A_57 = vector.load %arg10[%swap3A, %swap3A_56] : memref<64x256xf32, #tpu.memory_space<vmem>>, vector<64x256xf32>
    tpu.vector_store %arg10[%swap3A, %swap3A_56], %select_n3A_55 {strides = array<i32>} : memref<64x256xf32, #tpu.memory_space<vmem>>, vector<64x256xf32>,
    return
  }
  func.func @transform_0(%arg0: i32) -> (i32, i32) {
    %c0_i32 = arith.constant 0 : i32
    %c0_i32_0 = arith.constant 0 : i32
    return %arg0, %c0_i32 : i32, i32
  }
  func.func @transform_1(%arg0: i32) -> (i32, i32) {
    %c0_i32 = arith.constant 0 : i32
    %c0_i32_0 = arith.constant 0 : i32
    return %arg0, %c0_i32 : i32, i32
  }
  func.func @transform_2(%arg0: i32) -> (i32, i32) {
    %c0_i32 = arith.constant 0 : i32
    %c0_i32_0 = arith.constant 0 : i32
    return %arg0, %c0_i32 : i32, i32
  }
  func.func @transform_3(%arg0: i32) -> (i32, i32) {
    %c0_i32 = arith.constant 0 : i32
    %c0_i32_0 = arith.constant 0 : i32
    %c0_i32_1 = arith.constant 0 : i32
    return %c0_i32, %c0_i32_0 : i32, i32
  }
  func.func @transform_4(%arg0: i32) -> (i32, i32) {
    %c0_i32 = arith.constant 0 : i32
    %c0_i32_0 = arith.constant 0 : i32
    %c0_i32_1 = arith.constant 0 : i32
    return %c0_i32, %c0_i32_0 : i32, i32
  }
  func.func @transform_5(%arg0: i32) -> (i32, i32) {
    %c0_i32 = arith.constant 0 : i32
    %c0_i32_0 = arith.constant 0 : i32
    %c0_i32_1 = arith.constant 0 : i32
    return %c0_i32, %c0_i32_0 : i32, i32
  }
  func.func @transform_6(%arg0: i32) -> (i32, i32) {
    %c0_i32 = arith.constant 0 : i32
    %c0_i32_0 = arith.constant 0 : i32
    %c0_i32_1 = arith.constant 0 : i32
    return %c0_i32, %c0_i32_0 : i32, i32
  }
  func.func @transform_7(%arg0: i32) -> (i32, i32) {
    %c0_i32 = arith.constant 0 : i32
    %c0_i32_0 = arith.constant 0 : i32
    %c0_i32_1 = arith.constant 0 : i32
    return %c0_i32, %c0_i32_0 : i32, i32
  }
  func.func @transform_8(%arg0: i32) -> (i32, i32) {
    %c0_i32 = arith.constant 0 : i32
    %c0_i32_0 = arith.constant 0 : i32
    %c0_i32_1 = arith.constant 0 : i32
    return %c0_i32, %c0_i32_0 : i32, i32
  }
  func.func @transform_9(%arg0: i32) -> (i32, i32) {
    %c0_i32 = arith.constant 0 : i32
    %c0_i32_0 = arith.constant 0 : i32
    return %arg0, %c0_i32 : i32, i32
  }
}

</mosaic_0001>

<sc_bundles>
// kernel: kernel.10.cloned.1.call-start
scs
__scs_entry_jumppad:
0x0: {  	(pc) =	sbr.rel $0x88, $3  }
0x1: {  	(tag) =	ssettag $0x0;
	lr =	simm.s32 $0x1  }
0x2: {  	[smem:$0x3F98] =	sst lr;
	_ =	strace $0xD0000000  }
0x3: {  	_ = 	snop  }
0x4: {  	_ = 	snop  }
0x5: {  	_ = 	snop  }
0x6: {  	_ = 	snop  }
0x7: {  	_ = 	snop  }
__scs_overlays_trampoline_lowered:
0x8: {  	[smem:$0x3FA7] =	sst s0  }
0x9: {  	[smem:$0x3FA8] =	sst s1  }
0xa: {  	[smem:$0x3FA9] =	sst s2  }
0xb: {  	[smem:$0x3FAA] =	sst s3  }
0xc: {  	[smem:$0x3FAB] =	sst s4  }
0xd: {  	[smem:$0x3FAC] =	sst s5  }
0xe: {  	[smem:$0x3FAD] =	sst s6  }
0xf: {  	[smem:$0x3FAE] =	sst s7  }
0x10: {  	[smem:$0x3FAF] =	sst s8  }
0x11: {  	[smem:$0x3FB0] =	sst s9;
	s0 =	simm.s32 @!p0 $0x0  }
0x12: {  	s1 =	sld [smem:$0x3F96];
	s0 =	simm.s32 @p0 $0x1  }
0x13: {  	[smem:$0x3FB1] =	sst s0;
	s0 =	simm.s32 @!p1 $0x0  }
0x14: {  	s2 =	sld [smem:$0x3F95];
	s0 =	simm.s32 @p1 $0x1  }
0x15: {  	[smem:$0x3FB2] =	sst s0;
	s0 =	simm.s32 @!p2 $0x0  }
0x16: {  	s3 =	sld [smem:$0x3FDB];
	s0 =	simm.s32 @p2 $0x1  }
0x17: {  	s4 =	simm.s32 $0x1BF5;
	[smem:$0x3FB4] =	sst s0  }
0x18: {  	s0 =	sld [smem:$0x3F97];
	_ =	swait.ge [sflag:s4], $0x0  }
0x19: {  	s7 =	sld [smem:$0x3F98]  }
0x1a: {  	s8 =	sadd.s32 $0xFFFFE003, lr  }
0x1b: {  	s9 =	sadd.s32 $0xFFFFFEF7, lr;
	s5 =	simm.s32 $0xFFFFFFFF;
	p2 =	slt.u32 s8, $0xFFFFF086  }
0x1c: {  	p1 =	slt.u32 s9, $0xF7A;
	s5 =	simm.s32 @!p2 $0x0  }
0x1d: {  	s5 =	simm.s32 @p1 $0x1;
	p0 =	seq.s32 s7, s2  }
0x1e: {  	s7 =	smul.u32 @!p0 $0xF7A, s2;
	p2 =	seq.s32 @!p0 s5, $0x0  }
0x1f: {  	s9 =	smul.u32 $0xF7A, s1;
	s8 =	simm.s32 @!p0 $0x1BF5;
	p2 =	por !p2, p0  }
0x20: {  	[sflag:s8] =	ssyncset.s32 @!p0 $0xFFFFF086;
	s6 =	sadd.s32 @!p0 s3, s7;
	s7 =	simm.s32 @!p0 $0x108  }
0x21: {  	s3 =	sadd.s32 s3, s9;
	s6 =	sadd.s32 @!p0 $0x88, s6;
	s7 =	simm.s32 @p2 $0x1082  }
0x22: {  	[simem:s7], [sflag:s8] =	dma.local @!p0 [hbm:s6], $0xF7A  }
0x23: {  	s9 =	sor.u32 $0xD0000000, s2;
	s6 =	simm.s32 $0x108;
	_ =	swait.ge @!p0 [sflag:s8], $0x0  }
0x24: {  	s3 =	sadd.s32 $0x88, s3;
	s6 =	simm.s32 @!p1 $0x1082;
	[sflag:s4] =	ssyncset.s32 $0xFFFFF086  }
0x25: {  	[simem:s6], [sflag:s4] =	dma.local [hbm:s3], $0xF7A  }
0x26: {  	[smem:$0x3F98] =	sst s1;
	(tag) =	ssettag s2;
	_ =	strace s9  }
0x27: {  	s1 =	sld [smem:$0x3FA8]  }
0x28: {  	s2 =	sld [smem:$0x3FA9]  }
0x29: {  	s4 =	sld [smem:$0x3FAB]  }
0x2a: {  	p0 =	seq.s32 s5, $0x0;
	s5 =	sld [smem:$0x3FAC]  }
0x2b: {  	s6 =	sld [smem:$0x3FAD]  }
0x2c: {  	s7 =	sld [smem:$0x3FAE]  }
0x2d: {  	s3 =	simm.s32 $0x108;
	s8 =	sld [smem:$0x3FAF]  }
0x2e: {  	s3 =	simm.s32 @!p0 $0x1082;
	s9 =	sld [smem:$0x3FB0]  }
0x2f: {  	lr =	sadd.s32 s0, s3;
	s0 =	sld [smem:$0x3FA7]  }
0x30: {  	s3 =	sld [smem:$0x3FAA]  }
0x31: {  	[smem:$0x3FB3] =	sst s10  }
0x32: {  	s10 =	sld [smem:$0x3FB1];
	_ =	sdelay $0x3  }
0x33: {  	p0 =	seq.s32 s10, $0x1;
	s10 =	sld [smem:$0x3FB3];
	_ =	sdelay $0x3  }
0x34: {  	[smem:$0x3FB3] =	sst s10  }
0x35: {  	s10 =	sld [smem:$0x3FB2];
	_ =	sdelay $0x3  }
0x36: {  	p1 =	seq.s32 s10, $0x1;
	s10 =	sld [smem:$0x3FB3];
	_ =	sdelay $0x3  }
0x37: {  	[smem:$0x3FB3] =	sst s10  }
0x38: {  	s10 =	sld [smem:$0x3FB4]  }
0x39: {  	_ = 	snop;
	(pc) =	sbr.ind lr, $3  }
0x3a: {  	_ = 	snop  }
0x3b: {  	_ = 	snop  }
0x3c: {  	p2 =	seq.s32 s10, $0x1;
	s10 =	sld [smem:$0x3FB3]  }
0x3d: {  	_ =	shalt  }
0x3e: {  	_ =	shalt  }
0x3f: {  	_ =	shalt  }
0x40: {  	_ =	shalt  }
0x41: {  	_ =	shalt  }
0x42: {  	_ =	shalt  }
0x43: {  	_ =	shalt  }
0x44: {  	_ =	shalt  }
0x45: {  	_ =	shalt  }
0x46: {  	_ =	shalt  }
0x47: {  	_ =	shalt  }
0x48: {  	_ =	shalt  }
0x49: {  	_ =	shalt  }
0x4a: {  	_ =	shalt  }
0x4b: {  	_ =	shalt  }
0x4c: {  	_ =	shalt  }
0x4d: {  	_ =	shalt  }
0x4e: {  	_ =	shalt  }
0x4f: {  	_ =	shalt  }
0x50: {  	_ =	shalt  }
0x51: {  	_ =	shalt  }
0x52: {  	_ =	shalt  }
0x53: {  	_ =	shalt  }
0x54: {  	_ =	shalt  }
0x55: {  	_ =	shalt  }
0x56: {  	_ =	shalt  }
0x57: {  	_ =	shalt  }
0x58: {  	_ =	shalt  }
0x59: {  	_ =	shalt  }
0x5a: {  	_ =	shalt  }
0x5b: {  	_ =	shalt  }
0x5c: {  	_ =	shalt  }
0x5d: {  	_ =	shalt  }
0x5e: {  	_ =	shalt  }
0x5f: {  	_ =	shalt  }
0x60: {  	_ =	shalt  }
0x61: {  	_ =	shalt  }
0x62: {  	_ =	shalt  }
0x63: {  	_ =	shalt  }
0x64: {  	_ =	shalt  }
0x65: {  	_ =	shalt  }
0x66: {  	_ =	shalt  }
0x67: {  	_ =	shalt  }
0x68: {  	_ =	shalt  }
0x69: {  	_ =	shalt  }
0x6a: {  	_ =	shalt  }
0x6b: {  	_ =	shalt  }
0x6c: {  	_ =	shalt  }
0x6d: {  	_ =	shalt  }
0x6e: {  	_ =	shalt  }
0x6f: {  	_ =	shalt  }
0x70: {  	_ =	shalt  }
0x71: {  	_ =	shalt  }
0x72: {  	_ =	shalt  }
0x73: {  	_ =	shalt  }
0x74: {  	_ =	shalt  }
0x75: {  	_ =	shalt  }
0x76: {  	_ =	shalt  }
0x77: {  	_ =	shalt  }
0x78: {  	_ =	shalt  }
0x79: {  	_ =	shalt  }
0x7a: {  	_ =	shalt  }
0x7b: {  	_ =	shalt  }
0x7c: {  	_ =	shalt  }
0x7d: {  	_ =	shalt  }
0x7e: {  	_ =	shalt  }
0x7f: {  	_ =	shalt  }
0x80: {  	_ =	shalt  }
0x81: {  	_ =	shalt  }
0x82: {  	_ =	shalt  }
0x83: {  	_ =	shalt  }
0x84: {  	_ =	shalt  }
0x85: {  	_ =	shalt  }
0x86: {  	_ =	shalt  }
0x87: {  	_ =	shalt  }
.Lfunc_end0:
.L_simem_size_0:
called_computation.1_lowered:
.L_overlay_start_0:
0x88: {  	s2 =	sld [smem:$0x3FD9]  }
0x89: {  	s3 =	sld [smem:$0x3FFE];
	_ =	sdelay $0x1  }
0x8a: {  	s1 =	srdreg.scid  }
0x8b: {  	s0 =	sand.u32 $0x1, s1  }
0x8c: {  	s14 =	sshll.u32 s0, $0xA;
	s2 =	sadd.s32 s3, s2  }
0x8d: {  	s2 =	sadd.s32 s2, s14  }
0x8e: {  	[smem:$0x3FBF] =	sst s2  }
0x8f: {  	_ = 	snop  }
0x90: {  	s2 =	sld [smem:$0x3FD0];
	_ =	sdelay $0x2  }
0x91: {  	s15 =	simm.s32 $0xA;
	s4 =	simm.s32 $0x10  }
0x92: {  	[smem:s4], [sflag:s15] =	dma.local [hbm:s2], $0x1  }
0x93: {  	_ =	swait.eq [sflag:s15], $0x1  }
0x94: {  	[sflag:s15] =	ssyncset.done $0x0  }
0x95: {  	[sflag:s15] =	ssyncadd.s32 $0xFFFFFFFF  }
0x96: {  	s16 =	sld [smem:$0x10];
	(tm) =	ssettm $0x1  }
0x97: {  	s17 =	sld [smem:$0x3FFB];
	_ =	sdelay $0x3  }
0x98: {  	_ =	strace s17  }
0x99: {  	s3 =	sld [smem:$0x3FFC];
	_ =	sdelay $0x3  }
0x9a: {  	_ =	strace s3  }
0x9b: {  	s3 =	sld [smem:$0x3FFD];
	_ =	sdelay $0x3  }
0x9c: {  	_ =	strace s3  }
0x9d: {  	_ =	strace $0x8FFFFFFF  }
0x9e: {  	s18 =	sld [smem:$0x3FDB];
	_ =	sdelay $0x1  }
0x9f: {  	s19 =	simm.s32 $_scs_section_size  }
0xa0: {  	s5 =	simm.s32 $_size__tile_overlayer_lowered;
	s6 =	simm.s32 $_tile_overlayer_lowered  }
0xa1: {  	s22 =	simm.s32 $0x1BFF;
	s21 =	sshll.u32 s6, $0x1;
	s3 =	sadd.s32 s19, s18  }
0xa2: {  	s7 =	simm.s32 $0x0;
	s20 =	sshll.u32 s5, $0x1;
	s5 =	sadd.s32 s21, s3  }
0xa3: {  	[timem:s7], [sflag:s22] =	dma.local [hbm:s5], s20  }
0xa4: {  	_ =	swait.ge [sflag:s22], s20  }
0xa5: {  	s4 =	ssub.s32 $0x0, s20;
	[sflag:s22] =	ssyncset.done $0x0  }
0xa6: {  	[sflag:s22] =	ssyncadd.s32 s4;
	_ =	sdelay $0x1  }
0xa7: {  	s23 =	simm.s32 $0x1B8B  }
0xa8: {  	_ =	swait.ge [sflag:s23], $0x1  }
0xa9: {  	[sflag:s23] =	ssyncset.done $0x0  }
0xaa: {  	s25 =	simm.s32 $0x1B8E;
	s24 =	sld [smem:$0x3FFE];
	[sflag:s23] =	ssyncadd.s32 $0xFFFFFFFF  }
0xab: {  	s26 =	simm.s32 $execute0_lowered;
	[smem:$0x3FD2] =	sst s25  }
0xac: {  	s5 =	sshll.u32 s26, $0x1;
	_ =	strace $0x80000049;
	[dreg:$0x1] =	wrdreg $0xFFFFFFFF  }
0xad: {  	s28 =	simm.s32 $_size_execute0_lowered;
	s3 =	sadd.s32 s3, s5;
	[dreg:$0x0] =	wrdreg $0x0  }
0xae: {  	s5 =	sshll.u32 s28, $0x1;
	[dreg:$0x2] =	wrdreg s3  }
0xaf: {  	[dreg:$0x3] =	wrdreg s5  }
0xb0: {  	[dreg:$0x4] =	wrdreg $0xC0  }
0xb1: {  	_ =	task [dreg:s7], $0x5FFFF  }
0xb2: {  	[dreg:$0x1] =	wrdreg $0xFFFFFFFF  }
0xb3: {  	[dreg:$0x0] =	wrdreg $0x60  }
0xb4: {  	[dreg:$0x2] =	wrdreg s24  }
0xb5: {  	[dreg:$0x3] =	wrdreg s16  }
0xb6: {  	[dreg:$0x4] =	wrdreg $0x9  }
0xb7: {  	_ =	task.clear_ibuf [dreg:s7], $0x5FFFF;
	_ =	strace $0x90000049  }
0xb8: {  	s29 =	simm.s32 $0x9;
	_ =	strace $0x8000004B  }
0xb9: {  	_ =	swait.ge [sflag:s29], $0x1  }
0xba: {  	[sflag:s29] =	ssyncadd.s32 $0xFFFFFFFF  }
0xbb: {  	_ =	strace $0x9000004B  }
0xbc: {  	_ =	sfence  }
0xbd: {  	s30 =	sld [smem:$0x0];
	_ =	sdelay $0x2  }
0xbe: {  	s31 =	sshll.u32 s1, $0xD;
	s1 =	sshrl.u32 s1, $0x2  }
0xbf: {  	s3 =	sand.u32 $0x4000, s31;
	s1 =	sadd.s32 s1, s30  }
0xc0: {  	s0 =	sor.u32 s3, s0;
	s1 =	sshll.u32 s1, $0x11  }
0xc1: {  	s0 =	sor.u32 s1, s0  }
0xc2: {  	s0 =	sadd.s32 $0x8F2B, s0  }
0xc3: {  	[sflag:s0] =	ssyncadd.remote.s32 $0x1  }
0xc4: {  	_ =	sfence.sel $0xFFFF  }
0xc5: {  	[dreg:$0x0] =	wrdreg $0xFFFFFFFF;
	(pc) =	sbr.abs _section_cstart, $3  }
0xc6: {  	[dreg:$0x1] =	wrdreg $0xFFFFFFFF  }
0xc7: {  	_ =	task.clear_ibuf [dreg:s7], $0x2FFFF;
	_ =	strace $0x9FFFFFFF  }
0xc8: {  	(tm) =	ssettm $0x7FFFFFFF  }
0xc9: {  	_ =	shalt  }
tec
execute0_lowered:
.L_overlay_start_1:
0x0: {  	(tag) =	ssettag $0x1  }
0x1: {  	s4 =	rddreg [dreg:$0x0]  }
0x2: {  	s5 =	rddreg [dreg:$0x1]  }
0x3: {  	s0 =	rddreg [dreg:$0x2]  }
0x4: {  	s3 =	srdreg.scid;
	s1 =	stileid.u32;
	s2 =	simm.s32 $0x0  }
0x5: {  	s13 =	simm.s32 $0x5400;
	s14 =	simm.s32 $0x1;
	s24 =	smul.u32 $0x140000, s1  }
0x6: {  	s15 =	simm.s32 $0x2;
	s7 =	sand.u32 $0x1, s3;
	s29 =	smul.u32 $0x28000, s1  }
0x7: {  	s16 =	simm.s32 $0x1380;
	s20 =	sshll.u32 s1, $0x1;
	s26 =	smul.u32 $0xA0000, s7  }
0x8: {  	s17 =	simm.s32 $0x0;
	s6 =	sor.u32 s7, s20;
	s30 =	smul.u32 $0x14000, s7  }
0x9: {  	[smem:$0x7FF] =	sst s2;
	s3 =	sadd.s32 $0x287600, s4;
	s8 =	smul.u32 $0x1400, s6  }
0xa: {  	s11 =	sadd.s32 $0x2AE800, s4;
	s9 =	ssub.s32 $0x2, s7;
	s10 =	smul.u32 $0xA0000, s6  }
0xb: {  	_ =	strace $0x8000004A;
	s21 =	sshrl.u32 s9, $0x1;
	s12 =	smul.u32 $0x14000, s6  }
0xc: {  	s22 =	ssub.s32 s9, s21;
	s9 =	sadd.s32 s29, s11;
	s23 =	sshrl.u32 s8, $0x3  }
0xd: {  	s25 =	sshrl.u32 s10, $0x3;
	s8 =	sadd.s32 s26, s24;
	s31 =	sadd.s32 s11, s12  }
0xe: {  	s9 =	sadd.s32 s30, s9;
	s10 =	simm.s32 $0x3;
	s12 =	simm.s32 $0x80  }
0xf: {  	s4 =	sadd.s32 s5, s23;
	s5 =	smax.u32 s22, $0x1;
	s28 =	sadd.s32 s11, s25  }
0x10: {  	s8 =	sshrl.u32 s8, $0x3;
	s7 =	sadd.s32 $0x13800, s31;
	s9 =	sadd.s32 $0x800, s9  }
0x11: {  	s6 =	sadd.s32 $0x13000, s28;
	s8 =	sadd.s32 s8, s11;
	s11 =	simm.s32 $0x1400  }
.LBB2_1:
0x12: {  	[tilespmem:s2], [sflag:$0x3] =	stream.linear.gather [hbm4b:s4+s2], $0x1400, $0x38;
	[tilespmem:$0x9400] =	vst v63  }
0x13: {  	_ =	swait.ge [sflag:s10], $0x1400  }
0x14: {  	[sflag:s10] =	ssyncset.done $0x0  }
0x15: {  	[sflag:s10] =	ssyncadd.s32 $0xFFFFEC00  }
0x16: {  	[tilespmem:s11], [sflag:$0x1] =	stream.indirect.gather [hbm4b:s3+s12], $0x80, s2, s12, $0xb8;
	[tilespmem:$0x9400] =	vst v63  }
0x17: {  	_ = 	snop  }
0x18: {  	[tilespmem:s13], [sflag:$0x2] =	stream.indirect.gather [hbm4b:s3+s12], $0x80, s12, s12, $0xb8;
	[tilespmem:$0x9400] =	vst v63  }
0x19: {  	_ =	swait.ge [sflag:s14], $0x4000  }
0x1a: {  	[sflag:s14] =	ssyncset.done $0x0  }
0x1b: {  	s18 =	sadd.s32 $0x0, s8;
	[sflag:s14] =	ssyncadd.s32 $0xFFFFC000  }
0x1c: {  	[hbm4b:s18+s2] =	stream.linear.scatter [tilespmem:s11], [sflag:$0x3], $0x4000, $0x38;
	[tilespmem:$0x9400] =	vst v63  }
0x1d: {  	_ =	swait.ge [sflag:s10], $0x4000  }
0x1e: {  	[sflag:s10] =	ssyncset.done $0x0  }
0x1f: {  	s30 =	simm.s32 $0x100;
	[sflag:s10] =	ssyncadd.s32 $0xFFFFC000  }
0x20: {  	[tilespmem:s11], [sflag:$0x1] =	stream.indirect.gather [hbm4b:s3+s12], $0x80, s30, s12, $0xb8;
	[tilespmem:$0x9400] =	vst v63  }
0x21: {  	_ =	swait.ge [sflag:s15], $0x4000  }
0x22: {  	[sflag:s15] =	ssyncset.done $0x0  }
0x23: {  	s31 =	sadd.s32 $0x0, s9;
	[sflag:s15] =	ssyncadd.s32 $0xFFFFC000  }
0x24: {  	[hbm4b:s31+s2] =	stream.linear.scatter [tilespmem:s13], [sflag:$0x3], $0x4000, $0x38;
	[tilespmem:$0x9400] =	vst v63  }
0x25: {  	_ =	swait.ge [sflag:s10], $0x4000  }
0x26: {  	s19 =	simm.s32 $0x80;
	s18 =	simm.s32 $0x1000;
	[sflag:s10] =	ssyncset.done $0x0  }
.LBB2_2:
0x27: {  	p0 =	sne.s32 s18, $0x12000;
	[sflag:s10] =	ssyncadd.s32 $0xFFFFC000;
	s19 =	sadd.s32 $0x100, s19  }
0x28: {  	[tilespmem:s13], [sflag:$0x2] =	stream.indirect.gather [hbm4b:s3+s12], $0x80, s19, s12, $0xb8;
	[tilespmem:$0x9400] =	vst v63  }
0x29: {  	s20 =	smov.u32 s18;
	s18 =	sadd.s32 $0x1000, s18;
	_ =	swait.ge [sflag:s14], $0x4000  }
0x2a: {  	[sflag:s14] =	ssyncset.done $0x0  }
0x2b: {  	s21 =	sadd.s32 s20, s8;
	[sflag:s14] =	ssyncadd.s32 $0xFFFFC000  }
0x2c: {  	[hbm4b:s21+s2] =	stream.linear.scatter [tilespmem:s11], [sflag:$0x3], $0x4000, $0x38;
	[tilespmem:$0x9400] =	vst v63  }
0x2d: {  	_ =	swait.ge [sflag:s10], $0x4000  }
0x2e: {  	[sflag:s10] =	ssyncset.done $0x0  }
0x2f: {  	s21 =	sadd.s32 $0x80, s19;
	[sflag:s10] =	ssyncadd.s32 $0xFFFFC000  }
0x30: {  	[tilespmem:s11], [sflag:$0x1] =	stream.indirect.gather [hbm4b:s3+s12], $0x80, s21, s12, $0xb8;
	[tilespmem:$0x9400] =	vst v63  }
0x31: {  	_ =	swait.ge [sflag:s15], $0x4000  }
.Ltmp0:
0x32: {  	[sflag:s15] =	ssyncset.done $0x0;
	(pc) =	sbr.rel @p0 .LBB2_2-.Ltmp0, $4  }
0x33: {  	s20 =	sadd.s32 s20, s9;
	[sflag:s15] =	ssyncadd.s32 $0xFFFFC000  }
0x34: {  	[hbm4b:s20+s2] =	stream.linear.scatter [tilespmem:s13], [sflag:$0x3], $0x4000, $0x38;
	[tilespmem:$0x9400] =	vst v63  }
0x35: {  	_ =	swait.ge [sflag:s10], $0x4000  }
0x36: {  	[sflag:s10] =	ssyncset.done $0x0  }
0x37: {  	[sflag:s10] =	ssyncadd.s32 $0xFFFFC000  }
0x38: {  	[tilespmem:s13], [sflag:$0x2] =	stream.indirect.gather [hbm4b:s3+s12], $0x80, s16, s12, $0xb8;
	[tilespmem:$0x9400] =	vst v63  }
0x39: {  	_ =	swait.ge [sflag:s14], $0x4000  }
0x3a: {  	[sflag:s14] =	ssyncset.done $0x0  }
0x3b: {  	[sflag:s14] =	ssyncadd.s32 $0xFFFFC000  }
0x3c: {  	[hbm4b:s6+s2] =	stream.linear.scatter [tilespmem:s11], [sflag:$0x3], $0x4000, $0x38;
	[tilespmem:$0x9400] =	vst v63  }
0x3d: {  	_ =	swait.ge [sflag:s10], $0x4000  }
0x3e: {  	[sflag:s10] =	ssyncset.done $0x0  }
0x3f: {  	[sflag:s10] =	ssyncadd.s32 $0xFFFFC000  }
0x40: {  	s17 =	sadd.s32 $0x1, s17;
	_ =	swait.ge [sflag:s15], $0x4000  }
0x41: {  	p0 =	sne.s32 s17, s5;
	[sflag:s15] =	ssyncset.done $0x0  }
.Ltmp1:
0x42: {  	[sflag:s15] =	ssyncadd.s32 $0xFFFFC000;
	(pc) =	sbr.rel @p0 .LBB2_1-.Ltmp1, $4  }
0x43: {  	[hbm4b:s7+s2] =	stream.linear.scatter [tilespmem:s13], [sflag:$0x3], $0x4000, $0x38;
	[tilespmem:$0x9400] =	vst v63  }
0x44: {  	_ =	swait.ge [sflag:s10], $0x4000  }
0x45: {  	[sflag:s10] =	ssyncset.done $0x0  }
0x46: {  	[sflag:s10] =	ssyncadd.s32 $0xFFFFC000  }
0x47: {  	_ =	sfence.sel $0x180000  }
0x48: {  	[bflag:$0x0] =	sbarrier.arrive $0xFFFF  }
0x49: {  	p0 =	sne.s32 s1, $0x0;
	_ =	strace $0x9000004A  }
0x4a: {  	s0 =	sadd.s32 @!p0 $0x100000, s0;
	[bflag:$0x2] =	sbarrier.arrive $0xFFFF  }
0x4b: {  	[sflag:s0] =	ssyncadd.tile.s32 @!p0 $0x1;
	_ =	shalt  }
.Lfunc_end2:
_tile_overlayer_lowered:
.L_overlay_start_2:
0x4c: {  	(tag) =	ssettag $0x2  }
0x4d: {  	s0 =	rddreg [dreg:$0x0];
	s2 =	stileid.u32  }
0x4e: {  	s1 =	rddreg [dreg:$0x1];
	p0 =	sne.s32 s2, $0x0  }
0x4f: {  	s3 =	rddreg [dreg:$0x2];
	[bflag:$0x3] =	sbarrier.arrive $0xFFFF;
	s2 =	simm.s32 @!p0 $0x1C03  }
0x50: {  	[timem:s3], [sflag:s2] =	dma.local @!p0 [hbm:s0], s1  }
0x51: {  	s0 =	simm.s32 @!p0 $0x3  }
0x52: {  	_ =	swait.ge @!p0 [sflag:s0], s1  }
0x53: {  	s1 =	ssub.s32 @!p0 $0x0, s1;
	[sflag:s0] =	ssyncset.done @!p0 $0x0  }
0x54: {  	[sflag:s0] =	ssyncadd.s32 @!p0 s1  }
0x55: {  	[bflag:$0x3] =	sbarrier.arrive $0xFFFF  }
0x56: {  	_ =	shalt  }

// kernel: kernel.7.cloned.1.call-start
scs
__scs_entry_jumppad:
0x0: {  	(pc) =	sbr.rel $0x88, $3  }
0x1: {  	(tag) =	ssettag $0x0;
	lr =	simm.s32 $0x1  }
0x2: {  	[smem:$0x3F98] =	sst lr;
	_ =	strace $0xD0000000  }
0x3: {  	_ = 	snop  }
0x4: {  	_ = 	snop  }
0x5: {  	_ = 	snop  }
0x6: {  	_ = 	snop  }
0x7: {  	_ = 	snop  }
__scs_overlays_trampoline_lowered:
0x8: {  	[smem:$0x3FA7] =	sst s0  }
0x9: {  	[smem:$0x3FA8] =	sst s1  }
0xa: {  	[smem:$0x3FA9] =	sst s2  }
0xb: {  	[smem:$0x3FAA] =	sst s3  }
0xc: {  	[smem:$0x3FAB] =	sst s4  }
0xd: {  	[smem:$0x3FAC] =	sst s5  }
0xe: {  	[smem:$0x3FAD] =	sst s6  }
0xf: {  	[smem:$0x3FAE] =	sst s7  }
0x10: {  	[smem:$0x3FAF] =	sst s8  }
0x11: {  	[smem:$0x3FB0] =	sst s9;
	s0 =	simm.s32 @!p0 $0x0  }
0x12: {  	s1 =	sld [smem:$0x3F96];
	s0 =	simm.s32 @p0 $0x1  }
0x13: {  	[smem:$0x3FB1] =	sst s0;
	s0 =	simm.s32 @!p1 $0x0  }
0x14: {  	s2 =	sld [smem:$0x3F95];
	s0 =	simm.s32 @p1 $0x1  }
0x15: {  	[smem:$0x3FB2] =	sst s0;
	s0 =	simm.s32 @!p2 $0x0  }
0x16: {  	s3 =	sld [smem:$0x3FDB];
	s0 =	simm.s32 @p2 $0x1  }
0x17: {  	s4 =	simm.s32 $0x1BF5;
	[smem:$0x3FB4] =	sst s0  }
0x18: {  	s0 =	sld [smem:$0x3F97];
	_ =	swait.ge [sflag:s4], $0x0  }
0x19: {  	s7 =	sld [smem:$0x3F98]  }
0x1a: {  	s8 =	sadd.s32 $0xFFFFE003, lr  }
0x1b: {  	s9 =	sadd.s32 $0xFFFFFEF7, lr;
	s5 =	simm.s32 $0xFFFFFFFF;
	p2 =	slt.u32 s8, $0xFFFFF086  }
0x1c: {  	p1 =	slt.u32 s9, $0xF7A;
	s5 =	simm.s32 @!p2 $0x0  }
0x1d: {  	s5 =	simm.s32 @p1 $0x1;
	p0 =	seq.s32 s7, s2  }
0x1e: {  	s7 =	smul.u32 @!p0 $0xF7A, s2;
	p2 =	seq.s32 @!p0 s5, $0x0  }
0x1f: {  	s9 =	smul.u32 $0xF7A, s1;
	s8 =	simm.s32 @!p0 $0x1BF5;
	p2 =	por !p2, p0  }
0x20: {  	[sflag:s8] =	ssyncset.s32 @!p0 $0xFFFFF086;
	s6 =	sadd.s32 @!p0 s3, s7;
	s7 =	simm.s32 @!p0 $0x108  }
0x21: {  	s3 =	sadd.s32 s3, s9;
	s6 =	sadd.s32 @!p0 $0x88, s6;
	s7 =	simm.s32 @p2 $0x1082  }
0x22: {  	[simem:s7], [sflag:s8] =	dma.local @!p0 [hbm:s6], $0xF7A  }
0x23: {  	s9 =	sor.u32 $0xD0000000, s2;
	s6 =	simm.s32 $0x108;
	_ =	swait.ge @!p0 [sflag:s8], $0x0  }
0x24: {  	s3 =	sadd.s32 $0x88, s3;
	s6 =	simm.s32 @!p1 $0x1082;
	[sflag:s4] =	ssyncset.s32 $0xFFFFF086  }
0x25: {  	[simem:s6], [sflag:s4] =	dma.local [hbm:s3], $0xF7A  }
0x26: {  	[smem:$0x3F98] =	sst s1;
	(tag) =	ssettag s2;
	_ =	strace s9  }
0x27: {  	s1 =	sld [smem:$0x3FA8]  }
0x28: {  	s2 =	sld [smem:$0x3FA9]  }
0x29: {  	s4 =	sld [smem:$0x3FAB]  }
0x2a: {  	p0 =	seq.s32 s5, $0x0;
	s5 =	sld [smem:$0x3FAC]  }
0x2b: {  	s6 =	sld [smem:$0x3FAD]  }
0x2c: {  	s7 =	sld [smem:$0x3FAE]  }
0x2d: {  	s3 =	simm.s32 $0x108;
	s8 =	sld [smem:$0x3FAF]  }
0x2e: {  	s3 =	simm.s32 @!p0 $0x1082;
	s9 =	sld [smem:$0x3FB0]  }
0x2f: {  	lr =	sadd.s32 s0, s3;
	s0 =	sld [smem:$0x3FA7]  }
0x30: {  	s3 =	sld [smem:$0x3FAA]  }
0x31: {  	[smem:$0x3FB3] =	sst s10  }
0x32: {  	s10 =	sld [smem:$0x3FB1];
	_ =	sdelay $0x3  }
0x33: {  	p0 =	seq.s32 s10, $0x1;
	s10 =	sld [smem:$0x3FB3];
	_ =	sdelay $0x3  }
0x34: {  	[smem:$0x3FB3] =	sst s10  }
0x35: {  	s10 =	sld [smem:$0x3FB2];
	_ =	sdelay $0x3  }
0x36: {  	p1 =	seq.s32 s10, $0x1;
	s10 =	sld [smem:$0x3FB3];
	_ =	sdelay $0x3  }
0x37: {  	[smem:$0x3FB3] =	sst s10  }
0x38: {  	s10 =	sld [smem:$0x3FB4]  }
0x39: {  	_ = 	snop;
	(pc) =	sbr.ind lr, $3  }
0x3a: {  	_ = 	snop  }
0x3b: {  	_ = 	snop  }
0x3c: {  	p2 =	seq.s32 s10, $0x1;
	s10 =	sld [smem:$0x3FB3]  }
0x3d: {  	_ =	shalt  }
0x3e: {  	_ =	shalt  }
0x3f: {  	_ =	shalt  }
0x40: {  	_ =	shalt  }
0x41: {  	_ =	shalt  }
0x42: {  	_ =	shalt  }
0x43: {  	_ =	shalt  }
0x44: {  	_ =	shalt  }
0x45: {  	_ =	shalt  }
0x46: {  	_ =	shalt  }
0x47: {  	_ =	shalt  }
0x48: {  	_ =	shalt  }
0x49: {  	_ =	shalt  }
0x4a: {  	_ =	shalt  }
0x4b: {  	_ =	shalt  }
0x4c: {  	_ =	shalt  }
0x4d: {  	_ =	shalt  }
0x4e: {  	_ =	shalt  }
0x4f: {  	_ =	shalt  }
0x50: {  	_ =	shalt  }
0x51: {  	_ =	shalt  }
0x52: {  	_ =	shalt  }
0x53: {  	_ =	shalt  }
0x54: {  	_ =	shalt  }
0x55: {  	_ =	shalt  }
0x56: {  	_ =	shalt  }
0x57: {  	_ =	shalt  }
0x58: {  	_ =	shalt  }
0x59: {  	_ =	shalt  }
0x5a: {  	_ =	shalt  }
0x5b: {  	_ =	shalt  }
0x5c: {  	_ =	shalt  }
0x5d: {  	_ =	shalt  }
0x5e: {  	_ =	shalt  }
0x5f: {  	_ =	shalt  }
0x60: {  	_ =	shalt  }
0x61: {  	_ =	shalt  }
0x62: {  	_ =	shalt  }
0x63: {  	_ =	shalt  }
0x64: {  	_ =	shalt  }
0x65: {  	_ =	shalt  }
0x66: {  	_ =	shalt  }
0x67: {  	_ =	shalt  }
0x68: {  	_ =	shalt  }
0x69: {  	_ =	shalt  }
0x6a: {  	_ =	shalt  }
0x6b: {  	_ =	shalt  }
0x6c: {  	_ =	shalt  }
0x6d: {  	_ =	shalt  }
0x6e: {  	_ =	shalt  }
0x6f: {  	_ =	shalt  }
0x70: {  	_ =	shalt  }
0x71: {  	_ =	shalt  }
0x72: {  	_ =	shalt  }
0x73: {  	_ =	shalt  }
0x74: {  	_ =	shalt  }
0x75: {  	_ =	shalt  }
0x76: {  	_ =	shalt  }
0x77: {  	_ =	shalt  }
0x78: {  	_ =	shalt  }
0x79: {  	_ =	shalt  }
0x7a: {  	_ =	shalt  }
0x7b: {  	_ =	shalt  }
0x7c: {  	_ =	shalt  }
0x7d: {  	_ =	shalt  }
0x7e: {  	_ =	shalt  }
0x7f: {  	_ =	shalt  }
0x80: {  	_ =	shalt  }
0x81: {  	_ =	shalt  }
0x82: {  	_ =	shalt  }
0x83: {  	_ =	shalt  }
0x84: {  	_ =	shalt  }
0x85: {  	_ =	shalt  }
0x86: {  	_ =	shalt  }
0x87: {  	_ =	shalt  }
.Lfunc_end0:
.L_simem_size_0:
called_computation_lowered:
.L_overlay_start_0:
0x88: {  	s2 =	sld [smem:$0x3FD9]  }
0x89: {  	s3 =	sld [smem:$0x3FFE];
	_ =	sdelay $0x1  }
0x8a: {  	s1 =	srdreg.scid  }
0x8b: {  	s0 =	sand.u32 $0x1, s1  }
0x8c: {  	s14 =	sshll.u32 s0, $0xA;
	s2 =	sadd.s32 s3, s2  }
0x8d: {  	s2 =	sadd.s32 s2, s14  }
0x8e: {  	[smem:$0x3FBF] =	sst s2  }
0x8f: {  	_ = 	snop  }
0x90: {  	s2 =	sld [smem:$0x3FD0];
	_ =	sdelay $0x2  }
0x91: {  	s15 =	simm.s32 $0xA;
	s4 =	simm.s32 $0x10  }
0x92: {  	[smem:s4], [sflag:s15] =	dma.local [hbm:s2], $0x1  }
0x93: {  	_ =	swait.eq [sflag:s15], $0x1  }
0x94: {  	s16 =	sld [smem:$0x10];
	[sflag:s15] =	ssyncset.done $0x0  }
0x95: {  	s17 =	sld [smem:$0x11];
	[sflag:s15] =	ssyncadd.s32 $0xFFFFFFFF  }
0x96: {  	s18 =	sld [smem:$0x12];
	(tm) =	ssettm $0x1  }
0x97: {  	s5 =	sld [smem:$0x3FFB];
	_ =	sdelay $0x3  }
0x98: {  	_ =	strace s5  }
0x99: {  	s5 =	sld [smem:$0x3FFC];
	_ =	sdelay $0x3  }
0x9a: {  	_ =	strace s5  }
0x9b: {  	s5 =	sld [smem:$0x3FFD];
	_ =	sdelay $0x3  }
0x9c: {  	_ =	strace s5  }
0x9d: {  	_ =	strace $0x8FFFFFFF  }
0x9e: {  	s19 =	sld [smem:$0x3FDB];
	_ =	sdelay $0x1  }
0x9f: {  	s6 =	simm.s32 $_scs_section_size  }
0xa0: {  	s7 =	simm.s32 $_size__tile_overlayer_lowered;
	s8 =	simm.s32 $_tile_overlayer_lowered  }
0xa1: {  	s22 =	simm.s32 $0x1BFF;
	s21 =	sshll.u32 s8, $0x1;
	s5 =	sadd.s32 s6, s19  }
0xa2: {  	s9 =	simm.s32 $0x0;
	s20 =	sshll.u32 s7, $0x1;
	s7 =	sadd.s32 s21, s5  }
0xa3: {  	[timem:s9], [sflag:s22] =	dma.local [hbm:s7], s20  }
0xa4: {  	_ =	swait.ge [sflag:s22], s20  }
0xa5: {  	s6 =	ssub.s32 $0x0, s20;
	[sflag:s22] =	ssyncset.done $0x0  }
0xa6: {  	[sflag:s22] =	ssyncadd.s32 s6;
	_ =	sdelay $0x1  }
0xa7: {  	s23 =	simm.s32 $0x1B8B  }
0xa8: {  	_ =	swait.ge [sflag:s23], $0x1  }
0xa9: {  	[sflag:s23] =	ssyncset.done $0x0  }
0xaa: {  	s25 =	simm.s32 $0x1B8E;
	s24 =	sld [smem:$0x3FFE];
	[sflag:s23] =	ssyncadd.s32 $0xFFFFFFFF  }
0xab: {  	s26 =	simm.s32 $execute0_lowered;
	[smem:$0x3FD2] =	sst s25  }
0xac: {  	s7 =	sshll.u32 s26, $0x1;
	_ =	strace $0x80000046;
	[dreg:$0x1] =	wrdreg $0xFFFFFFFF  }
0xad: {  	s28 =	simm.s32 $_size_execute0_lowered;
	s5 =	sadd.s32 s5, s7;
	[dreg:$0x0] =	wrdreg $0x0  }
0xae: {  	s7 =	sshll.u32 s28, $0x1;
	[dreg:$0x2] =	wrdreg s5  }
0xaf: {  	[dreg:$0x3] =	wrdreg s7  }
0xb0: {  	[dreg:$0x4] =	wrdreg $0xC0  }
0xb1: {  	_ =	task [dreg:s9], $0x5FFFF  }
0xb2: {  	[dreg:$0x1] =	wrdreg $0xFFFFFFFF  }
0xb3: {  	[dreg:$0x0] =	wrdreg $0x60  }
0xb4: {  	[dreg:$0x2] =	wrdreg s17  }
0xb5: {  	[dreg:$0x3] =	wrdreg s24  }
0xb6: {  	[dreg:$0x4] =	wrdreg s18  }
0xb7: {  	[dreg:$0x5] =	wrdreg s16  }
0xb8: {  	[dreg:$0x6] =	wrdreg $0x9  }
0xb9: {  	_ =	task.clear_ibuf [dreg:s9], $0x7FFFF;
	_ =	strace $0x90000046  }
0xba: {  	s29 =	simm.s32 $0x9;
	_ =	strace $0x80000048  }
0xbb: {  	_ =	swait.ge [sflag:s29], $0x1  }
0xbc: {  	[sflag:s29] =	ssyncadd.s32 $0xFFFFFFFF  }
0xbd: {  	_ =	strace $0x90000048  }
0xbe: {  	_ =	sfence  }
0xbf: {  	s30 =	sld [smem:$0x0];
	_ =	sdelay $0x2  }
0xc0: {  	s31 =	sshll.u32 s1, $0xD;
	s1 =	sshrl.u32 s1, $0x2  }
0xc1: {  	s3 =	sand.u32 $0x4000, s31;
	s1 =	sadd.s32 s1, s30  }
0xc2: {  	s0 =	sor.u32 s3, s0;
	s1 =	sshll.u32 s1, $0x11  }
0xc3: {  	s0 =	sor.u32 s1, s0  }
0xc4: {  	s0 =	sadd.s32 $0x8F2B, s0  }
0xc5: {  	[sflag:s0] =	ssyncadd.remote.s32 $0x1  }
0xc6: {  	_ =	sfence.sel $0xFFFF  }
0xc7: {  	[dreg:$0x0] =	wrdreg $0xFFFFFFFF;
	(pc) =	sbr.abs _section_cstart, $3  }
0xc8: {  	[dreg:$0x1] =	wrdreg $0xFFFFFFFF  }
0xc9: {  	_ =	task.clear_ibuf [dreg:s9], $0x2FFFF;
	_ =	strace $0x9FFFFFFF  }
0xca: {  	(tm) =	ssettm $0x7FFFFFFF  }
0xcb: {  	_ =	shalt  }
tec
execute0_lowered:
.L_overlay_start_1:
0x0: {  	(tag) =	ssettag $0x1  }
0x1: {  	s0 =	rddreg [dreg:$0x1];
	s23 =	simm.s32 $0x0  }
0x2: {  	[smem:$0x7FF] =	sst s23  }
0x3: {  	s1 =	rddreg [dreg:$0x3];
	v0 =	vimm.s32 $0xC0000000;
	_ =	strace $0x80000047  }
0x4: {  	(xrf0) =	vmin.scan.msk.u32 $0xffff, v0;
	_ =	sdelay $0x5  }
0x5: {  	v0, _, _ =	vpop (xrf0)  }
0x6: {  	s2 =	srdreg.scid;
	(v2sf) =	vpush v0, $0xF  }
0x7: {  	s4 =	stileid.u32;
	s28 =	simm.s32 $0x1AE00;
	s29 =	simm.s32 $0x1AF80  }
0x8: {  	s30 =	simm.s32 $0x1D780;
	s2 =	sand.u32 $0x1, s2;
	s5 =	sadd.s32 $0x1600, s0  }
0x9: {  	s3 =	sshll.u32 s4, $0x1;
	s15 =	sadd.s32 $0x1C00, s0;
	[dreg:$0x6] =	wrdreg s5  }
0xa: {  	s13 =	sshrl.u32 s4, $0x2;
	s16 =	sadd.s32 $0x1200, s0;
	[dreg:$0x7] =	wrdreg s15  }
0xb: {  	s17 =	sadd.s32 $0x1400, s0;
	s18 =	sadd.s32 $0x2400, s0;
	[dreg:$0x8] =	wrdreg s16  }
0xc: {  	s19 =	sadd.s32 $0x2200, s0;
	s31 =	sadd.s32 $0x7600, s0;
	[dreg:$0x9] =	wrdreg s17  }
0xd: {  	s3 =	sor.u32 s3, s2;
	[dreg:$0xa] =	wrdreg s18;
	s2 =	ssub.s32 $0x2, s2  }
0xe: {  	[dreg:$0xb] =	wrdreg s19;
	s19 =	simm.s32 $0x7800;
	s24 =	sxor.u32 $0x1, s3  }
0xf: {  	s3 =	smul.u32 $0xA000, s13;
	s21 =	sshrl.u32 s2, $0x1;
	s14 =	sshll.u32 s24, $0x7  }
0x10: {  	[dreg:$0xc] =	wrdreg s31;
	s22 =	ssub.s32 s2, s21;
	s4 =	sand.u32 $0x380, s14  }
0x11: {  	s21 =	simm.s32 $0xC800;
	s2 =	simm.s32 $0x18600;
	s3 =	sor.u32 s4, s3  }
0x12: {  	[dreg:$0x5] =	wrdreg s24;
	s4 =	simm.s32 $0x1;
	s3 =	sshrl.u32 s3, $0x3  }
.Ltmp0:
0x13: {  	s20 =	sadd.s32 s3, s0;
	s1 =	sadd.s32 s1, s3;
	(pc) =	sbr.rel .LBB2_1-.Ltmp0, $4  }
0x14: {  	v1 =	vimm.s32 $0x0;
	s0 =	smax.u32 s22, $0x1;
	s3 =	simm.s32 $0x0;
	[dreg:$0xd] =	wrdreg s1  }
0x15: {  	v2 =	vlaneseq.u32;
	v3 =	vimm.s32 $0x1;
	v4 =	vimm.f32 $0.0e+00;
	s25 =	sadd.s32 $0x2600, s20;
	[dreg:$0xf] =	wrdreg s0;
	s26 =	spop (v2sf)  }
0x16: {  	v9 =	vimm.f32 $+Inf;
	v5 =	vor.u32 $0x10, v2;
	v6 =	vor.u32 $0x20, v2;
	s20 =	simm.s32 $0xA000;
	s1 =	simm.s32 $0x15E00;
	s0 =	sxor.u32 $0x80000000, s26  }
0x17: {  	v7 =	vor.u32 $0x30, v2;
	v8 =	vmul.u32 $0x80, v2;
	[dreg:$0xe] =	wrdreg s25;
	s25 =	simm.s32 $0x10E00;
	s26 =	simm.s32 $0x13600;
	v0 =	vmov s0  }
.LBB2_36:
0x18: {  	s0 =	rddreg [dreg:$0xd];
	s3 =	simm.s32 $0x80;
	s5 =	simm.s32 $0x400  }
0x19: {  	[hbm4b:s0+s3] =	stream.strided.scatter [tilespmem:s29], [sflag:$0x1], $0x1400, s5, s3, $0x38;
	[tilespmem:$0x1F880] =	vst v63  }
0x1a: {  	_ =	swait.ge [sflag:s4], $0x1400  }
0x1b: {  	[sflag:s4] =	ssyncset.done $0x0  }
0x1c: {  	s6 =	simm.s32 $0x1C380;
	s17 =	rddreg [dreg:$0xe];
	[sflag:s4] =	ssyncadd.s32 $0xFFFFEC00  }
0x1d: {  	[hbm4b:s17+s3] =	stream.strided.scatter [tilespmem:s6], [sflag:$0x1], $0x1400, s5, s3, $0x38;
	[tilespmem:$0x1F880] =	vst v63  }
0x1e: {  	_ =	swait.ge [sflag:s4], $0x1400  }
0x1f: {  	s18 =	rddreg [dreg:$0x10]  }
0x20: {  	s22 =	rddreg [dreg:$0xf];
	s3 =	sadd.s32 $0x1, s18  }
0x21: {  	p0 =	sne.s32 s3, s22  }
.Ltmp1:
0x22: {  	_ = 	snop;
	(pc) =	sbr.rel @!p0 .LBB2_37-.Ltmp1, $3  }
0x23: {  	_ =	sdelay $0x1  }
0x24: {  	[sflag:s4] =	ssyncset.done $0x0  }
0x25: {  	[sflag:s4] =	ssyncadd.s32 $0xFFFFEC00  }
.LBB2_1:
0x26: {  	[dreg:$0x10] =	wrdreg s3  }
0x27: {  	s0 =	rddreg [dreg:$0xa];
	s8 =	simm.s32 $0x1F780  }
0x28: {  	[tilespmem:s8], [sflag:$0x1] =	stream.linear.gather [hbm4b:s0+s23], $0x1, $0x38;
	[tilespmem:$0x1F880] =	vst v63  }
0x29: {  	s9 =	rddreg [dreg:$0xb];
	s10 =	simm.s32 $0x1F800  }
0x2a: {  	[tilespmem:s10], [sflag:$0x1] =	stream.linear.gather [hbm4b:s9+s23], $0x1, $0x38;
	[tilespmem:$0x1F880] =	vst v63  }
0x2b: {  	_ =	swait.ge [sflag:s4], $0x1  }
0x2c: {  	[sflag:s4] =	ssyncset.done $0x0  }
0x2d: {  	[sflag:s4] =	ssyncadd.s32 $0xFFFFFFFF  }
0x2e: {  	_ =	swait.ge [sflag:s4], $0x1  }
0x2f: {  	[sflag:s4] =	ssyncset.done $0x0  }
0x30: {  	[sflag:s4] =	ssyncadd.s32 $0xFFFFFFFF  }
0x31: {  	v10 =	vld.msk [tilespmem:$0x1F780 ss:$0x0], $0xffff;
	s11 =	rddreg [dreg:$0x0]  }
0x32: {  	v11 =	vld.msk [tilespmem:$0x1F800 ss:$0x0], $0xffff;
	[tilespmem:s19], [sflag:$0x1] =	stream.linear.gather [hbm4b:s11+s23], $0x2800, $0x38  }
0x33: {  	_ =	swait.ge [sflag:s4], $0x2800  }
0x34: {  	[sflag:s4] =	ssyncset.done $0x0  }
0x35: {  	s12 =	rddreg [dreg:$0x6];
	[sflag:s4] =	ssyncadd.s32 $0xFFFFD800  }
0x36: {  	[tilespmem:s20], [sflag:$0x1] =	stream.linear.gather [hbm4b:s12+s23], $0x2800, $0x38;
	[tilespmem:$0x1F880] =	vst v63  }
0x37: {  	_ =	swait.ge [sflag:s4], $0x2800  }
0x38: {  	[sflag:s4] =	ssyncset.done $0x0  }
0x39: {  	s13 =	rddreg [dreg:$0x7];
	[sflag:s4] =	ssyncadd.s32 $0xFFFFD800  }
0x3a: {  	[tilespmem:s21], [sflag:$0x1] =	stream.linear.gather [hbm4b:s13+s23], $0x2800, $0x38;
	[tilespmem:$0x1F880] =	vst v63  }
0x3b: {  	_ =	swait.ge [sflag:s4], $0x2800  }
0x3c: {  	[sflag:s4] =	ssyncset.done $0x0  }
0x3d: {  	[sflag:s4] =	ssyncadd.s32 $0xFFFFD800  }
0x3e: {  	s15 =	simm.s32 $0xF000;
	s14 =	rddreg [dreg:$0x2]  }
0x3f: {  	[tilespmem:s15], [sflag:$0x1] =	stream.linear.gather [hbm4b:s14+s23], $0xA00, $0x38;
	[tilespmem:$0x1F880] =	vst v63  }
0x40: {  	_ =	swait.ge [sflag:s4], $0xA00  }
0x41: {  	[sflag:s4] =	ssyncset.done $0x0  }
0x42: {  	s17 =	simm.s32 $0xFA00;
	s16 =	rddreg [dreg:$0x8];
	[sflag:s4] =	ssyncadd.s32 $0xFFFFF600  }
0x43: {  	[tilespmem:s17], [sflag:$0x1] =	stream.linear.gather [hbm4b:s16+s23], $0xA00, $0x38;
	[tilespmem:$0x1F880] =	vst v63  }
0x44: {  	_ =	swait.ge [sflag:s4], $0xA00  }
0x45: {  	[sflag:s4] =	ssyncset.done $0x0  }
0x46: {  	s22 =	simm.s32 $0x10400;
	s18 =	rddreg [dreg:$0x9];
	[sflag:s4] =	ssyncadd.s32 $0xFFFFF600  }
0x47: {  	[tilespmem:s22], [sflag:$0x1] =	stream.linear.gather [hbm4b:s18+s23], $0xA00, $0x38;
	[tilespmem:$0x1F880] =	vst v63  }
0x48: {  	_ =	swait.ge [sflag:s4], $0xA00  }
0x49: {  	[sflag:s4] =	ssyncset.done $0x0  }
0x4a: {  	s17 =	simm.s32 $0x0;
	[sflag:s4] =	ssyncadd.s32 $0xFFFFF600  }
.LBB2_2:
0x4b: {  	s0 =	sshll.u32 s17, $0x5  }
0x4c: {  	s0 =	sor.u32 s24, s0  }
0x4d: {  	v12 =	vmov s0;
	_ =	sdelay $0x3  }
0x4e: {  	s14 =	simm.s32 $0xF000  }
0x4f: {  	s15 =	simm.s32 $0xFA00;
	v14 =	vld.idx.msk [tilespmem:v12+s14+$0x0], $0xffff  }
0x50: {  	s16 =	simm.s32 $0x10400;
	v13 =	vld.idx.msk [tilespmem:v12+s15+$0x0], $0xffff  }
0x51: {  	v12 =	vld.idx.msk [tilespmem:v12+s16+$0x0], $0xffff;
	[tilespmem:$0x1AE00] =	vst v1  }
0x52: {  	[tilespmem:$0x1AE10] =	vst v1  }
0x53: {  	[tilespmem:$0x1AE20] =	vst v1  }
0x54: {  	[tilespmem:$0x1AE30] =	vst v1  }
0x55: {  	[tilespmem:$0x1AE40] =	vst v1  }
0x56: {  	[tilespmem:$0x1AE50] =	vst v1  }
0x57: {  	[tilespmem:$0x1AE60] =	vst v1  }
0x58: {  	[tilespmem:$0x1AE70] =	vst v1  }
0x59: {  	[tilespmem:$0x1AE80] =	vst v1  }
0x5a: {  	[tilespmem:$0x1AE90] =	vst v1  }
0x5b: {  	[tilespmem:$0x1AEA0] =	vst v1  }
0x5c: {  	[tilespmem:$0x1AEB0] =	vst v1  }
0x5d: {  	[tilespmem:$0x1AEC0] =	vst v1  }
0x5e: {  	[tilespmem:$0x1AED0] =	vst v1  }
0x5f: {  	[tilespmem:$0x1AEE0] =	vst v1  }
0x60: {  	[tilespmem:$0x1AEF0] =	vst v1  }
0x61: {  	[tilespmem:$0x1AF00] =	vst v1  }
0x62: {  	s6 =	sshll.u32 s17, $0x6;
	[tilespmem:$0x1AF10] =	vst v1  }
0x63: {  	[tilespmem:s6+$0x1AF80] =	vst v1  }
0x64: {  	[tilespmem:s6+$0x1AF90] =	vst v1  }
0x65: {  	[tilespmem:s6+$0x1AFA0] =	vst v1  }
0x66: {  	s18 =	simm.s32 $0x7820;
	[dreg:$0x11] =	wrdreg s0;
	[tilespmem:s6+$0x1AFB0] =	vst v1  }
0x67: {  	s3 =	simm.s32 $0xA020;
	v15 =	vld [tilespmem:s18+$0x10]  }
0x68: {  	s4 =	simm.s32 $0xC820;
	v16 =	vld [tilespmem:s3+$0x10]  }
0x69: {  	v17 =	vld [tilespmem:s4+$0x10]  }
0x6a: {  	v18 =	vld [tilespmem:s3+$0xFFFFFFE0]  }
0x6b: {  	v19 =	vld [tilespmem:s4+$0xFFFFFFE0]  }
0x6c: {  	v20 =	vld [tilespmem:s18+$0xFFFFFFF0]  }
0x6d: {  	v21 =	vld [tilespmem:s3+$0xFFFFFFF0]  }
0x6e: {  	v22 =	vld [tilespmem:s4+$0xFFFFFFF0];
	v15 =	vsub.f32 v15, v14  }
0x6f: {  	v23 =	vld [tilespmem:s18+$0x0];
	v16 =	vsub.f32 v16, v13  }
0x70: {  	v24 =	vld [tilespmem:s3+$0x0];
	v17 =	vsub.f32 v17, v12;
	v15 =	vmul.f32 v15, v15  }
0x71: {  	s3 =	simm.s32 $0x20;
	v25 =	vld [tilespmem:s4+$0x0];
	v20 =	vsub.f32 v20, v14;
	v16 =	vmul.f32 v16, v16  }
0x72: {  	s22 =	simm.s32 $0x7860;
	s4 =	simm.s32 $0x2820;
	v21 =	vsub.f32 v21, v13;
	[tilespmem:s3+$0x10] =	vst v15;
	v15 =	vmul.f32 v17, v17;
	v17 =	vld [tilespmem:s18+$0xFFFFFFE0]  }
0x73: {  	s5 =	simm.s32 $0x5020;
	s10 =	simm.s32 $0xA060;
	v22 =	vsub.f32 v22, v12;
	v20 =	vmul.f32 v20, v20;
	[tilespmem:s4+$0x10] =	vst v16;
	v16 =	vld [tilespmem:s22+$0x10]  }
0x74: {  	s11 =	simm.s32 $0xC860;
	v23 =	vsub.f32 v23, v14;
	v21 =	vmul.f32 v21, v21;
	[tilespmem:s5+$0x10] =	vst v15;
	v15 =	vld [tilespmem:s10+$0x10]  }
0x75: {  	v26 =	vld [tilespmem:s11+$0x10];
	[tilespmem:s3+$0xFFFFFFF0] =	vst v20;
	v20 =	vmul.f32 v22, v22;
	v22 =	vsub.f32 v24, v13  }
0x76: {  	v23 =	vmul.f32 v23, v23;
	v24 =	vld [tilespmem:s10+$0xFFFFFFE0];
	[tilespmem:s4+$0xFFFFFFF0] =	vst v21;
	v21 =	vsub.f32 v25, v12  }
0x77: {  	v25 =	vld [tilespmem:s11+$0xFFFFFFE0];
	[tilespmem:s5+$0xFFFFFFF0] =	vst v20;
	v20 =	vmul.f32 v22, v22;
	v17 =	vsub.f32 v17, v14  }
0x78: {  	[tilespmem:s3+$0x0] =	vst v23;
	v22 =	vld [tilespmem:s22+$0xFFFFFFF0];
	v21 =	vmul.f32 v21, v21;
	v16 =	vsub.f32 v16, v14  }
0x79: {  	v27 =	vld [tilespmem:s10+$0xFFFFFFF0];
	[tilespmem:s4+$0x0] =	vst v20;
	v15 =	vsub.f32 v15, v13;
	v17 =	vmul.f32 v17, v17  }
0x7a: {  	v26 =	vsub.f32 v26, v12;
	v23 =	vsub.f32 v18, v13;
	v20 =	vld [tilespmem:s11+$0xFFFFFFF0];
	[tilespmem:s5+$0x0] =	vst v21;
	v16 =	vmul.f32 v16, v16  }
0x7b: {  	s12 =	simm.s32 $0x60;
	v18 =	vld [tilespmem:s22+$0x0];
	v21 =	vsub.f32 v19, v12;
	v24 =	vsub.f32 v24, v13;
	v28 =	vmul.f32 v15, v15;
	[tilespmem:s3+$0xFFFFFFE0] =	vst v17  }
0x7c: {  	s13 =	simm.s32 $0x2860;
	s8 =	sor.u32 $0x10, s6;
	s7 =	sor.u32 $0x20, s6;
	v29 =	vmul.f32 v26, v26;
	v19 =	vld [tilespmem:s10+$0x0];
	v15 =	vmul.f32 v23, v23;
	v17 =	vsub.f32 v25, v12;
	[tilespmem:s12+$0x10] =	vst v16  }
0x7d: {  	s9 =	sor.u32 $0x30, s6;
	s15 =	simm.s32 $0x40;
	s14 =	simm.s32 $0x5060;
	v23 =	vmul.f32 v24, v24;
	v25 =	vsub.f32 v22, v14;
	v16 =	vmul.f32 v21, v21;
	v21 =	vld [tilespmem:s11+$0x0];
	[tilespmem:s13+$0x10] =	vst v28  }
0x7e: {  	s16 =	simm.s32 $0x5020;
	v26 =	vsub.f32 v27, v13;
	s18 =	simm.s32 $0x2820;
	v22 =	vld [tilespmem:s22+$0xFFFFFFE0];
	s22 =	simm.s32 $0x78A0;
	v24 =	vmul.f32 v17, v17;
	[tilespmem:s14+$0x10] =	vst v29  }
.LBB2_3:
0x7f: {  	v17 =	vld [tilespmem:s22+$0x10];
	v20 =	vsub.f32 v20, v12;
	v25 =	vmul.f32 v25, v25;
	s10 =	sadd.s32 $0x40, s10;
	[tilespmem:s18+$0xFFFFFFE0] =	vst v15;
	v15 =	vmov v23;
	s18 =	smov.u32 s13  }
0x80: {  	s11 =	sadd.s32 $0x40, s11;
	v23 =	vld [tilespmem:s10+$0x10];
	v26 =	vmul.f32 v26, v26;
	v18 =	vsub.f32 v18, v14;
	[tilespmem:s16+$0xFFFFFFE0] =	vst v16;
	v16 =	vmov v24;
	s16 =	smov.u32 s14  }
0x81: {  	s15 =	sadd.s32 $0x40, s15;
	v24 =	vld [tilespmem:s11+$0x10];
	[tilespmem:s12+$0xFFFFFFF0] =	vst v25;
	v20 =	vmul.f32 v20, v20;
	v19 =	vsub.f32 v19, v13  }
0x82: {  	p0 =	slt.u32 s15, $0x27C0;
	v25 =	vld [tilespmem:s10+$0xFFFFFFE0];
	[tilespmem:s13+$0xFFFFFFF0] =	vst v26;
	v21 =	vsub.f32 v21, v12;
	v18 =	vmul.f32 v18, v18  }
0x83: {  	v26 =	vld [tilespmem:s11+$0xFFFFFFE0];
	v22 =	vsub.f32 v22, v14;
	[tilespmem:s14+$0xFFFFFFF0] =	vst v20;
	v19 =	vmul.f32 v19, v19  }
0x84: {  	v27 =	vld [tilespmem:s22+$0xFFFFFFF0];
	v17 =	vsub.f32 v17, v14;
	[tilespmem:s12+$0x0] =	vst v18;
	v18 =	vmul.f32 v21, v21  }
0x85: {  	v28 =	vld [tilespmem:s10+$0xFFFFFFF0];
	v21 =	vsub.f32 v23, v13;
	v22 =	vmul.f32 v22, v22;
	[tilespmem:s13+$0x0] =	vst v19  }
.Ltmp2:
0x86: {  	v20 =	vld [tilespmem:s11+$0xFFFFFFF0];
	v23 =	vsub.f32 v24, v12;
	v17 =	vmul.f32 v17, v17;
	[tilespmem:s14+$0x0] =	vst v18;
	(pc) =	sbr.rel @p0 .LBB2_3-.Ltmp2, $4  }
0x87: {  	v24 =	vsub.f32 v25, v13;
	v18 =	vld [tilespmem:s22+$0x0];
	v29 =	vmul.f32 v21, v21;
	[tilespmem:s12+$0xFFFFFFE0] =	vst v22;
	s12 =	sadd.s32 $0x40, s12  }
0x88: {  	s13 =	sadd.s32 $0x40, s13;
	v26 =	vsub.f32 v26, v12;
	v19 =	vld [tilespmem:s10+$0x0];
	[tilespmem:s12+$0x10] =	vst v17;
	v17 =	vmul.f32 v23, v23  }
0x89: {  	s14 =	sadd.s32 $0x40, s14;
	v23 =	vmul.f32 v24, v24;
	v25 =	vsub.f32 v27, v14;
	v21 =	vld [tilespmem:s11+$0x0];
	[tilespmem:s13+$0x10] =	vst v29  }
0x8a: {  	s0 =	simm.s32 $0x0;
	v22 =	vld [tilespmem:s22+$0xFFFFFFE0];
	v24 =	vmul.f32 v26, v26;
	v26 =	vsub.f32 v28, v13;
	[tilespmem:s14+$0x10] =	vst v17;
	s22 =	sadd.s32 $0x40, s22;
	v17 =	vimm.s32 $0x0  }
0x8b: {  	v20 =	vsub.f32 v20, v12;
	v25 =	vmul.f32 v25, v25;
	[tilespmem:s18+$0xFFFFFFE0] =	vst v15  }
0x8c: {  	v15 =	vmul.f32 v26, v26;
	v18 =	vsub.f32 v18, v14;
	[tilespmem:s16+$0xFFFFFFE0] =	vst v16  }
0x8d: {  	[tilespmem:s12+$0xFFFFFFF0] =	vst v25;
	v16 =	vmul.f32 v20, v20;
	v19 =	vsub.f32 v19, v13  }
0x8e: {  	[tilespmem:s13+$0xFFFFFFF0] =	vst v15;
	v15 =	vsub.f32 v21, v12;
	v18 =	vmul.f32 v18, v18  }
0x8f: {  	v20 =	vsub.f32 v22, v14;
	[tilespmem:s14+$0xFFFFFFF0] =	vst v16;
	v16 =	vmul.f32 v19, v19  }
0x90: {  	[tilespmem:s12+$0x0] =	vst v18;
	v15 =	vmul.f32 v15, v15  }
0x91: {  	v18 =	vmul.f32 v20, v20;
	[tilespmem:s13+$0x0] =	vst v16  }
0x92: {  	[tilespmem:s14+$0x0] =	vst v15  }
0x93: {  	[tilespmem:s12+$0xFFFFFFE0] =	vst v18  }
0x94: {  	[tilespmem:s13+$0xFFFFFFE0] =	vst v23  }
0x95: {  	[tilespmem:s14+$0xFFFFFFE0] =	vst v24  }
0x96: {  	v15 =	vld [tilespmem:s4+$0xFFFFFFF0]  }
0x97: {  	v16 =	vld [tilespmem:s5+$0xFFFFFFE0]  }
0x98: {  	v18 =	vld [tilespmem:s4+$0x0]  }
0x99: {  	v19 =	vld [tilespmem:s3+$0xFFFFFFE0]  }
0x9a: {  	v20 =	vld [tilespmem:s4+$0xFFFFFFE0]  }
0x9b: {  	v21 =	vld [tilespmem:s3+$0x10]  }
0x9c: {  	v22 =	vld [tilespmem:s3+$0x0]  }
0x9d: {  	v23 =	vld [tilespmem:s4+$0x10]  }
0x9e: {  	v24 =	vld [tilespmem:s3+$0xFFFFFFF0]  }
0x9f: {  	v25 =	vld [tilespmem:s5+$0x0]  }
0xa0: {  	v19 =	vadd.f32 v20, v19;
	v20 =	vld [tilespmem:s5+$0x10]  }
0xa1: {  	v26 =	vld [tilespmem:s5+$0xFFFFFFF0]  }
0xa2: {  	v18 =	vadd.f32 v18, v22  }
0xa3: {  	s15 =	simm.s32 $0x2860;
	v19 =	vadd.f32 v16, v19;
	v16 =	vadd.f32 v23, v21  }
0xa4: {  	s16 =	simm.s32 $0x60;
	v28 =	vld [tilespmem:s15+$0xFFFFFFF0];
	v15 =	vadd.f32 v15, v24  }
0xa5: {  	v36 =	vld [tilespmem:s16+$0xFFFFFFF0];
	v18 =	vadd.f32 v25, v18;
	vm0 =	vle.f32 v19, v10;
	v20 =	vadd.f32 v20, v16  }
0xa6: {  	v15 =	vadd.f32 v26, v15;
	v21 =	vsel vm0, $0x1, v1  }
0xa7: {  	vm3 =	vle.f32 v18, v10;
	v25 =	vmul.f32 v19, v11;
	(xrf0) =	vadd.scan.msk.s32 $0xffff, v21;
	vm2 =	vle.f32 v20, v10  }
0xa8: {  	v16 =	vmpcnt.ones.xlane vm0;
	vm1 =	vmmov vm0;
	v22 =	vsel vm2, $0x1, v1  }
0xa9: {  	vm0 =	vle.f32 v15, v10;
	v23 =	vsel vm3, $0x1, v1;
	v21 =	vmul.f32 v18, v11;
	(xrf0) =	vadd.scan.msk.s32 $0xffff, v22  }
0xaa: {  	v28 =	vadd.f32 v28, v36;
	v24 =	vmpcnt.ones.xlane vm0;
	v25 =	vtrunc.f32 v25;
	(xrf0) =	vadd.scan.msk.s32 $0xffff, v23  }
0xab: {  	vm5 =	vmmov vm3;
	v25 =	vcvt.f32.s32 v25;
	v32 =	vmul.f32 v20, v11  }
0xac: {  	s14 =	simm.s32 $0x5060;
	v16 =	vadd.s32 v17, v16;
	v21 =	vtrunc.f32 v21;
	v22 =	vmul.f32 v15, v11  }
0xad: {  	v29 =	vld [tilespmem:s14+$0xFFFFFFE0];
	v24 =	vadd.s32 v16, v24;
	v21 =	vcvt.f32.s32 v21;
	v23 =	vmpcnt.ones.xlane vm3;
	v27, _, _ =	vpop (xrf0)  }
0xae: {  	v31 =	vld [tilespmem:s15+$0x0];
	v22 =	vtrunc.f32 v22;
	v17 =	vadd.s32 v27, v17;
	v27 =	vmpcnt.ones.xlane vm2  }
0xaf: {  	v34 =	vld [tilespmem:s15+$0xFFFFFFE0];
	v32 =	vtrunc.f32 v32;
	v22 =	vcvt.f32.s32 v22;
	v23 =	vadd.s32 v24, v23;
	v33, _, _ =	vpop (xrf0)  }
0xb0: {  	v30 =	vadd.s32 $0xFFFFFFFF, v17;
	v17 =	vadd.s32 v23, v27;
	v27 =	vld [tilespmem:s16+$0xFFFFFFE0];
	v23 =	vadd.s32 v33, v23;
	v61, _, _ =	vpop (xrf0)  }
0xb1: {  	v62 =	vld [tilespmem:s16+$0x0];
	vm4 =	vlt.s32 v25, $0x10;
	v24 =	vadd.s32 v61, v24;
	v23 =	vadd.s32 $0xFFFFFFFF, v23  }
0xb2: {  	v35 =	vld [tilespmem:s16+$0x10];
	v25 =	vnsel vm4, $0x10, v25;
	vm3 =	vlt.s32 v22, $0x10;
	v24 =	vadd.s32 $0xFFFFFFFF, v24  }
0xb3: {  	v37 =	vld [tilespmem:s15+$0x10];
	v32 =	vcvt.f32.s32 v32;
	v22 =	vnsel vm3, $0x10, v22;
	vm3 =	vlt.s32 v21, $0x10  }
0xb4: {  	v26 =	vld [tilespmem:s14+$0x0];
	vm4 =	vmmov vm0;
	v22 =	vshll.u32 v22, $0x4;
	v21 =	vnsel vm3, $0x10, v21  }
0xb5: {  	v21 =	vshll.u32 v21, $0x4;
	[tilespmem:v30+s25+$0x0] =	vst.idx.msk vm1, v19;
	v19 =	vshll.u32 v25, $0x4;
	v27 =	vadd.f32 v34, v27  }
0xb6: {  	v39 =	vld [tilespmem:s14+$0x10];
	vm3 =	vlt.s32 v32, $0x10;
	v38 =	vor.u32 v2, v21;
	v63 =	vor.u32 v2, v19;
	[tilespmem:v23+s25+$0x0] =	vst.idx.msk vm2, v20  }
0xb7: {  	s18 =	simm.s32 $0x30;
	s22 =	simm.s32 $0x20;
	v21 =	vld [tilespmem:s14+$0xFFFFFFF0];
	v20 =	vadd.f32 v31, v62;
	v19 =	vadd.f32 v29, v27;
	v27 =	vor.u32 s0, v2;
	[tilespmem:v24+s25+$0x0] =	vst.idx.msk vm5, v18  }
0xb8: {  	v25 =	vor.u32 s18, v2;
	v31 =	vor.u32 s22, v2;
	v18 =	vnsel vm3, $0x10, v32;
	[tilespmem:v30+s26+$0x0] =	vst.idx.msk vm1, v27  }
0xb9: {  	v29 =	vadd.f32 v37, v35;
	[tilespmem:v24+s26+$0x0] =	vst.idx.msk vm5, v31;
	v24 =	vshll.u32 v18, $0x4;
	v18 =	vadd.f32 v26, v20  }
0xba: {  	[tilespmem:v23+s26+$0x0] =	vst.idx.msk vm2, v25;
	vm3 =	vle.f32 v19, v10;
	v20 =	vsel vm0, $0x1, v1;
	v26 =	vor.u32 v2, v24  }
0xbb: {  	v27 =	vsel vm3, $0x1, v1;
	v30 =	vmpcnt.ones.xlane vm3;
	[tilespmem:v63+s28+$0x0] =	vst.idx.add.s32.msk vm1, v3;
	(xrf0) =	vadd.scan.msk.s32 $0xffff, v20  }
0xbc: {  	v20 =	vadd.f32 v21, v28;
	v21 =	vadd.f32 v39, v29;
	vm1 =	vmmov vm3;
	(xrf0) =	vadd.scan.msk.s32 $0xffff, v27  }
0xbd: {  	v24 =	vmul.f32 v18, v11;
	vm6 =	vle.f32 v18, v10;
	v23 =	vadd.s32 v17, v30  }
0xbe: {  	v25 =	vmpcnt.ones.xlane vm6;
	vm0 =	vle.f32 v21, v10;
	vm3 =	vle.f32 v20, v10  }
0xbf: {  	s10 =	simm.s32 $0x50A0;
	s11 =	simm.s32 $0xA0;
	[tilespmem:v38+s28+$0x0] =	vst.idx.add.s32.msk vm5, v3;
	v27 =	vsel vm6, $0x1, v1;
	v29 =	vsel vm0, $0x1, v1;
	v28 =	vmpcnt.ones.xlane vm3  }
0xc0: {  	s3 =	simm.s32 $0x40;
	s4 =	simm.s32 $0x80;
	s5 =	simm.s32 $0x28A0;
	(xrf0) =	vadd.scan.msk.s32 $0xffff, v29;
	[tilespmem:v26+s28+$0x0] =	vst.idx.add.s32.msk vm2, v3;
	v26 =	vmul.f32 v20, v11;
	vm2 =	vmmov vm6  }
.LBB2_5:
0xc1: {  	v29 =	vld [tilespmem:s10+$0xFFFFFFF0];
	p0 =	slt.u32 s4, $0x27C0;
	v30 =	vmul.f32 v19, v11;
	v24 =	vtrunc.f32 v24;
	(xrf0) =	vadd.scan.msk.s32 $0xffff, v27;
	v27 =	vor.u32 v2, v22;
	v22, _, _ =	vpop (xrf0);
	s12 =	smov.u32 s4;
	s4 =	sadd.s32 $0x40, s4  }
0xc2: {  	v31 =	vld [tilespmem:s10+$0x0];
	v26 =	vtrunc.f32 v26;
	v28 =	vadd.s32 v23, v28;
	v32, _, _ =	vpop (xrf0);
	v34 =	vadd.s32 v22, v16  }
0xc3: {  	v38 =	vmpcnt.ones.xlane vm0;
	v16 =	vmovc v23;
	v33 =	vld [tilespmem:s5+$0xFFFFFFF0];
	v17 =	vadd.s32 v32, v17;
	v32 =	vadd.s32 $0xFFFFFFFF, v34  }
0xc4: {  	v24 =	vcvt.f32.s32 v24;
	v23 =	vld [tilespmem:s10+$0xFFFFFFE0];
	v34 =	vadd.s32 $0xFFFFFFFF, v17;
	v17 =	vtrunc.f32 v30  }
0xc5: {  	v26 =	vcvt.f32.s32 v26;
	v39 =	vadd.s32 v28, v25;
	v30 =	vld [tilespmem:s5+$0x0];
	v35 =	vcvt.f32.s32 v17  }
0xc6: {  	v37 =	vmul.f32 v21, v11;
	s13 =	sadd.s32 $0x10, s0;
	s0 =	smov.u32 s3;
	s3 =	smov.u32 s12;
	v17 =	vadd.s32 v39, v38;
	v36 =	vld [tilespmem:s11+$0x10];
	v22, _, _ =	vpop (xrf0)  }
0xc7: {  	vm5 =	vlt.s32 v26, $0x10;
	v38 =	vld [tilespmem:s11+$0xFFFFFFE0];
	v22 =	vadd.s32 v22, v39;
	v25, _, _ =	vpop (xrf0);
	v39 =	vor.u32 s13, v2  }
0xc8: {  	v26 =	vnsel vm5, $0x10, v26;
	v40 =	vld [tilespmem:s5+$0xFFFFFFE0];
	v25 =	vadd.s32 v25, v28;
	v28 =	vadd.s32 $0xFFFFFFFF, v22;
	[tilespmem:v32+s25+$0x0] =	vst.idx.msk vm4, v15;
	v15 =	vmovc v20  }
0xc9: {  	v37 =	vtrunc.f32 v37;
	vm5 =	vlt.s32 v24, $0x10;
	v20 =	vld [tilespmem:s11+$0x0];
	v25 =	vadd.s32 $0xFFFFFFFF, v25;
	[tilespmem:v32+s26+$0x0] =	vst.idx.msk vm4, v39  }
0xca: {  	vm6 =	vlt.s32 v35, $0x10;
	v24 =	vnsel vm5, $0x10, v24;
	v22 =	vshll.u32 v26, $0x4;
	[tilespmem:v27+s28+$0x0] =	vst.idx.add.s32.msk vm4, v3  }
0xcb: {  	s12 =	sadd.s32 $0x30, s0;
	v24 =	vshll.u32 v24, $0x4;
	v27 =	vcvt.f32.s32 v37;
	v26 =	vld [tilespmem:s11+$0xFFFFFFF0];
	[tilespmem:v34+s25+$0x0] =	vst.idx.msk vm1, v19;
	v19 =	vnsel vm6, $0x10, v35  }
0xcc: {  	v37 =	vor.u32 s12, v2;
	v35 =	vor.u32 v2, v24;
	v32 =	vld [tilespmem:s5+$0x10];
	v19 =	vshll.u32 v19, $0x4  }
0xcd: {  	s12 =	sadd.s32 $0x20, s0;
	vm4 =	vlt.s32 v27, $0x10;
	v24 =	vadd.f32 v40, v38;
	v38 =	vld [tilespmem:s10+$0x10];
	v39 =	vor.u32 v2, v19;
	[tilespmem:v28+s25+$0x0] =	vst.idx.msk vm0, v21  }
0xce: {  	v21 =	vor.u32 s12, v2;
	v20 =	vadd.f32 v30, v20;
	[tilespmem:v25+s25+$0x0] =	vst.idx.msk vm2, v18;
	v18 =	vnsel vm4, $0x10, v27  }
0xcf: {  	v19 =	vadd.f32 v23, v24;
	v23 =	vor.u32 s0, v2;
	[tilespmem:v25+s26+$0x0] =	vst.idx.msk vm2, v21;
	v21 =	vshll.u32 v18, $0x4  }
0xd0: {  	v24 =	vadd.f32 v33, v26;
	v18 =	vadd.f32 v31, v20;
	v26 =	vor.u32 v2, v21  }
0xd1: {  	v20 =	vsel vm3, $0x1, v1;
	vm4 =	vle.f32 v19, v10;
	v21 =	vadd.f32 v32, v36;
	[tilespmem:v34+s26+$0x0] =	vst.idx.msk vm1, v23  }
0xd2: {  	v23 =	vsel vm4, $0x1, v1;
	v25 =	vmpcnt.ones.xlane vm4;
	[tilespmem:v39+s28+$0x0] =	vst.idx.add.s32.msk vm1, v3;
	(xrf0) =	vadd.scan.msk.s32 $0xffff, v20  }
.Ltmp3:
0xd3: {  	v20 =	vadd.f32 v29, v24;
	v24 =	vmul.f32 v18, v11;
	v21 =	vadd.f32 v38, v21;
	(xrf0) =	vadd.scan.msk.s32 $0xffff, v23;
	(pc) =	sbr.rel @p0 .LBB2_5-.Ltmp3, $4  }
0xd4: {  	vm5 =	vle.f32 v18, v10;
	vm1 =	vmmov vm4;
	vm4 =	vmmov vm3;
	[tilespmem:v28+s26+$0x0] =	vst.idx.msk vm0, v37  }
0xd5: {  	v23 =	vadd.s32 v17, v25;
	v25 =	vmpcnt.ones.xlane vm5;
	[tilespmem:v26+s28+$0x0] =	vst.idx.add.s32.msk vm0, v3;
	vm0 =	vle.f32 v21, v10  }
0xd6: {  	v27 =	vsel vm5, $0x1, v1;
	vm3 =	vle.f32 v20, v10;
	v29 =	vsel vm0, $0x1, v1;
	[tilespmem:v35+s28+$0x0] =	vst.idx.add.s32.msk vm2, v3  }
0xd7: {  	s11 =	sadd.s32 $0x40, s11;
	s5 =	sadd.s32 $0x40, s5;
	s10 =	sadd.s32 $0x40, s10;
	v26 =	vmul.f32 v20, v11;
	v28 =	vmpcnt.ones.xlane vm3;
	vm2 =	vmmov vm5;
	(xrf0) =	vadd.scan.msk.s32 $0xffff, v29  }
0xd8: {  	_ = 	snop  }
0xd9: {  	v29 =	vmpcnt.ones.xlane vm0;
	v28 =	vadd.s32 v23, v28  }
0xda: {  	v25 =	vadd.s32 v28, v25  }
0xdb: {  	(xrf0) =	vadd.scan.msk.s32 $0xffff, v27;
	v53 =	vsel vm3, $0x1, v1;
	v52 =	vadd.s32 v25, v29  }
0xdc: {  	(xrf0) =	vadd.scan.msk.s32 $0xffff, v53;
	v27 =	vxor.u32 $0x80000000, v52  }
0xdd: {  	(xrf0) =	vmax.scan.msk.u32 $0xffff, v27  }
0xde: {  	v54, _, _ =	vpop (xrf0)  }
0xdf: {  	v55, _, _ =	vpop (xrf0)  }
0xe0: {  	v30, _, _ =	vpop (xrf0)  }
0xe1: {  	v31, _, _ =	vpop (xrf0)  }
0xe2: {  	v32, _, _ =	vpop (xrf0)  }
0xe3: {  	v33, _, _ =	vpop (xrf0)  }
0xe4: {  	(v2sf) =	vpush v33, $0xF  }
0xe5: {  	v16 =	vadd.s32 v54, v16  }
0xe6: {  	v56 =	vmul.f32 v19, v11;
	v24 =	vtrunc.f32 v24;
	v16 =	vadd.s32 $0xFFFFFFFF, v16  }
0xe7: {  	v22 =	vor.u32 v2, v22;
	v57 =	vmul.f32 v21, v11;
	v17 =	vadd.s32 v55, v17  }
0xe8: {  	vm11 =	vmmov vm3;
	v26 =	vtrunc.f32 v26;
	v17 =	vadd.s32 $0xFFFFFFFF, v17  }
0xe9: {  	v24 =	vcvt.f32.s32 v24;
	v27 =	vtrunc.f32 v56;
	v25 =	vadd.s32 v30, v25  }
0xea: {  	s0 =	sadd.s32 $0x10, s0;
	v27 =	vcvt.f32.s32 v27;
	v28 =	vadd.s32 v31, v28;
	v25 =	vadd.s32 $0xFFFFFFFF, v25  }
0xeb: {  	s15 =	sadd.s32 $0x20, s3;
	v58 =	vor.u32 s0, v2;
	v29 =	vtrunc.f32 v57;
	[tilespmem:v16+s25+$0x0] =	vst.idx.msk vm4, v15;
	v15 =	vadd.s32 $0xFFFFFFFF, v28  }
0xec: {  	v62 =	vor.u32 s15, v2;
	v59 =	vcvt.f32.s32 v29;
	vm5 =	vlt.s32 v27, $0x10;
	[tilespmem:v16+s26+$0x0] =	vst.idx.msk vm4, v58  }
0xed: {  	v26 =	vcvt.f32.s32 v26;
	vm8 =	vlt.s32 v24, $0x10;
	[tilespmem:v17+s25+$0x0] =	vst.idx.msk vm1, v19;
	v16 =	vnsel vm5, $0x10, v27  }
0xee: {  	v60 =	vnsel vm8, $0x10, v24;
	vm9 =	vlt.s32 v59, $0x10;
	[tilespmem:v22+s28+$0x0] =	vst.idx.add.s32.msk vm4, v3;
	v16 =	vshll.u32 v16, $0x4  }
0xef: {  	v19 =	vnsel vm9, $0x10, v59;
	v22 =	vshll.u32 v60, $0x4;
	v16 =	vor.u32 v2, v16;
	[tilespmem:v25+s25+$0x0] =	vst.idx.msk vm0, v21  }
0xf0: {  	vm10 =	vlt.s32 v26, $0x10;
	v19 =	vshll.u32 v19, $0x4;
	v61 =	vor.u32 v2, v22;
	[tilespmem:v15+s25+$0x0] =	vst.idx.msk vm2, v18  }
0xf1: {  	s16 =	sadd.s32 $0x30, s3;
	v18 =	vor.u32 v2, v19;
	v19 =	vor.u32 s3, v2;
	[tilespmem:v15+s26+$0x0] =	vst.idx.msk vm2, v62;
	v15 =	vadd.s32 v32, v23  }
0xf2: {  	v63 =	vnsel vm10, $0x10, v26;
	[tilespmem:v17+s26+$0x0] =	vst.idx.msk vm1, v19;
	v19 =	vor.u32 s16, v2;
	v15 =	vadd.s32 $0xFFFFFFFF, v15  }
0xf3: {  	v17 =	vshll.u32 v63, $0x4;
	[tilespmem:v25+s26+$0x0] =	vst.idx.msk vm0, v19;
	s4 =	spop (v2sf)  }
0xf4: {  	[tilespmem:v16+s28+$0x0] =	vst.idx.add.s32.msk vm1, v3;
	v16 =	vor.u32 v2, v17;
	s18 =	sxor.u32 $0x80000000, s4  }
0xf5: {  	[tilespmem:v61+s28+$0x0] =	vst.idx.add.s32.msk vm2, v3;
	p0 =	slt.s32 s18, $0x40;
	s5 =	smov.u32 s18  }
0xf6: {  	s22 =	sadd.s32 $0x10, s3;
	[tilespmem:v18+s28+$0x0] =	vst.idx.add.s32.msk vm0, v3;
	s5 =	simm.s32 @!p0 $0x40  }
0xf7: {  	v17 =	vor.u32 s22, v2;
	[tilespmem:v15+s25+$0x0] =	vst.idx.msk vm11, v20;
	v18 =	vmov s5  }
0xf8: {  	[tilespmem:v15+s26+$0x0] =	vst.idx.msk vm11, v17;
	p0 =	sgt.s32 s18, $0x40;
	vm12 =	vgt.s32 v18, v2  }
.Ltmp4:
0xf9: {  	[tilespmem:v16+s28+$0x0] =	vst.idx.add.s32.msk vm11, v3;
	vm13 =	vgt.s32 v18, v5;
	v15 =	vsel vm12, $0x3F800000, v4;
	(pc) =	sbr.rel @p0 .LBB2_8-.Ltmp4, $4  }
0xfa: {  	vm14 =	vgt.s32 v18, v6;
	[tilespmem:s6+$0x1C380] =	vst v15;
	v15 =	vsel vm13, $0x3F800000, v4  }
0xfb: {  	vm15 =	vgt.s32 v18, v7;
	[tilespmem:s8+$0x1C380] =	vst v15;
	v15 =	vsel vm14, $0x3F800000, v4  }
0xfc: {  	[tilespmem:s7+$0x1C380] =	vst v15;
	v15 =	vsel vm15, $0x3F800000, v4  }
0xfd: {  	v16 =	vmov s18;
	[tilespmem:s9+$0x1C380] =	vst v15;
	v15 =	vor.u32 s6, v2  }
0xfe: {  	vm0 =	vgt.s32 v16, v2  }
0xff: {  	v17 =	vld [tilespmem:$0x13600];
	_ =	sdelay $0x4  }
0x100: {  	vm13 =	vgt.s32 v16, v5;
	[tilespmem:v15+s29+$0x0] =	vst.idx.msk vm0, v17  }
0x101: {  	v18 =	vor.u32 s6, v5;
	v17 =	vld [tilespmem:$0x13610];
	_ =	sdelay $0x4  }
0x102: {  	vm14 =	vgt.s32 v16, v6;
	[tilespmem:v18+s29+$0x0] =	vst.idx.msk vm13, v17  }
0x103: {  	v63 =	vor.u32 s6, v6;
	v17 =	vld [tilespmem:$0x13620];
	_ =	sdelay $0x4  }
0x104: {  	vm15 =	vgt.s32 v16, v7;
	[tilespmem:v63+s29+$0x0] =	vst.idx.msk vm14, v17  }
0x105: {  	v17 =	vor.u32 s6, v7;
	v16 =	vld [tilespmem:$0x13630]  }
.Ltmp5:
0x106: {  	_ = 	snop;
	(pc) =	sbr.rel .LBB2_33-.Ltmp5, $2  }
0x107: {  	_ =	sdelay $0x2  }
0x108: {  	[tilespmem:v17+s29+$0x0] =	vst.idx.msk vm15, v16  }
.LBB2_8:
0x109: {  	v17 =	vld [tilespmem:$0x1AE00]  }
0x10a: {  	v18 =	vld [tilespmem:$0x1AE10];
	_ =	sdelay $0x3  }
0x10b: {  	(xrf0) =	vadd.scan.msk.s32 $0xffff, v17;
	v17 =	vld [tilespmem:$0x1AE20]  }
0x10c: {  	(xrf0) =	vadd.scan.msk.s32 $0xffff, v18;
	_ =	sdelay $0x2  }
0x10d: {  	v18 =	vld [tilespmem:$0x1AE30]  }
0x10e: {  	(xrf0) =	vadd.scan.msk.s32 $0xffff, v17  }
0x10f: {  	v17, _, _ =	vpop (xrf0)  }
0x110: {  	(v2sf) =	vpush v17, $0xF;
	v17, _, _ =	vpop (xrf0)  }
0x111: {  	(v2sf) =	vpush v17, $0xF;
	v17 =	vld [tilespmem:$0x1AE40]  }
0x112: {  	(xrf0) =	vadd.scan.msk.s32 $0xffff, v18;
	_ =	sdelay $0x1  }
0x113: {  	v18, _, _ =	vpop (xrf0)  }
0x114: {  	(v2sf) =	vpush v18, $0xF;
	v18 =	vld [tilespmem:$0x1AE50]  }
0x115: {  	(xrf0) =	vadd.scan.msk.s32 $0xffff, v17;
	_ =	sdelay $0x1  }
0x116: {  	v17, _, _ =	vpop (xrf0)  }
0x117: {  	(v2sf) =	vpush v17, $0xF;
	v17 =	vld [tilespmem:$0x1AE60]  }
0x118: {  	(xrf0) =	vadd.scan.msk.s32 $0xffff, v18;
	_ =	sdelay $0x1  }
0x119: {  	v18, _, _ =	vpop (xrf0)  }
0x11a: {  	(v2sf) =	vpush v18, $0xF;
	v18 =	vld [tilespmem:$0x1AE70]  }
0x11b: {  	(xrf0) =	vadd.scan.msk.s32 $0xffff, v17  }
0x11c: {  	s7 =	spop (v2sf)  }
0x11d: {  	s0 =	spop (v2sf);
	v17, _, _ =	vpop (xrf0)  }
0x11e: {  	s3 =	sadd.s32 s7, s0;
	(v2sf) =	vpush v17, $0xF;
	v17 =	vld [tilespmem:$0x1AE80]  }
0x11f: {  	p1 =	slt.s32 s7, $0x40;
	p0 =	sgt.s32 s3, $0x3F;
	(xrf0) =	vadd.scan.msk.s32 $0xffff, v18  }
0x120: {  	p0 =	por !p1, !p0  }
0x121: {  	v18, _, _ =	vpop (xrf0);
	p0 =	por !p0, !p0;
	s10 =	spop (v2sf)  }
0x122: {  	[dreg:$0x12] =	wrdreg s3;
	(v2sf) =	vpush v18, $0xF;
	v18 =	vld [tilespmem:$0x1AE90];
	s3 =	sadd.s32 s10, s3;
	p2 =	por !p0, !p0  }
0x123: {  	s8 =	simm.s32 $0xFFFFFFFF;
	p2 =	por @!p1 p0, p0;
	p3 =	sgt.s32 s3, $0x3F;
	(xrf0) =	vadd.scan.msk.s32 $0xffff, v17  }
0x124: {  	s8 =	simm.s32 @!p1 $0x0;
	p2 =	por !p3, !p2  }
0x125: {  	s8 =	simm.s32 @p0 $0x1;
	s11 =	spop (v2sf);
	p5 =	por !p2, !p2;
	v17, _, _ =	vpop (xrf0)  }
0x126: {  	[dreg:$0x13] =	wrdreg s3;
	s3 =	sadd.s32 s11, s3;
	s8 =	simm.s32 @p5 $0x2;
	(v2sf) =	vpush v17, $0xF;
	v17 =	vld [tilespmem:$0x1AEA0]  }
0x127: {  	p4 =	sgt.s32 s3, $0x3F;
	(xrf0) =	vadd.scan.msk.s32 $0xffff, v18;
	p3 =	slt.s32 s8, $0x0  }
0x128: {  	p1 =	por !p4, !p3  }
0x129: {  	[dreg:$0x14] =	wrdreg s3;
	p1 =	por !p1, !p1;
	s12 =	spop (v2sf);
	v18, _, _ =	vpop (xrf0)  }
0x12a: {  	s5 =	simm.s32 @!p1 $0x0;
	s8 =	simm.s32 @p1 $0x3;
	s3 =	sadd.s32 s12, s3;
	(v2sf) =	vpush v18, $0xF;
	v18 =	vld [tilespmem:$0x1AEB0]  }
0x12b: {  	s5 =	simm.s32 @p1 $0x1;
	p1 =	slt.s32 s8, $0x0;
	p6 =	sgt.s32 s3, $0x3F;
	(xrf0) =	vadd.scan.msk.s32 $0xffff, v17  }
0x12c: {  	p1 =	por !p6, !p1  }
0x12d: {  	v17, _, _ =	vpop (xrf0);
	[smem:$0x7F4] =	sst s5;
	p1 =	por !p1, !p1;
	s13 =	spop (v2sf)  }
0x12e: {  	(v2sf) =	vpush v17, $0xF;
	v17 =	vld [tilespmem:$0x1AEC0];
	s5 =	simm.s32 @!p1 $0x0;
	s8 =	simm.s32 @p1 $0x4;
	s13 =	sadd.s32 s13, s3  }
0x12f: {  	s5 =	simm.s32 @p1 $0x1;
	p1 =	slt.s32 s8, $0x0;
	p3 =	sgt.s32 s13, $0x3F;
	(xrf0) =	vadd.scan.msk.s32 $0xffff, v18  }
0x130: {  	p1 =	por !p3, !p1  }
0x131: {  	[dreg:$0x15] =	wrdreg s3;
	s14 =	spop (v2sf);
	p1 =	por !p1, !p1;
	v18, _, _ =	vpop (xrf0)  }
0x132: {  	s14 =	sadd.s32 s14, s13;
	s3 =	simm.s32 @!p1 $0x0;
	s8 =	simm.s32 @p1 $0x5;
	(v2sf) =	vpush v18, $0xF;
	v18 =	vld [tilespmem:$0x1AED0]  }
0x133: {  	p4 =	sgt.s32 s14, $0x3F;
	(xrf0) =	vadd.scan.msk.s32 $0xffff, v17;
	s3 =	simm.s32 @p1 $0x1;
	p1 =	slt.s32 s8, $0x0  }
0x134: {  	p1 =	por !p4, !p1  }
0x135: {  	[smem:$0x7F6] =	sst s3;
	p1 =	por !p1, !p1;
	s15 =	spop (v2sf);
	v17, _, _ =	vpop (xrf0)  }
0x136: {  	s3 =	simm.s32 @!p1 $0x0;
	s8 =	simm.s32 @p1 $0x6;
	s31 =	sadd.s32 s15, s14;
	(v2sf) =	vpush v17, $0xF;
	v17 =	vld [tilespmem:$0x1AEE0]  }
0x137: {  	s3 =	simm.s32 @p1 $0x1;
	p1 =	slt.s32 s8, $0x0;
	(xrf0) =	vadd.scan.msk.s32 $0xffff, v18;
	p6 =	sgt.s32 s31, $0x3F  }
0x138: {  	p1 =	por !p6, !p1  }
0x139: {  	[smem:$0x7F7] =	sst s3;
	v18, _, _ =	vpop (xrf0);
	p1 =	por !p1, !p1;
	s16 =	spop (v2sf)  }
0x13a: {  	(v2sf) =	vpush v18, $0xF;
	v18 =	vld [tilespmem:$0x1AEF0];
	s3 =	simm.s32 @!p1 $0x0;
	s8 =	simm.s32 @p1 $0x7;
	s15 =	sadd.s32 s16, s31  }
0x13b: {  	s3 =	simm.s32 @p1 $0x1;
	(xrf0) =	vadd.scan.msk.s32 $0xffff, v17;
	p1 =	slt.s32 s8, $0x0;
	p3 =	sgt.s32 s15, $0x3F  }
0x13c: {  	p1 =	por !p3, !p1  }
0x13d: {  	[smem:$0x7F8] =	sst s3;
	s18 =	spop (v2sf);
	p1 =	por !p1, !p1;
	v17, _, _ =	vpop (xrf0)  }
0x13e: {  	s0 =	sadd.s32 s18, s15;
	s3 =	simm.s32 @!p1 $0x0;
	s8 =	simm.s32 @p1 $0x8;
	(v2sf) =	vpush v17, $0xF;
	v17 =	vld [tilespmem:$0x1AF00]  }
0x13f: {  	(xrf0) =	vadd.scan.msk.s32 $0xffff, v18;
	p4 =	sgt.s32 s0, $0x3F;
	s3 =	simm.s32 @p1 $0x1;
	p1 =	slt.s32 s8, $0x0  }
0x140: {  	p1 =	por !p4, !p1  }
0x141: {  	[smem:$0x7F5] =	sst s5;
	p1 =	por !p1, !p1;
	s22 =	spop (v2sf);
	v18, _, _ =	vpop (xrf0)  }
0x142: {  	s5 =	simm.s32 @!p1 $0x0;
	s8 =	simm.s32 @p1 $0x9;
	s16 =	sadd.s32 s22, s0;
	(v2sf) =	vpush v18, $0xF  }
0x143: {  	s5 =	simm.s32 @p1 $0x1;
	(xrf0) =	vadd.scan.msk.s32 $0xffff, v17;
	p1 =	slt.s32 s8, $0x0;
	p6 =	sgt.s32 s16, $0x3F  }
0x144: {  	p1 =	por !p6, !p1  }
0x145: {  	[smem:$0x7FA] =	sst s5;
	v17, _, _ =	vpop (xrf0);
	p1 =	por !p1, !p1;
	s23 =	spop (v2sf)  }
0x146: {  	(v2sf) =	vpush v17, $0xF;
	s5 =	simm.s32 @!p1 $0x0;
	s8 =	simm.s32 @p1 $0xA;
	s22 =	sadd.s32 s23, s16  }
0x147: {  	s5 =	simm.s32 @p1 $0x1;
	p1 =	slt.s32 s8, $0x0;
	p3 =	sgt.s32 s22, $0x3F  }
0x148: {  	p1 =	por !p3, !p1  }
0x149: {  	[smem:$0x7FB] =	sst s5;
	s24 =	spop (v2sf);
	p1 =	por !p1, !p1;
	v17, _, _ =	vpop (xrf0)  }
0x14a: {  	s23 =	sadd.s32 s24, s22;
	s5 =	simm.s32 @!p1 $0x0;
	s8 =	simm.s32 @p1 $0xB;
	(v2sf) =	vpush v17, $0xF  }
0x14b: {  	p4 =	sgt.s32 s23, $0x3F;
	s5 =	simm.s32 @p1 $0x1;
	p1 =	slt.s32 s8, $0x0  }
0x14c: {  	s4 =	sadd.s32 $0x8000000F, s4;
	p1 =	por !p4, !p1  }
0x14d: {  	[smem:$0x7FC] =	sst s5;
	s9 =	spop (v2sf);
	p1 =	por !p1, !p1  }
0x14e: {  	s5 =	simm.s32 @!p1 $0x0;
	s8 =	simm.s32 @p1 $0xC;
	s24 =	sadd.s32 s9, s23  }
0x14f: {  	s5 =	simm.s32 @p1 $0x1;
	p1 =	slt.s32 s8, $0x0;
	p6 =	sgt.s32 s24, $0x3F  }
0x150: {  	s11 =	sand.u32 $0xF, s4;
	[smem:$0x7F9] =	sst s3;
	p1 =	por !p6, !p1  }
0x151: {  	s9 =	simm.s32 $0x1;
	s10 =	spop (v2sf);
	p6 =	por !p1, !p1  }
0x152: {  	[smem:$0x7FD] =	sst s5;
	s8 =	simm.s32 @p6 $0xD;
	s3 =	sadd.s32 s10, s24  }
0x153: {  	s10 =	sshra.s32 s4, $0x1F;
	p3 =	slt.s32 s8, $0x0;
	p4 =	sgt.s32 s3, $0x3F  }
0x154: {  	s10 =	sshrl.u32 s10, $0x1C;
	p1 =	por !p4, !p3;
	p3 =	slt.s32 s4, $0x1  }
0x155: {  	p4 =	sne.s32 s11, $0x0;
	s12 =	spop (v2sf);
	p1 =	por !p1, !p1  }
0x156: {  	s4 =	sadd.s32 s10, s4;
	s5 =	sadd.s32 s12, s3;
	s8 =	simm.s32 @p1 $0xE  }
0x157: {  	p2 =	por !p3, !p4;
	p4 =	sgt.s32 s5, $0x3F;
	p3 =	slt.s32 s8, $0x0  }
0x158: {  	s4 =	sshra.s32 s4, $0x4;
	p2 =	por !p2, !p2;
	p4 =	por !p4, !p3  }
0x159: {  	s9 =	simm.s32 @!p2 $0x0;
	p2 =	por !p4, !p4;
	s11 =	spop (v2sf)  }
0x15a: {  	s8 =	simm.s32 @p2 $0xF;
	s18 =	sadd.s32 s11, s5;
	s11 =	ssub.s32 s4, s9  }
0x15b: {  	p3 =	slt.s32 s8, $0x0;
	p4 =	sgt.s32 s18, $0x3F;
	s12 =	sshll.u32 s11, $0x4  }
0x15c: {  	p3 =	por !p4, !p3;
	p4 =	slt.s32 s12, $0x20  }
.Ltmp6:
0x15d: {  	_ = 	snop;
	(pc) =	sbr.rel @p4 .LBB2_11-.Ltmp6, $4  }
0x15e: {  	_ = 	snop  }
0x15f: {  	p3 =	por !p3, !p3  }
0x160: {  	v19 =	vimm.s32 $0x0;
	v18 =	vmov s6;
	s8 =	simm.s32 @p3 $0x10  }
0x161: {  	v20 =	vimm.s32 $0x0;
	v18 =	vadd.s32 $0xFFFFFFFF, v18;
	s18 =	sand.u32 $0xFFFFFFE0, s12;
	v17 =	vmov s8  }
0x162: {  	s4 =	simm.s32 @!p5 $0x0  }
0x163: {  	s4 =	simm.s32 @p5 $0x1  }
0x164: {  	s9 =	simm.s32 $0x10E10;
	[smem:$0x7F3] =	sst s4  }
0x165: {  	v19 =	vld [tilespmem:s9+$0x0]  }
0x166: {  	v20 =	vld [tilespmem:s9+$0xFFFFFFF0];
	_ =	sdelay $0x4  }
0x167: {  	v22 =	vmul.f32 v19, v11;
	v23 =	vmul.f32 v20, v11;
	_ =	sdelay $0x1  }
0x168: {  	p5 =	sgt.s32 s18, $0x20;
	v22 =	vtrunc.f32 v22;
	v23 =	vtrunc.f32 v23  }
.Ltmp7:
0x169: {  	s10 =	simm.s32 $0x0;
	v22 =	vcvt.f32.s32 v22;
	v23 =	vcvt.f32.s32 v23;
	(pc) =	sbr.rel @!p5 .LBB2_10-.Ltmp7, $4  }
0x16a: {  	v21 =	vbroadcast v18, $0x0;
	v32 =	vimm.s32 $0x0;
	v24 =	vor.u32 s10, v2  }
0x16b: {  	s10 =	simm.s32 $0x10;
	vm4 =	vlt.s32 v24, v16;
	vm0 =	vlt.s32 v22, $0x10;
	vm1 =	vlt.s32 v23, $0x10  }
0x16c: {  	v35 =	vor.u32 s10, v2;
	v29 =	vnsel vm0, $0x10, v22;
	v22 =	vnsel vm1, $0x10, v23  }
0x16d: {  	s8 =	simm.s32 $0x13610;
	p4 =	por $0x0, $0x0;
	s4 =	simm.s32 $0x20;
	vm5 =	vlt.s32 v29, v17;
	vm6 =	vlt.s32 v22, v17;
	vm7 =	veq.s32 v22, v17  }
0x16e: {  	vm2 =	vmand vm4, vm7;
	vm3 =	vlt.s32 v35, v16  }
0x16f: {  	[dreg:$0x16] =	wrdreg s11;
	s9 =	simm.s32 $0x10E30;
	v22 =	vsel vm2, $0x1, v1;
	vm0 =	vmand vm3, vm5  }
0x170: {  	vm1 =	vmand vm4, vm6;
	v23 =	vld [tilespmem:s9+$0x0];
	v25 =	vsel vm0, $0x1, v1;
	(xrf0) =	vadd.scan.msk.s32 $0xffff, v22  }
0x171: {  	vm4 =	veq.s32 v29, v17;
	v24 =	vld [tilespmem:s9+$0xFFFFFFF0];
	v22 =	vsel vm1, $0x1, v1;
	(xrf0) =	vadd.scan.msk.s32 $0xffff, v25  }
0x172: {  	v26 =	vmpcnt.ones.xlane vm1;
	vm3 =	vmand vm3, vm4;
	v25 =	vmpcnt.ones.xlane vm2;
	(xrf0) =	vadd.scan.msk.s32 $0xffff, v22  }
0x173: {  	v31 =	vmpcnt.ones.xlane vm3;
	v22 =	vmpcnt.ones.xlane vm0  }
0x174: {  	v29 =	vsel vm3, $0x1, v1;
	v26 =	vadd.s32 v32, v26  }
0x175: {  	(xrf0) =	vadd.scan.msk.s32 $0xffff, v29;
	v30 =	vmul.f32 v23, v11;
	v27 =	vadd.s32 v26, v22;
	v26 =	vadd.s32 v26, v21  }
0x176: {  	v28 =	vadd.s32 v32, v21;
	s11 =	simm.s32 $0x30;
	v34 =	vadd.s32 v32, v25;
	v29 =	vmul.f32 v24, v11;
	v25, _, _ =	vpop (xrf0)  }
0x177: {  	v35 =	vor.u32 s11, v2;
	v22 =	vadd.s32 v34, v31;
	v30 =	vtrunc.f32 v30;
	v31, _, _ =	vpop (xrf0)  }
0x178: {  	p5 =	sgt.s32 s18, $0x40;
	v29 =	vtrunc.f32 v29;
	v62 =	vcvt.f32.s32 v30;
	v31 =	vadd.s32 v31, v26;
	v26, _, _ =	vpop (xrf0)  }
.Ltmp8:
0x179: {  	v36 =	vcvt.f32.s32 v29;
	v33 =	vadd.s32 v26, v28;
	v26 =	vor.u32 s4, v2;
	(pc) =	sbr.rel @!p5 .LBB2_24-.Ltmp8, $4  }
0x17a: {  	vm2 =	vmmov vm2;
	v25 =	vadd.s32 v25, v32;
	vm4 =	vlt.s32 v26, v16;
	v26 =	vld [tilespmem:s8+$0xFFFFFFF0]  }
0x17b: {  	v30 =	vadd.s32 $0xFFFFFFFF, v25;
	v25 =	vld [tilespmem:s8+$0x0];
	vm5 =	vlt.s32 v62, $0x10;
	vm6 =	vlt.s32 v36, $0x10;
	v28, _, _ =	vpop (xrf0)  }
0x17c: {  	v29 =	vnsel vm5, $0x10, v62;
	v63 =	vnsel vm6, $0x10, v36;
	v34 =	vadd.s32 v28, v34  }
0x17d: {  	p4 =	por $0x1, $0x1;
	s10 =	simm.s32 $0x13610;
	s4 =	simm.s32 $0x40;
	v28 =	vmovc v22;
	vm5 =	vlt.s32 v29, v17;
	vm6 =	vlt.s32 v63, v17;
	vm7 =	veq.s32 v63, v17  }
.LBB2_25:
0x17e: {  	vm7 =	vmand vm4, vm7  }
0x17f: {  	vm8 =	vlt.s32 v35, v16;
	[tilespmem:v33+s29+$0x0] =	vst.idx.msk vm1, v26;
	vm1 =	vmand vm4, vm6;
	s10 =	sadd.s32 $0x20, s10;
	vm4 =	vmmov vm3;
	s11 =	smov.u32 s4;
	s4 =	sadd.s32 $0x20, s4  }
0x180: {  	s9 =	sadd.s32 $0x20, s9;
	p5 =	slt.s32 s4, s18;
	v32 =	vsel vm1, $0x1, v1;
	v33 =	vsel vm7, $0x1, v1;
	[tilespmem:v31+s29+$0x0] =	vst.idx.msk vm0, v25;
	vm0 =	vmand vm8, vm5  }
0x181: {  	v35 =	vmpcnt.ones.xlane vm7;
	v31 =	vld [tilespmem:s9+$0x0];
	v36 =	vsel vm0, $0x1, v1;
	(xrf0) =	vadd.scan.msk.s32 $0xffff, v33;
	v33 =	vadd.s32 $0xFFFFFFFF, v34  }
0x182: {  	v34 =	vmpcnt.ones.xlane vm1;
	(xrf0) =	vadd.scan.msk.s32 $0xffff, v36;
	[tilespmem:v30+s1+$0x0] =	vst.idx.msk vm2, v20;
	v20 =	vmov v24;
	v24 =	vld [tilespmem:s9+$0xFFFFFFF0]  }
0x183: {  	vm3 =	veq.s32 v29, v17;
	v36 =	vmpcnt.ones.xlane vm0;
	(xrf0) =	vadd.scan.msk.s32 $0xffff, v32;
	[tilespmem:v30+s2+$0x0] =	vst.idx.msk vm2, v26  }
0x184: {  	vm3 =	vmand vm8, vm3;
	v26 =	vadd.s32 v27, v34;
	vm2 =	vmmov vm7  }
0x185: {  	v29 =	vadd.s32 v27, v21;
	v30 =	vsel vm3, $0x1, v1;
	v27 =	vadd.s32 v26, v36  }
0x186: {  	v34 =	vmpcnt.ones.xlane vm3;
	v32 =	vmul.f32 v31, v11;
	(xrf0) =	vadd.scan.msk.s32 $0xffff, v30;
	[tilespmem:v33+s1+$0x0] =	vst.idx.msk vm4, v19;
	v19 =	vmovc v23  }
0x187: {  	v36 =	vadd.s32 v22, v35;
	v23 =	vmov v31;
	v30 =	vmul.f32 v24, v11;
	v35, _, _ =	vpop (xrf0);
	[tilespmem:v33+s2+$0x0] =	vst.idx.msk vm4, v25  }
0x188: {  	v26 =	vadd.s32 v26, v21;
	v22 =	vadd.s32 v36, v34;
	v33 =	vtrunc.f32 v32;
	v31, _, _ =	vpop (xrf0)  }
0x189: {  	v30 =	vtrunc.f32 v30;
	v37 =	vcvt.f32.s32 v33;
	v31 =	vadd.s32 v31, v26;
	v25, _, _ =	vpop (xrf0)  }
.Ltmp9:
0x18a: {  	v34 =	vcvt.f32.s32 v30;
	v26 =	vld [tilespmem:s10+$0xFFFFFFF0];
	v33 =	vadd.s32 v25, v29;
	v25 =	vadd.s32 v35, v28;
	v28 =	vmovc v22;
	(pc) =	sbr.rel @p5 .LBB2_25-.Ltmp9, $4  }
0x18b: {  	v29 =	vor.u32 s11, v2;
	s11 =	sadd.s32 $0x10, s11;
	vm5 =	vlt.s32 v37, $0x10;
	v30 =	vadd.s32 $0xFFFFFFFF, v25;
	v25 =	vld [tilespmem:s10+$0x0]  }
0x18c: {  	vm4 =	vlt.s32 v29, v16;
	vm6 =	vlt.s32 v34, $0x10;
	v29 =	vnsel vm5, $0x10, v37;
	v32, _, _ =	vpop (xrf0)  }
0x18d: {  	v35 =	vor.u32 s11, v2;
	v34 =	vnsel vm6, $0x10, v34;
	vm5 =	vlt.s32 v29, v17  }
0x18e: {  	vm6 =	vlt.s32 v34, v17;
	vm7 =	veq.s32 v34, v17;
	v34 =	vadd.s32 v32, v36  }
0x18f: {  	v37 =	vmovc v20;
	v36 =	vmovc v19;
	v20 =	vmov v24;
	v32 =	vmov v27;
	v19 =	vmov v23;
	s11 =	rddreg [dreg:$0x16]  }
.LBB2_27:
0x190: {  	vm7 =	vmand vm4, vm7;
	vm8 =	vlt.s32 v35, v16  }
0x191: {  	v23 =	vsel vm7, $0x1, v1;
	vm5 =	vmand vm8, vm5  }
0x192: {  	vm12 =	vmand vm4, vm6;
	v24 =	vsel vm5, $0x1, v1;
	(xrf0) =	vadd.scan.msk.s32 $0xffff, v23  }
0x193: {  	vm13 =	veq.s32 v29, v17;
	v23 =	vsel vm12, $0x1, v1;
	(xrf0) =	vadd.scan.msk.s32 $0xffff, v24  }
0x194: {  	vm6 =	vmand vm8, vm13;
	(xrf0) =	vadd.scan.msk.s32 $0xffff, v23  }
0x195: {  	v23 =	vsel vm6, $0x1, v1  }
0x196: {  	(xrf0) =	vadd.scan.msk.s32 $0xffff, v23;
	v23 =	vmpcnt.ones.xlane vm12  }
0x197: {  	vm3 =	vmmov @p4 vm3  }
0x198: {  	s4 =	sadd.s32 @p4 $0x20, s10;
	v27 =	vadd.s32 @p4 $0xFFFFFFFF, v34;
	v23 =	vadd.s32 v32, v23;
	v55, _, _ =	vpop (xrf0)  }
0x199: {  	[tilespmem:v33+s29+$0x0] =	vst.idx.msk @p4 vm1, v26;
	v57 =	vadd.s32 v32, v21;
	s8 =	smov.u32 @p4 s4;
	v21 =	vadd.s32 v23, v21;
	v56, _, _ =	vpop (xrf0)  }
0x19a: {  	[tilespmem:v31+s29+$0x0] =	vst.idx.msk @p4 vm0, v25;
	v59 =	vmpcnt.ones.xlane vm7;
	v61 =	vld [tilespmem:s8+$0x0];
	v58, _, _ =	vpop (xrf0);
	v21 =	vadd.s32 v56, v21  }
0x19b: {  	[tilespmem:v30+s1+$0x0] =	vst.idx.msk @p4 vm2, v37;
	v60 =	vld [tilespmem:s8+$0xFFFFFFF0];
	v24 =	vadd.s32 v55, v28;
	v32 =	vadd.s32 v58, v57  }
0x19c: {  	[tilespmem:v30+s2+$0x0] =	vst.idx.msk @p4 vm2, v26;
	v22 =	vadd.s32 v22, v59;
	v24 =	vadd.s32 $0xFFFFFFFF, v24;
	v62, _, _ =	vpop (xrf0)  }
0x19d: {  	[tilespmem:v27+s1+$0x0] =	vst.idx.msk @p4 vm3, v36;
	v26 =	vadd.s32 v62, v22  }
0x19e: {  	[tilespmem:v27+s2+$0x0] =	vst.idx.msk @p4 vm3, v25;
	v63 =	vadd.s32 $0xFFFFFFFF, v26  }
0x19f: {  	[tilespmem:v21+s29+$0x0] =	vst.idx.msk vm5, v61  }
0x1a0: {  	[tilespmem:v32+s29+$0x0] =	vst.idx.msk vm12, v60  }
0x1a1: {  	[tilespmem:v24+s1+$0x0] =	vst.idx.msk vm7, v20  }
0x1a2: {  	[tilespmem:v24+s2+$0x0] =	vst.idx.msk vm7, v60  }
0x1a3: {  	[tilespmem:v63+s1+$0x0] =	vst.idx.msk vm6, v19  }
0x1a4: {  	[tilespmem:v63+s2+$0x0] =	vst.idx.msk vm6, v61  }
0x1a5: {  	s10 =	sld [smem:$0x7F3]  }
0x1a6: {  	v21 =	vmpcnt.ones.xlane vm6;
	v20 =	vmpcnt.ones.xlane vm5  }
0x1a7: {  	vm14 =	vmmov vm7  }
0x1a8: {  	vm15 =	vmmov vm6;
	v19 =	vadd.s32 v23, v20;
	v20 =	vadd.s32 v22, v21;
	p5 =	seq.s32 s10, $0x1  }
.LBB2_11:
0x1a9: {  	p4 =	seq.s32 s18, s12  }
.Ltmp10:
0x1aa: {  	_ = 	snop;
	(pc) =	sbr.rel @p4 .LBB2_14-.Ltmp10, $1  }
0x1ab: {  	_ =	sdelay $0x3  }
0x1ac: {  	s4 =	sshll.u32 s11, $0x6  }
0x1ad: {  	s4 =	sshra.s32 s4, $0x2  }
0x1ae: {  	s8 =	sand.u32 $0xFFFFFFE0, s4  }
0x1af: {  	v18 =	vbroadcast v18, $0x0;
	s4 =	sadd.s32 $0x13600, s8;
	s8 =	sadd.s32 $0x10E00, s8  }
.LBB2_13:
0x1b0: {  	v21 =	vld [tilespmem:s8+$0x0];
	_ =	sdelay $0x4  }
0x1b1: {  	v22 =	vmul.f32 v21, v11;
	_ =	sdelay $0x1  }
0x1b2: {  	v22 =	vtrunc.f32 v22  }
0x1b3: {  	v22 =	vcvt.f32.s32 v22;
	_ =	sdelay $0x1  }
0x1b4: {  	vm0 =	vlt.s32 v22, $0x10  }
0x1b5: {  	v23 =	vor.u32 s18, v2;
	v22 =	vnsel vm0, $0x10, v22  }
0x1b6: {  	vm15 =	vlt.s32 v23, v16;
	vm1 =	vlt.s32 v22, v17  }
0x1b7: {  	vm2 =	veq.s32 v22, v17;
	vm1 =	vmand vm15, vm1  }
0x1b8: {  	vm0 =	vmand vm15, vm2;
	v22 =	vsel vm1, $0x1, v1  }
0x1b9: {  	(xrf0) =	vadd.scan.msk.s32 $0xffff, v22;
	v22 =	vsel vm0, $0x1, v1  }
0x1ba: {  	(xrf0) =	vadd.scan.msk.s32 $0xffff, v22;
	_ =	sdelay $0x4  }
0x1bb: {  	v22, _, _ =	vpop (xrf0)  }
0x1bc: {  	v23 =	vadd.s32 v19, v18;
	v24, _, _ =	vpop (xrf0)  }
0x1bd: {  	v25 =	vld [tilespmem:s4+$0x0];
	v22 =	vadd.s32 v22, v23;
	v23 =	vadd.s32 v24, v20  }
0x1be: {  	s18 =	sadd.s32 $0x10, s18;
	v23 =	vadd.s32 $0xFFFFFFFF, v23  }
0x1bf: {  	p4 =	slt.s32 s18, s12  }
.Ltmp11:
0x1c0: {  	_ = 	snop;
	(pc) =	sbr.rel @p4 .LBB2_13-.Ltmp11, $4  }
0x1c1: {  	_ = 	snop  }
0x1c2: {  	v63 =	vmpcnt.ones.xlane vm0;
	[tilespmem:v22+s29+$0x0] =	vst.idx.msk vm1, v25;
	v22 =	vmpcnt.ones.xlane vm1  }
0x1c3: {  	[tilespmem:v23+s1+$0x0] =	vst.idx.msk vm0, v21  }
0x1c4: {  	s4 =	sadd.s32 $0x10, s4;
	s8 =	sadd.s32 $0x10, s8;
	v20 =	vadd.s32 v20, v63;
	v19 =	vadd.s32 v19, v22;
	[tilespmem:v23+s2+$0x0] =	vst.idx.msk vm0, v25  }
.LBB2_14:
0x1c5: {  	s4 =	rddreg [dreg:$0x12]  }
0x1c6: {  	s8 =	sld [smem:$0x7F4]  }
0x1c7: {  	s18 =	sld [smem:$0x7F5]  }
0x1c8: {  	s9 =	sld [smem:$0x7F6]  }
0x1c9: {  	s10 =	sld [smem:$0x7F7]  }
0x1ca: {  	s7 =	simm.s32 @!p0 $0x0;
	s11 =	sld [smem:$0x7F8]  }
0x1cb: {  	s7 =	smov.u32 @p5 s4;
	s4 =	rddreg [dreg:$0x13];
	p0 =	seq.s32 s8, $0x1  }
0x1cc: {  	v16 =	vxor.u32 $0x80000000, v20;
	s7 =	smov.u32 @p0 s4;
	s4 =	rddreg [dreg:$0x14];
	p0 =	seq.s32 s18, $0x1  }
0x1cd: {  	(xrf0) =	vmax.scan.msk.u32 $0xffff, v16;
	s7 =	smov.u32 @p0 s4;
	s4 =	rddreg [dreg:$0x15];
	p0 =	seq.s32 s9, $0x1  }
0x1ce: {  	s12 =	sld [smem:$0x7F9];
	s7 =	smov.u32 @p0 s4;
	p0 =	seq.s32 s10, $0x1  }
0x1cf: {  	s7 =	smov.u32 @p0 s13;
	s13 =	sld [smem:$0x7FA]  }
0x1d0: {  	p0 =	seq.s32 s11, $0x1  }
0x1d1: {  	s7 =	smov.u32 @p0 s14;
	p0 =	seq.s32 s12, $0x1  }
0x1d2: {  	s14 =	sld [smem:$0x7FB];
	s7 =	smov.u32 @p0 s31;
	p0 =	seq.s32 s13, $0x1  }
0x1d3: {  	v16, _, _ =	vpop (xrf0);
	s7 =	smov.u32 @p0 s15;
	s15 =	sld [smem:$0x7FC]  }
0x1d4: {  	s18 =	sld [smem:$0x7FD];
	(v2sf) =	vpush v16, $0xF  }
0x1d5: {  	p0 =	seq.s32 s14, $0x1  }
0x1d6: {  	s7 =	smov.u32 @p0 s0;
	p0 =	seq.s32 s15, $0x1  }
0x1d7: {  	s7 =	smov.u32 @p0 s16;
	p0 =	seq.s32 s18, $0x1  }
0x1d8: {  	s7 =	smov.u32 @p0 s22  }
0x1d9: {  	s7 =	smov.u32 @p6 s23  }
0x1da: {  	s7 =	smov.u32 @p1 s24  }
0x1db: {  	s7 =	smov.u32 @p2 s3  }
0x1dc: {  	s7 =	smov.u32 @p3 s5  }
0x1dd: {  	s0 =	ssub.s32 $0x40, s7  }
0x1de: {  	p0 =	slt.s32 s0, $0x1  }
.Ltmp12:
0x1df: {  	_ = 	snop;
	(pc) =	sbr.rel @p0 .LBB2_33-.Ltmp12, $3  }
0x1e0: {  	_ =	sdelay $0x1  }
0x1e1: {  	s31 =	rddreg [dreg:$0xc]  }
0x1e2: {  	s23 =	simm.s32 $0x0;
	s24 =	rddreg [dreg:$0x5];
	s4 =	spop (v2sf)  }
0x1e3: {  	s3 =	sadd.s32 $0x8000000F, s4  }
0x1e4: {  	s5 =	sand.u32 $0xF, s3;
	s18 =	sshra.s32 s3, $0x1F  }
.Ltmp13:
0x1e5: {  	p1 =	slt.s32 s3, $0x1;
	p0 =	sne.s32 s5, $0x0;
	(pc) =	sbr.rel .LBB2_16-.Ltmp13, $4  }
0x1e6: {  	s22 =	sxor.u32 $0x80000000, s4;
	s5 =	sshrl.u32 s18, $0x1C;
	p0 =	por !p1, !p0  }
0x1e7: {  	s3 =	sadd.s32 s5, s3;
	s5 =	simm.s32 $0x1;
	p0 =	por !p0, !p0  }
0x1e8: {  	s4 =	sadd.s32 s6, s7;
	s3 =	sshra.s32 s3, $0x4;
	s5 =	simm.s32 @!p0 $0x0  }
0x1e9: {  	s6 =	simm.s32 $0x0;
	v16 =	vmov s22;
	s3 =	ssub.s32 s3, s5;
	s5 =	simm.s32 $0x0  }
.LBB2_22:
0x1ea: {  	s9 =	simm.s32 $0x0  }
.LBB2_31:
0x1eb: {  	v19 =	vld [tilespmem:s8+$0x0]  }
0x1ec: {  	s8 =	sadd.s32 @p1 $0x10, s9  }
0x1ed: {  	s7 =	smov.u32 @p1 s8  }
0x1ee: {  	v21 =	vor.u32 s7, v2  }
0x1ef: {  	vm1 =	veq.f32 v20, v17;
	vm0 =	vlt.s32 v21, v16  }
0x1f0: {  	vm0 =	vmand vm0, vm1;
	vm15 =	veq.s32 v19, v18  }
0x1f1: {  	vm0 =	vmand vm0, vm15;
	_ =	sdelay $0x5  }
0x1f2: {  	[tilespmem:v21+s1+$0x0] =	vst.idx.msk vm0, v9  }
.LBB2_32:
0x1f3: {  	s7 =	sadd.s32 s6, s4;
	s6 =	sadd.s32 $0x1, s6  }
0x1f4: {  	v17 =	vmov s7;
	p0 =	sne.s32 s6, s0  }
.Ltmp14:
0x1f5: {  	_ = 	snop;
	(pc) =	sbr.rel @!p0 .LBB2_33-.Ltmp14, $2  }
0x1f6: {  	_ =	sdelay $0x2  }
0x1f7: {  	[tilespmem:v17+s29+$0x0] =	vst.idx.msk $0x1, v18  }
.LBB2_16:
0x1f8: {  	p0 =	slt.s32 s3, $0x1  }
.Ltmp15:
0x1f9: {  	_ = 	snop;
	(pc) =	sbr.rel @p0 .LBB2_32-.Ltmp15, $2  }
0x1fa: {  	_ =	sdelay $0x2  }
0x1fb: {  	v18 =	vmov v0  }
0x1fc: {  	s7 =	simm.s32 $0x15E00  }
0x1fd: {  	p0 =	sne.s32 s3, $0x1;
	v18 =	vld [tilespmem:s7+$0x0]  }
.Ltmp16:
0x1fe: {  	_ = 	snop;
	(pc) =	sbr.rel @!p0 .LBB2_19-.Ltmp16, $3  }
0x1ff: {  	_ =	sdelay $0x1  }
0x200: {  	v17 =	vimm.f32 $+Inf;
	v19 =	vor.u32 s5, v2  }
0x201: {  	s8 =	sadd.s32 $0xFFFFFFFF, s3;
	s9 =	simm.s32 $0x15E10;
	s10 =	simm.s32 $0x0;
	vm0 =	vlt.s32 v19, v16;
	v18 =	vmin.f32 v17, v18  }
.LBB2_18:
0x202: {  	v19 =	vld [tilespmem:s9+$0x0];
	p1 =	sne.s32 s8, $0x1;
	s8 =	sadd.s32 $0xFFFFFFFF, s8;
	v17 =	vsel vm0, v18, v17  }
.Ltmp17:
0x203: {  	(pc) =	sbr.rel @p1 .LBB2_18-.Ltmp17, $4  }
0x204: {  	_ = 	snop  }
0x205: {  	s10 =	sadd.s32 $0x10, s10  }
0x206: {  	v18 =	vor.u32 s10, v2  }
0x207: {  	s9 =	sadd.s32 $0x10, s9;
	vm0 =	vlt.s32 v18, v16;
	v18 =	vmin.f32 v17, v19  }
.LBB2_19:
0x208: {  	v17 =	vsel vm0, v18, v17  }
0x209: {  	(xrf0) =	vmin.scan.msk.f32 $0xffff, v17;
	_ =	sdelay $0x3  }
0x20a: {  	v21 =	vld [tilespmem:s7+$0x0]  }
.Ltmp18:
0x20b: {  	s8 =	simm.s32 $0x18600;
	(pc) =	sbr.rel @!p0 .LBB2_21-.Ltmp18, $4  }
0x20c: {  	v20 =	vld [tilespmem:s8+$0x0];
	v17, _, _ =	vpop (xrf0)  }
0x20d: {  	s7 =	simm.s32 $0x0;
	v17 =	vbroadcast v17, $0xF  }
0x20e: {  	s9 =	sadd.s32 $0xFFFFFFFF, s3;
	v19 =	vor.u32 s7, v2  }
0x20f: {  	v18 =	vimm.s32 $0x40000000;
	s10 =	simm.s32 $0x15E10;
	s11 =	simm.s32 $0x18600;
	s12 =	simm.s32 $0x0;
	vm0 =	vlt.s32 v19, v16;
	vm1 =	veq.f32 v21, v17  }
.LBB2_20:
0x210: {  	v21 =	vld [tilespmem:s10+$0x0];
	p1 =	sne.s32 s9, $0x1;
	s9 =	sadd.s32 $0xFFFFFFFF, s9;
	vm0 =	vmand vm0, vm1  }
.Ltmp19:
0x211: {  	s11 =	sadd.s32 $0x10, s11;
	v22 =	vnsel vm0, $0x40000000, v20;
	(pc) =	sbr.rel @p1 .LBB2_20-.Ltmp19, $4  }
0x212: {  	v20 =	vld [tilespmem:s11+$0x0];
	vm0 =	vlt.s32 v18, v22  }
0x213: {  	s12 =	sadd.s32 $0x10, s12;
	v18 =	vsel vm0, v18, v22  }
0x214: {  	v22 =	vor.u32 s12, v2  }
0x215: {  	s10 =	sadd.s32 $0x10, s10;
	vm0 =	vlt.s32 v22, v16;
	vm1 =	veq.f32 v21, v17  }
.LBB2_21:
0x216: {  	vm0 =	vmand vm0, vm1  }
0x217: {  	v20 =	vnsel vm0, $0x40000000, v20  }
0x218: {  	vm0 =	vlt.s32 v18, v20  }
0x219: {  	v18 =	vsel vm0, v18, v20  }
0x21a: {  	v18 =	vxor.u32 $0x80000000, v18  }
0x21b: {  	(xrf0) =	vmin.scan.msk.u32 $0xffff, v18;
	_ =	sdelay $0x5  }
0x21c: {  	v18, _, _ =	vpop (xrf0)  }
0x21d: {  	(v2sf) =	vpush v18, $0xF;
	_ =	sdelay $0xc  }
.Ltmp20:
0x21e: {  	_ = 	snop;
	(pc) =	sbr.rel @!p0 .LBB2_22-.Ltmp20, $4  }
0x21f: {  	_ = 	snop  }
0x220: {  	s9 =	spop (v2sf)  }
0x221: {  	s10 =	simm.s32 $0x15E00;
	s9 =	sxor.u32 $0x80000000, s9  }
0x222: {  	p1 =	por $0x0, $0x0;
	v20 =	vld [tilespmem:s10+$0x0];
	v18 =	vmov s9;
	s9 =	sadd.s32 $0xFFFFFFFF, s3  }
0x223: {  	v21 =	vld [tilespmem:s8+$0x0];
	_ =	sdelay $0x3  }
0x224: {  	vm0 =	vlt.s32 v19, v16;
	vm1 =	veq.f32 v20, v17  }
0x225: {  	vm0 =	vmand vm0, vm1;
	vm15 =	veq.s32 v21, v18  }
0x226: {  	vm0 =	vmand vm0, vm15;
	_ =	sdelay $0x1  }
0x227: {  	p0 =	sne.s32 s9, $0x1  }
.Ltmp21:
0x228: {  	_ = 	snop;
	(pc) =	sbr.rel @!p0 .LBB2_29-.Ltmp21, $3  }
0x229: {  	_ =	sdelay $0x1  }
0x22a: {  	s10 =	simm.s32 $0x15E10;
	s11 =	sadd.s32 $0xFFFFFFFF, s9;
	[tilespmem:v19+s1+$0x0] =	vst.idx.msk vm0, v9  }
0x22b: {  	s8 =	simm.s32 $0x18610;
	p1 =	por $0x1, $0x1;
	s9 =	simm.s32 $0x0;
	v20 =	vld [tilespmem:s10+$0x0]  }
.LBB2_30:
0x22c: {  	p0 =	sne.s32 s11, $0x1;
	v19 =	vld [tilespmem:s8+$0x0];
	_ =	sdelay $0x1  }
0x22d: {  	s9 =	sadd.s32 $0x10, s9  }
0x22e: {  	v21 =	vor.u32 s9, v2  }
0x22f: {  	vm1 =	veq.f32 v20, v17;
	vm0 =	vlt.s32 v21, v16  }
0x230: {  	vm0 =	vmand vm0, vm1;
	vm1 =	veq.s32 v19, v18  }
0x231: {  	vm0 =	vmand vm0, vm1;
	_ =	sdelay $0x2  }
.Ltmp22:
0x232: {  	(pc) =	sbr.rel @p0 .LBB2_30-.Ltmp22, $3  }
0x233: {  	_ =	sdelay $0x1  }
0x234: {  	s10 =	sadd.s32 $0x10, s10;
	[tilespmem:v21+s1+$0x0] =	vst.idx.msk vm0, v9  }
0x235: {  	s11 =	sadd.s32 $0xFFFFFFFF, s11;
	s8 =	sadd.s32 $0x10, s8;
	v20 =	vld [tilespmem:s10+$0x0]  }
.Ltmp23:
0x236: {  	_ = 	snop;
	(pc) =	sbr.rel .LBB2_31-.Ltmp23, $1  }
0x237: {  	_ =	sdelay $0x3  }
.LBB2_29:
.Ltmp24:
0x238: {  	(pc) =	sbr.rel .LBB2_31-.Ltmp24, $2  }
0x239: {  	_ =	sdelay $0x2  }
0x23a: {  	s9 =	simm.s32 $0x0  }
.LBB2_33:
0x23b: {  	s0 =	simm.s32 $0x0  }
0x23c: {  	v16 =	vor.u32 s0, v15;
	_ =	sdelay $0x4  }
0x23d: {  	v16 =	vld.idx.msk [tilespmem:v16+s29+$0x0], $0xffff;
	_ =	sdelay $0x7  }
0x23e: {  	v18 =	vmov s0;
	v17 =	vld.idx.msk [tilespmem:v16+s19+$0x0], $0xffff  }
0x23f: {  	v18 =	vshll.u32 v18, $0x7;
	v19 =	vld.idx.msk [tilespmem:v16+s20+$0x0], $0xffff  }
0x240: {  	v18 =	vor.u32 v8, v18;
	v16 =	vld.idx.msk [tilespmem:v16+s21+$0x0], $0xffff  }
0x241: {  	v20 =	vor.u32 $0x1, v18  }
0x242: {  	v21 =	vor.u32 $0x2, v18  }
0x243: {  	v22 =	vor.u32 $0x3, v18;
	v17 =	vsub.f32 v17, v14  }
0x244: {  	v23 =	vor.u32 $0x4, v18;
	v19 =	vsub.f32 v19, v13  }
0x245: {  	v16 =	vsub.f32 v16, v12;
	[tilespmem:v18+s30+$0x0] =	vst.idx.msk $0xffff, v17;
	v17 =	vor.u32 $0x5, v18  }
0x246: {  	[tilespmem:v20+s30+$0x0] =	vst.idx.msk $0xffff, v19  }
0x247: {  	[tilespmem:v21+s30+$0x0] =	vst.idx.msk $0xffff, v16  }
0x248: {  	[tilespmem:v22+s30+$0x0] =	vst.idx.msk $0xffff, v4  }
0x249: {  	v19 =	vor.u32 $0x6, v18;
	[tilespmem:v23+s30+$0x0] =	vst.idx.msk $0xffff, v4  }
0x24a: {  	s0 =	simm.s32 $0x10;
	[tilespmem:v17+s30+$0x0] =	vst.idx.msk $0xffff, v4;
	v17 =	vor.u32 $0x7, v18  }
0x24b: {  	v16 =	vor.u32 s0, v15;
	_ =	sdelay $0x2  }
0x24c: {  	s3 =	simm.s32 $0x20;
	[tilespmem:v19+s30+$0x0] =	vst.idx.msk $0xffff, v4  }
.LBB2_34:
0x24d: {  	p0 =	sne.s32 s3, $0x30;
	[tilespmem:v17+s30+$0x0] =	vst.idx.msk $0xffff, v4;
	s4 =	smov.u32 s3;
	s3 =	sadd.s32 $0x10, s3  }
0x24e: {  	v16 =	vld.idx.msk [tilespmem:v16+s29+$0x0], $0xffff;
	_ =	sdelay $0x7  }
0x24f: {  	v17 =	vld.idx.msk [tilespmem:v16+s19+$0x0], $0xffff  }
0x250: {  	v18 =	vmov s0;
	s0 =	smov.u32 s4;
	v19 =	vld.idx.msk [tilespmem:v16+s20+$0x0], $0xffff  }
0x251: {  	v18 =	vshll.u32 v18, $0x7;
	v16 =	vld.idx.msk [tilespmem:v16+s21+$0x0], $0xffff  }
0x252: {  	v18 =	vor.u32 v8, v18  }
0x253: {  	v20 =	vor.u32 $0x1, v18  }
0x254: {  	v21 =	vor.u32 $0x2, v18  }
0x255: {  	v22 =	vor.u32 $0x3, v18;
	v17 =	vsub.f32 v17, v14  }
0x256: {  	v23 =	vor.u32 $0x4, v18;
	v19 =	vsub.f32 v19, v13  }
0x257: {  	v24 =	vor.u32 $0x5, v18;
	v16 =	vsub.f32 v16, v12;
	[tilespmem:v18+s30+$0x0] =	vst.idx.msk $0xffff, v17  }
0x258: {  	[tilespmem:v20+s30+$0x0] =	vst.idx.msk $0xffff, v19;
	v19 =	vor.u32 $0x6, v18  }
.Ltmp25:
0x259: {  	v17 =	vor.u32 $0x7, v18;
	[tilespmem:v21+s30+$0x0] =	vst.idx.msk $0xffff, v16;
	(pc) =	sbr.rel @p0 .LBB2_34-.Ltmp25, $4  }
0x25a: {  	v16 =	vor.u32 s0, v15;
	[tilespmem:v22+s30+$0x0] =	vst.idx.msk $0xffff, v4  }
0x25b: {  	[tilespmem:v23+s30+$0x0] =	vst.idx.msk $0xffff, v4  }
0x25c: {  	[tilespmem:v24+s30+$0x0] =	vst.idx.msk $0xffff, v4  }
0x25d: {  	[tilespmem:v19+s30+$0x0] =	vst.idx.msk $0xffff, v4  }
0x25e: {  	_ =	sdelay $0x3  }
0x25f: {  	[tilespmem:v17+s30+$0x0] =	vst.idx.msk $0xffff, v4  }
0x260: {  	v15 =	vld.idx.msk [tilespmem:v16+s29+$0x0], $0xffff;
	_ =	sdelay $0x7  }
0x261: {  	v58 =	vmov s0;
	v16 =	vld.idx.msk [tilespmem:v15+s19+$0x0], $0xffff  }
0x262: {  	v17 =	vshll.u32 v58, $0x7;
	v18 =	vld.idx.msk [tilespmem:v15+s20+$0x0], $0xffff  }
0x263: {  	v17 =	vor.u32 v8, v17;
	v15 =	vld.idx.msk [tilespmem:v15+s21+$0x0], $0xffff  }
0x264: {  	v19 =	vor.u32 $0x1, v17  }
0x265: {  	v20 =	vor.u32 $0x2, v17  }
0x266: {  	v59 =	vor.u32 $0x3, v17;
	v14 =	vsub.f32 v16, v14  }
0x267: {  	v60 =	vor.u32 $0x4, v17;
	v13 =	vsub.f32 v18, v13  }
0x268: {  	v61 =	vor.u32 $0x5, v17;
	v12 =	vsub.f32 v15, v12;
	[tilespmem:v17+s30+$0x0] =	vst.idx.msk $0xffff, v14  }
0x269: {  	v62 =	vor.u32 $0x6, v17;
	[tilespmem:v19+s30+$0x0] =	vst.idx.msk $0xffff, v13  }
0x26a: {  	v63 =	vor.u32 $0x7, v17;
	[tilespmem:v20+s30+$0x0] =	vst.idx.msk $0xffff, v12  }
0x26b: {  	[tilespmem:v59+s30+$0x0] =	vst.idx.msk $0xffff, v4  }
0x26c: {  	[tilespmem:v60+s30+$0x0] =	vst.idx.msk $0xffff, v4  }
0x26d: {  	s22 =	rddreg [dreg:$0x11];
	[tilespmem:v61+s30+$0x0] =	vst.idx.msk $0xffff, v4  }
0x26e: {  	s17 =	sadd.s32 $0x1, s17;
	s0 =	sshll.u32 s22, $0xA;
	[tilespmem:v62+s30+$0x0] =	vst.idx.msk $0xffff, v4  }
0x26f: {  	p0 =	sne.s32 s17, $0x50;
	s0 =	sadd.s32 s31, s0;
	[tilespmem:v63+s30+$0x0] =	vst.idx.msk $0xffff, v4  }
0x270: {  	[hbm4b:s0+s23] =	stream.linear.scatter [tilespmem:s30], [sflag:$0x1], $0x2000, $0x38;
	[tilespmem:$0x1F880] =	vst v63  }
.Ltmp26:
0x271: {  	_ = 	snop;
	(pc) =	sbr.rel @p0 .LBB2_2-.Ltmp26, $4  }
.Ltmp27:
0x272: {  	s4 =	simm.s32 $0x1;
	(pc) =	sbr.rel @!p0 .LBB2_36-.Ltmp27, $4  }
0x273: {  	_ =	swait.ge [sflag:s4], $0x2000  }
0x274: {  	[sflag:s4] =	ssyncset.done $0x0  }
0x275: {  	[sflag:s4] =	ssyncadd.s32 $0xFFFFE000  }
0x276: {  	_ = 	snop  }
.LBB2_10:
.Ltmp28:
0x277: {  	(pc) =	sbr.rel .LBB2_27-.Ltmp28, $2  }
0x278: {  	_ =	sdelay $0x2  }
0x279: {  	s10 =	simm.s32 $0x13610;
	v22 =	vimm.s32 $0x0;
	v28 =	vimm.s32 $0x0  }
.LBB2_24:
.Ltmp29:
0x27a: {  	(pc) =	sbr.rel .LBB2_27-.Ltmp29, $3  }
0x27b: {  	_ =	sdelay $0x1  }
0x27c: {  	v37 =	vmov v20  }
0x27d: {  	v36 =	vmovc v19;
	s10 =	simm.s32 $0x13610;
	v20 =	vmovc v24;
	v32 =	vmov v27;
	v19 =	vmov v23;
	v28 =	vmov v22;
	s11 =	rddreg [dreg:$0x16]  }
.LBB2_37:
0x27e: {  	_ =	sfence.sel $0x180000  }
0x27f: {  	[bflag:$0x0] =	sbarrier.arrive $0xFFFF  }
0x280: {  	_ =	strace $0x90000047  }
0x281: {  	s0 =	stileid.u32;
	[bflag:$0x2] =	sbarrier.arrive $0xFFFF  }
0x282: {  	p0 =	sne.s32 s0, $0x0;
	s0 =	rddreg [dreg:$0x4]  }
0x283: {  	s0 =	sadd.s32 @!p0 $0x100000, s0  }
0x284: {  	[sflag:s0] =	ssyncadd.tile.s32 @!p0 $0x1;
	_ =	shalt  }
.Lfunc_end2:
_tile_overlayer_lowered:
.L_overlay_start_2:
0x285: {  	(tag) =	ssettag $0x2  }
0x286: {  	s0 =	rddreg [dreg:$0x0];
	s2 =	stileid.u32  }
0x287: {  	s1 =	rddreg [dreg:$0x1];
	p0 =	sne.s32 s2, $0x0  }
0x288: {  	s3 =	rddreg [dreg:$0x2];
	[bflag:$0x3] =	sbarrier.arrive $0xFFFF;
	s2 =	simm.s32 @!p0 $0x1C01  }
0x289: {  	[timem:s3], [sflag:s2] =	dma.local @!p0 [hbm:s0], s1  }
0x28a: {  	s0 =	simm.s32 @!p0 $0x1  }
0x28b: {  	_ =	swait.ge @!p0 [sflag:s0], s1  }
0x28c: {  	s1 =	ssub.s32 @!p0 $0x0, s1;
	[sflag:s0] =	ssyncset.done @!p0 $0x0  }
0x28d: {  	[sflag:s0] =	ssyncadd.s32 @!p0 s1  }
0x28e: {  	[bflag:$0x3] =	sbarrier.arrive $0xFFFF  }
0x28f: {  	_ =	shalt  }

</sc_bundles>
